<compile_context>
chip_gen: v7x
topology: tpu7x:2x2x1
jax: 0.10.2.dev20260603
libtpu: 0.0.44.dev20260713+nightly
codegen_flags: <defaults>
</compile_context>

<pallas_src>
import functools

import jax
import jax.numpy as jnp
import numpy as np
from jax import lax
from jax.experimental import pallas as pl
from jax.experimental.pallas import tpu as pltpu
from jax.experimental.pallas import tpu_sc as plsc

H_BLK = 16
SC_NC = 2
SC_NS = 16
SC_CHUNK = 128


def _mm_t(x, w):
    return jax.lax.dot_general(x, w, (((1,), (1,)), ((), ())),
                               preferred_element_type=jnp.float32)


def _lane_cumsum(x):
    r, n = x.shape
    s = 1
    while s < n:
        shifted = jnp.concatenate(
            [jnp.zeros((r, s), dtype=x.dtype), x[:, : n - s]], axis=1)
        x = x + shifted
        s *= 2
    return x


def _leaky(x):
    return jnp.where(x >= 0, x, 0.01 * x)


def _stage_a(cls_ref, feats_ref, wh_ref, bh_ref, wt_ref, bt_ref,
             eh_ref, et_ref, idx_ref, val_ref, *, k):
    cls = cls_ref[0]
    feats = feats_ref[0]
    h_dim, d = cls.shape
    t_dim = feats.shape[0]
    scale = d ** (-0.5)

    e_h = _mm_t(cls, wh_ref[...]) + bh_ref[...]
    e_t_cls = _mm_t(cls, wt_ref[...]) + bt_ref[...]
    e_t_feats = _mm_t(feats, wt_ref[...]) + bt_ref[...]
    eh_ref[0] = e_h
    def pack_bf16(x):
        bits = jax.lax.bitcast_convert_type(x, jnp.int32)
        rnd = bits + jnp.int32(0x7FFF) + (
            jax.lax.shift_right_logical(bits, 16) & jnp.int32(1))
        left = rnd[:, : d // 2]
        right = rnd[:, d // 2:]
        lo = jax.lax.shift_right_logical(left, 16)
        hi = right & jnp.int32(np.int32(np.uint32(0xFFFF0000)))
        return hi | lo
    et_ref[0, pl.ds(0, h_dim), :] = pack_bf16(e_t_cls)
    et_ref[0, pl.ds(h_dim, t_dim), :] = pack_bf16(e_t_feats)

    e_hs = e_h * scale
    attn = jnp.concatenate(
        [_mm_t(e_hs, e_t_cls), _mm_t(e_hs, e_t_feats)], axis=1)

    bits = jax.lax.bitcast_convert_type(attn, jnp.int32)
    key = jnp.where(bits < 0, bits ^ jnp.int32(0x7FFFFFFF), bits)
    sflip = jnp.int32(np.int32(np.uint32(0x80000000)))
    tu = jnp.zeros((h_dim, 1), jnp.int32)
    for b in range(31, -1, -1):
        cand = tu | jnp.int32(np.int32(np.uint32(1 << b)))
        cnt = jnp.sum((key >= (cand ^ sflip)).astype(jnp.int32),
                      axis=1, keepdims=True)
        tu = jnp.where(cnt >= k, cand, tu)
    kth = tu ^ sflip
    greater = (key > kth).astype(jnp.int32)
    equal = (key == kth).astype(jnp.int32)
    need_eq = k - jnp.sum(greater, axis=1, keepdims=True)
    eq_rank = _lane_cumsum(equal) - equal
    sel = greater | (equal & (eq_rank < need_eq).astype(jnp.int32))
    rank = _lane_cumsum(sel) - sel

    n_cols = attn.shape[1]
    col3 = jax.lax.broadcasted_iota(jnp.int32, (1, 1, n_cols), 2)
    slot3 = jax.lax.broadcasted_iota(jnp.int32, (1, k, 1), 1)
    ch = 16
    for h0 in range(0, h_dim, ch):
        sel3 = sel[h0:h0 + ch][:, None, :]
        rank3 = rank[h0:h0 + ch][:, None, :]
        mask3 = jnp.logical_and(rank3 == slot3, sel3 > 0)
        idx_ref[0, pl.ds(h0, ch), :] = jnp.sum(
            jnp.where(mask3, col3, 0), axis=2)
        val_ref[0, pl.ds(h0, ch), :] = jnp.sum(
            jnp.where(mask3, attn[h0:h0 + ch][:, None, :], 0.0), axis=2)


def _sc_gather(idx_hbm, table_hbm, nb_hbm, idx_v, rows_v, sem, *, ipw, chunk):
    wid = lax.axis_index("s") * SC_NC + lax.axis_index("c")
    base = wid * ipw
    pltpu.sync_copy(idx_hbm.at[pl.ds(base, ipw)], idx_v)

    def g_body(c, carry):
        pltpu.async_copy(table_hbm.at[idx_v.at[pl.ds(c * chunk, chunk)]],
                         rows_v, sem).wait()
        pltpu.sync_copy(rows_v, nb_hbm.at[pl.ds(base + c * chunk, chunk)])
        return carry
    lax.fori_loop(0, ipw // chunk, g_body, 0)


def _stage_c(cls_ref, eh_ref, val_ref, nb_ref, w1_ref, b1_ref, w2_ref, b2_ref,
             gamma_ref, beta_ref, out_ref, enh_ref, *, k, n_blk):
    blk = pl.program_id(1)
    h_dim, d = cls_ref.shape[1:]
    scale = d ** (-0.5)

    h0 = blk * H_BLK
    packed = nb_ref[0, 0]
    lo_f = jax.lax.bitcast_convert_type(
        jax.lax.shift_left(packed, 16), jnp.float32)
    hi_f = jax.lax.bitcast_convert_type(
        packed & jnp.int32(np.int32(np.uint32(0xFFFF0000))),
        jnp.float32)
    nb3 = jnp.concatenate([lo_f, hi_f], axis=1).reshape(H_BLK, k, d)
    e_h_blk = eh_ref[0, pl.ds(h0, H_BLK), :]
    sel_logit = val_ref[0, pl.ds(h0, H_BLK), :][:, :, None]
    m = jnp.max(sel_logit, axis=1, keepdims=True)
    ex = jnp.exp(sel_logit - m)
    pk = ex / jnp.sum(ex, axis=1, keepdims=True)

    arg = (2.0 - pk) * e_h_blk[:, None, :] + pk * nb3
    gate = jnp.tanh(arg)
    kaw = jnp.sum(nb3 * gate, axis=2, keepdims=True)
    km = jnp.max(kaw, axis=1, keepdims=True)
    kex = jnp.exp(kaw - km)
    ka_prob = kex / jnp.sum(kex, axis=1, keepdims=True)
    e_nh = jnp.sum(ka_prob * nb3, axis=1)
    enh_ref[pl.ds(h0, H_BLK), :] = e_nh

    @pl.when(blk == n_blk - 1)
    def _tail():
        cls = cls_ref[0]
        e_h = eh_ref[0]
        e_nh_all = enh_ref[...]
        sum_in = (e_h + e_nh_all) * 0.1 + cls
        bi_in = e_h * e_nh_all * 0.1 + cls
        s_emb = _leaky(_mm_t(sum_in, w1_ref[...]) + b1_ref[...])
        b_emb = _leaky(_mm_t(bi_in, w2_ref[...]) + b2_ref[...])
        emb = s_emb + b_emb
        mu = jnp.mean(emb, axis=-1, keepdims=True)
        var = jnp.mean((emb - mu) ** 2, axis=-1, keepdims=True)
        out = (emb - mu) / jnp.sqrt(var + 1e-5) * gamma_ref[...] + beta_ref[...]
        out_ref[0] = out


@jax.jit
def kernel(cls_tokens, feats, Wh, bh, Wt, bt, W1, b1, W2, b2, gamma, beta):
    b_dim, h_dim, d = cls_tokens.shape
    t_dim = feats.shape[1]
    n = h_dim + t_dim
    k = max(1, min(t_dim, int(0.5 * max(1, h_dim))))

    row = lambda v: v.reshape(1, d)
    full = lambda shape: pl.BlockSpec(shape, lambda *g: (0,) * len(shape))

    n_blk = h_dim // H_BLK
    n_rows = h_dim * k
    ipw = n_rows // (SC_NC * SC_NS)
    mesh = plsc.VectorSubcoreMesh(core_axis_name="c", subcore_axis_name="s")

    stage_a = pl.pallas_call(
        functools.partial(_stage_a, k=k),
        grid=(1,),
        in_specs=[
            pl.BlockSpec((1, h_dim, d), lambda b: (b, 0, 0)),
            pl.BlockSpec((1, t_dim, d), lambda b: (b, 0, 0)),
            full((d, d)), full((1, d)),
            full((d, d)), full((1, d)),
        ],
        out_specs=[
            pl.BlockSpec((1, h_dim, d), lambda b: (b, 0, 0)),
            pl.BlockSpec((1, n, d // 2), lambda b: (b, 0, 0)),
            pl.BlockSpec((1, h_dim, k), lambda b: (b, 0, 0)),
            pl.BlockSpec((1, h_dim, k), lambda b: (b, 0, 0)),
        ],
        out_shape=[
            jax.ShapeDtypeStruct((1, h_dim, d), jnp.float32),
            jax.ShapeDtypeStruct((1, n, d // 2), jnp.int32),
            jax.ShapeDtypeStruct((1, h_dim, k), jnp.int32),
            jax.ShapeDtypeStruct((1, h_dim, k), jnp.float32),
        ],
    )

    sc_gather = pl.kernel(
        functools.partial(_sc_gather, ipw=ipw, chunk=SC_CHUNK),
        mesh=mesh,
        out_type=jax.ShapeDtypeStruct((n_rows, d // 2), jnp.int32),
        scratch_types=[
            pltpu.VMEM((ipw,), jnp.int32),
            pltpu.VMEM((SC_CHUNK, d // 2), jnp.int32),
            pltpu.SemaphoreType.DMA,
        ],
    )

    stage_c = pl.pallas_call(
        functools.partial(_stage_c, k=k, n_blk=n_blk),
        grid=(1, n_blk),
        in_specs=[
            pl.BlockSpec((1, h_dim, d), lambda b, j: (b, 0, 0)),
            pl.BlockSpec((1, h_dim, d), lambda b, j: (b, 0, 0)),
            pl.BlockSpec((1, h_dim, k), lambda b, j: (b, 0, 0)),
            pl.BlockSpec((1, 1, H_BLK * k, d // 2), lambda b, j: (b, j, 0, 0)),
            full((d, d)), full((1, d)),
            full((d, d)), full((1, d)),
            full((1, d)), full((1, d)),
        ],
        out_specs=pl.BlockSpec((1, h_dim, d), lambda b, j: (b, 0, 0)),
        out_shape=jax.ShapeDtypeStruct((1, h_dim, d), jnp.float32),
        scratch_shapes=[
            pltpu.VMEM((h_dim, d), jnp.float32),
        ],
    )

    outs = []
    for b in range(b_dim):
        eh_b, et_b, idx_b, val_b = stage_a(
            cls_tokens[b:b + 1], feats[b:b + 1], Wh, row(bh), Wt, row(bt))
        nb_b = sc_gather(idx_b.reshape(n_rows), et_b.reshape(n, d // 2))
        outs.append(stage_c(
            cls_tokens[b:b + 1], eh_b, val_b,
            nb_b.reshape(1, n_blk, H_BLK * k, d // 2),
            W1, row(b1), W2, row(b2), row(gamma), row(beta)))
    return jnp.concatenate(outs, axis=0)

# --- scband reference (transcript-rebuilt; emitter-appended) ---
"""Pipeline reference for scband-graph-cross-alignment-88708254531632 (READ-ONLY COPY).

The authoritative reference and input builder live on the scoring server;
editing this copy changes nothing except your own understanding.
"""

import jax, jax.numpy as jnp
import numpy as np

D = 768

def _linear(x, W, b):
    return x @ W.T + b

def _layernorm(x, gamma, beta, eps=1e-5):
    mu = jnp.mean(x, axis=-1, keepdims=True)
    var = jnp.mean((x - mu) ** 2, axis=-1, keepdims=True)
    return (x - mu) / jnp.sqrt(var + eps) * gamma + beta

def setup_inputs(seed: int = 0) -> dict:
    key = jax.random.key(seed)
    ks = jax.random.split(key, 12)
    cls_tokens = jax.random.normal(ks[0], (4, 128, D), dtype=jnp.float32)
    feats = jax.random.normal(ks[1], (4, 1024, D), dtype=jnp.float32)
    Wh = 0.02 * jax.random.normal(ks[2], (D, D), dtype=jnp.float32)
    bh = jnp.zeros((D,), dtype=jnp.float32)
    Wt = 0.02 * jax.random.normal(ks[3], (D, D), dtype=jnp.float32)
    bt = jnp.zeros((D,), dtype=jnp.float32)
    W1 = 0.02 * jax.random.normal(ks[4], (D, D), dtype=jnp.float32)
    b1 = jnp.zeros((D,), dtype=jnp.float32)
    W2 = 0.02 * jax.random.normal(ks[5], (D, D), dtype=jnp.float32)
    b2 = jnp.zeros((D,), dtype=jnp.float32)
    gamma = jnp.ones((D,), dtype=jnp.float32)
    beta = jnp.zeros((D,), dtype=jnp.float32)
    return {"cls_tokens": cls_tokens, "feats": feats, "Wh": Wh, "bh": bh,
            "Wt": Wt, "bt": bt, "W1": W1, "b1": b1, "W2": W2, "b2": b2,
            "gamma": gamma, "beta": beta}

def reference(cls_tokens, feats, Wh, bh, Wt, bt, W1, b1, W2, b2, gamma, beta):
    B, H, d = cls_tokens.shape
    T = feats.shape[1]
    tok_ratio = 0.5
    k = max(1, min(T, int(tok_ratio * max(1, H))))
    scale = d ** (-0.5)
    x = jnp.concatenate([cls_tokens, jax.lax.stop_gradient(feats)], axis=1)
    e_h = _linear(cls_tokens, Wh, bh)
    e_t = _linear(x, Wt, bt)
    attn_logit = (e_h * scale) @ jnp.swapaxes(e_t, -2, -1)
    weight_topk, index_topk = jax.lax.top_k(attn_logit, k)
    batch_idx = jnp.arange(B).reshape(B, 1, 1)
    Nb_h = e_t[batch_idx, index_topk, :]
    topk_prob = jax.nn.softmax(weight_topk, axis=2)
    eh_r = jnp.matmul((1.0 - topk_prob)[..., None], e_h[:, :, None, :]) + topk_prob[..., None] * Nb_h
    e_h_expand = jnp.broadcast_to(e_h[:, :, None, :], (B, H, k, d))
    gate = jnp.tanh(e_h_expand + eh_r)
    ka_weight = jnp.einsum('bhkd,bhkd->bhk', Nb_h, gate)
    ka_prob = jax.nn.softmax(ka_weight, axis=2)[:, :, None, :]
    e_Nh = jnp.squeeze(jnp.matmul(ka_prob, Nb_h), axis=2)
    sum_embedding = jax.nn.leaky_relu(_linear((e_h + e_Nh) * 0.1 + cls_tokens, W1, b1), negative_slope=0.01)
    bi_embedding = jax.nn.leaky_relu(_linear(e_h * e_Nh * 0.1 + cls_tokens, W2, b2), negative_slope=0.01)
    embedding = sum_embedding + bi_embedding
    return _layernorm(embedding, gamma, beta)

if __name__ == "__main__":
    import jax
    _d = setup_inputs()
    print(jax.jit(kernel)(*tuple(_d.values())))

</pallas_src>

<mosaic_0001>
#map = affine_map<(d0, d1) -> (0)>
#map1 = affine_map<(d0, d1) -> (0, 0)>
module attributes {stable_mosaic.version = 14 : i64} {
  func.func @_sc_gather(%arg0: i32, %arg1: i32, %arg2: memref<8192xi32, #tpu.memory_space<hbm>>, %arg3: memref<1152x384xi32, #tpu.memory_space<hbm>>, %arg4: memref<8192x384xi32, #tpu.memory_space<hbm>>, %arg5: memref<256xi32, #tpu.memory_space<vmem>>, %arg6: memref<128x384xi32, #tpu.memory_space<vmem>>, %arg7: memref<!tpu.dma_semaphore, #tpu.memory_space<semaphore_mem>>) attributes {dimension_semantics = [#tpu.dimension_semantics<core_parallel>, #tpu.dimension_semantics<subcore_parallel>], iteration_bounds = array<i64: 2, 16>, scalar_prefetch = 0 : i64, scratch_operands = 3 : i64, tpu.core_type = #tpu.core_type<sc_vector_subcore>, window_params = [{transform_indices = #map}, {transform_indices = #map1}, {transform_indices = #map1}]} {
    %mul3A = arith.constant 2 : i32
    %mul3A_0 = arith.muli %arg1, %mul3A : i32
    %add3A = arith.addi %mul3A_0, %arg0 : i32
    %mul3A_1 = arith.constant 256 : i32
    %mul3A_2 = arith.muli %add3A, %mul3A_1 : i32
    "tpu.region"() ({
      %run_scoped3A = tpu.sem_alloc : memref<!tpu.dma_semaphore, #tpu.memory_space<semaphore_mem>>
      %dma_start3A = tpu.memref_slice %arg2[%mul3A_2] : memref<8192xi32, #tpu.memory_space<hbm>> -> memref<256xi32, #tpu.memory_space<hbm>>
      %dma_start3A_8 = tpu.memref_slice %arg2[%mul3A_2] : memref<8192xi32, #tpu.memory_space<hbm>> -> memref<256xi32, #tpu.memory_space<hbm>>
      tpu.enqueue_dma source(%dma_start3A_8 : memref<256xi32, #tpu.memory_space<hbm>>) target(%arg5 : memref<256xi32, #tpu.memory_space<vmem>>) target_semaphore(%run_scoped3A : memref<!tpu.dma_semaphore, #tpu.memory_space<semaphore_mem>>)
      %dma_wait3A = tpu.memref_slice %arg2[%mul3A_2] : memref<8192xi32, #tpu.memory_space<hbm>> -> memref<256xi32, #tpu.memory_space<hbm>>
      %dma_wait3A_9 = tpu.memref_slice %arg2[%mul3A_2] : memref<8192xi32, #tpu.memory_space<hbm>> -> memref<256xi32, #tpu.memory_space<hbm>>
      tpu.wait_dma2 semaphore(%run_scoped3A : memref<!tpu.dma_semaphore, #tpu.memory_space<semaphore_mem>>) src(%dma_wait3A_9 : memref<256xi32, #tpu.memory_space<hbm>>) dst(%arg5 : memref<256xi32, #tpu.memory_space<vmem>>)
      tpu.yield
    }) : () -> ()
    %scan3A = arith.constant 0 : i32
    %scan3A_3 = arith.constant 0 : i32
    %scan3A_4 = arith.constant 2 : i32
    %scan3A_5 = arith.addi %scan3A_3, %scan3A_4 : i32
    %scan3A_6 = arith.constant 1 : i32
    scf.for %scan3A_8 = %scan3A_3 to %scan3A_5 step %scan3A_6  : i32 {
      %mul3A_9 = arith.constant 128 : i32
      %mul3A_10 = arith.muli %scan3A_8, %mul3A_9 : i32
      %dma_start3A = tpu.memref_slice %arg5[%mul3A_10] : memref<256xi32, #tpu.memory_space<vmem>> -> memref<128xi32, #tpu.memory_space<vmem>>
      %dma_start3A_11 = arith.constant 0 : i32
      %dma_start3A_12 = arith.constant 0 : i32
      %dma_start3A_13 = tpu.memref_slice %arg3[%dma_start3A_11, %dma_start3A_12] : memref<1152x384xi32, #tpu.memory_space<hbm>> -> memref<1152x384xi32, #tpu.memory_space<hbm>>
      tpu.enqueue_indirect_dma source(%dma_start3A_13 : memref<1152x384xi32, #tpu.memory_space<hbm>>) target(%arg6 : memref<128x384xi32, #tpu.memory_space<vmem>>) offsets(%dma_start3A : memref<128xi32, #tpu.memory_space<vmem>>) semaphore(%arg7 : memref<!tpu.dma_semaphore, #tpu.memory_space<semaphore_mem>>)
      %dma_wait3A = tpu.memref_slice %arg5[%mul3A_10] : memref<256xi32, #tpu.memory_space<vmem>> -> memref<128xi32, #tpu.memory_space<vmem>>
      %dma_wait3A_14 = arith.constant 0 : i32
      %dma_wait3A_15 = arith.constant 0 : i32
      %dma_wait3A_16 = tpu.memref_slice %arg3[%dma_wait3A_14, %dma_wait3A_15] : memref<1152x384xi32, #tpu.memory_space<hbm>> -> memref<1152x384xi32, #tpu.memory_space<hbm>>
      tpu.wait_indirect_dma semaphore(%arg7 : memref<!tpu.dma_semaphore, #tpu.memory_space<semaphore_mem>>) src(%dma_wait3A_16 : memref<1152x384xi32, #tpu.memory_space<hbm>>) dst(%arg6 : memref<128x384xi32, #tpu.memory_space<vmem>>)
      %mul3A_17 = arith.constant 128 : i32
      %mul3A_18 = arith.muli %scan3A_8, %mul3A_17 : i32
      %add3A_19 = arith.addi %mul3A_2, %mul3A_18 : i32
      "tpu.region"() ({
        %run_scoped3A = tpu.sem_alloc : memref<!tpu.dma_semaphore, #tpu.memory_space<semaphore_mem>>
        %dma_start3A_20 = arith.constant 0 : i32
        %dma_start3A_21 = tpu.memref_slice %arg4[%add3A_19, %dma_start3A_20] : memref<8192x384xi32, #tpu.memory_space<hbm>> -> memref<128x384xi32, #tpu.memory_space<hbm>>
        %dma_start3A_22 = arith.constant 0 : i32
        %dma_start3A_23 = tpu.memref_slice %arg4[%add3A_19, %dma_start3A_22] : memref<8192x384xi32, #tpu.memory_space<hbm>> -> memref<128x384xi32, #tpu.memory_space<hbm>>
        tpu.enqueue_dma source(%arg6 : memref<128x384xi32, #tpu.memory_space<vmem>>) target(%dma_start3A_23 : memref<128x384xi32, #tpu.memory_space<hbm>>) target_semaphore(%run_scoped3A : memref<!tpu.dma_semaphore, #tpu.memory_space<semaphore_mem>>)
        %dma_wait3A_24 = arith.constant 0 : i32
        %dma_wait3A_25 = tpu.memref_slice %arg4[%add3A_19, %dma_wait3A_24] : memref<8192x384xi32, #tpu.memory_space<hbm>> -> memref<128x384xi32, #tpu.memory_space<hbm>>
        %dma_wait3A_26 = arith.constant 0 : i32
        %dma_wait3A_27 = tpu.memref_slice %arg4[%add3A_19, %dma_wait3A_26] : memref<8192x384xi32, #tpu.memory_space<hbm>> -> memref<128x384xi32, #tpu.memory_space<hbm>>
        tpu.wait_dma2 semaphore(%run_scoped3A : memref<!tpu.dma_semaphore, #tpu.memory_space<semaphore_mem>>) src(%arg6 : memref<128x384xi32, #tpu.memory_space<vmem>>) dst(%dma_wait3A_27 : memref<128x384xi32, #tpu.memory_space<hbm>>)
        tpu.yield
      }) : () -> ()
    }
    %scan3A_7 = arith.constant 2 : i32
    return
  }
}

#map = affine_map<(d0, d1) -> (0)>
#map1 = affine_map<(d0, d1) -> (0, 0)>
module attributes {stable_mosaic.version = 14 : i64} {
  func.func @_sc_gather(%arg0: i32, %arg1: i32, %arg2: memref<8192xi32, #tpu.memory_space<hbm>>, %arg3: memref<1152x384xi32, #tpu.memory_space<hbm>>, %arg4: memref<8192x384xi32, #tpu.memory_space<hbm>>, %arg5: memref<256xi32, #tpu.memory_space<vmem>>, %arg6: memref<128x384xi32, #tpu.memory_space<vmem>>, %arg7: memref<!tpu.dma_semaphore, #tpu.memory_space<semaphore_mem>>) attributes {dimension_semantics = [#tpu.dimension_semantics<core_parallel>, #tpu.dimension_semantics<subcore_parallel>], iteration_bounds = array<i64: 2, 16>, scalar_prefetch = 0 : i64, scratch_operands = 3 : i64, tpu.core_type = #tpu.core_type<sc_vector_subcore>, window_params = [{transform_indices = #map}, {transform_indices = #map1}, {transform_indices = #map1}]} {
    %mul3A = arith.constant 2 : i32
    %mul3A_0 = arith.muli %arg1, %mul3A : i32
    %add3A = arith.addi %mul3A_0, %arg0 : i32
    %mul3A_1 = arith.constant 256 : i32
    %mul3A_2 = arith.muli %add3A, %mul3A_1 : i32
    "tpu.region"() ({
      %run_scoped3A = tpu.sem_alloc : memref<!tpu.dma_semaphore, #tpu.memory_space<semaphore_mem>>
      %dma_start3A = tpu.memref_slice %arg2[%mul3A_2] : memref<8192xi32, #tpu.memory_space<hbm>> -> memref<256xi32, #tpu.memory_space<hbm>>
      %dma_start3A_8 = tpu.memref_slice %arg2[%mul3A_2] : memref<8192xi32, #tpu.memory_space<hbm>> -> memref<256xi32, #tpu.memory_space<hbm>>
      tpu.enqueue_dma source(%dma_start3A_8 : memref<256xi32, #tpu.memory_space<hbm>>) target(%arg5 : memref<256xi32, #tpu.memory_space<vmem>>) target_semaphore(%run_scoped3A : memref<!tpu.dma_semaphore, #tpu.memory_space<semaphore_mem>>)
      %dma_wait3A = tpu.memref_slice %arg2[%mul3A_2] : memref<8192xi32, #tpu.memory_space<hbm>> -> memref<256xi32, #tpu.memory_space<hbm>>
      %dma_wait3A_9 = tpu.memref_slice %arg2[%mul3A_2] : memref<8192xi32, #tpu.memory_space<hbm>> -> memref<256xi32, #tpu.memory_space<hbm>>
      tpu.wait_dma2 semaphore(%run_scoped3A : memref<!tpu.dma_semaphore, #tpu.memory_space<semaphore_mem>>) src(%dma_wait3A_9 : memref<256xi32, #tpu.memory_space<hbm>>) dst(%arg5 : memref<256xi32, #tpu.memory_space<vmem>>)
      tpu.yield
    }) : () -> ()
    %scan3A = arith.constant 0 : i32
    %scan3A_3 = arith.constant 0 : i32
    %scan3A_4 = arith.constant 2 : i32
    %scan3A_5 = arith.addi %scan3A_3, %scan3A_4 : i32
    %scan3A_6 = arith.constant 1 : i32
    scf.for %scan3A_8 = %scan3A_3 to %scan3A_5 step %scan3A_6  : i32 {
      %mul3A_9 = arith.constant 128 : i32
      %mul3A_10 = arith.muli %scan3A_8, %mul3A_9 : i32
      %dma_start3A = tpu.memref_slice %arg5[%mul3A_10] : memref<256xi32, #tpu.memory_space<vmem>> -> memref<128xi32, #tpu.memory_space<vmem>>
      %dma_start3A_11 = arith.constant 0 : i32
      %dma_start3A_12 = arith.constant 0 : i32
      %dma_start3A_13 = tpu.memref_slice %arg3[%dma_start3A_11, %dma_start3A_12] : memref<1152x384xi32, #tpu.memory_space<hbm>> -> memref<1152x384xi32, #tpu.memory_space<hbm>>
      tpu.enqueue_indirect_dma source(%dma_start3A_13 : memref<1152x384xi32, #tpu.memory_space<hbm>>) target(%arg6 : memref<128x384xi32, #tpu.memory_space<vmem>>) offsets(%dma_start3A : memref<128xi32, #tpu.memory_space<vmem>>) semaphore(%arg7 : memref<!tpu.dma_semaphore, #tpu.memory_space<semaphore_mem>>)
      %dma_wait3A = tpu.memref_slice %arg5[%mul3A_10] : memref<256xi32, #tpu.memory_space<vmem>> -> memref<128xi32, #tpu.memory_space<vmem>>
      %dma_wait3A_14 = arith.constant 0 : i32
      %dma_wait3A_15 = arith.constant 0 : i32
      %dma_wait3A_16 = tpu.memref_slice %arg3[%dma_wait3A_14, %dma_wait3A_15] : memref<1152x384xi32, #tpu.memory_space<hbm>> -> memref<1152x384xi32, #tpu.memory_space<hbm>>
      tpu.wait_indirect_dma semaphore(%arg7 : memref<!tpu.dma_semaphore, #tpu.memory_space<semaphore_mem>>) src(%dma_wait3A_16 : memref<1152x384xi32, #tpu.memory_space<hbm>>) dst(%arg6 : memref<128x384xi32, #tpu.memory_space<vmem>>)
      %mul3A_17 = arith.constant 128 : i32
      %mul3A_18 = arith.muli %scan3A_8, %mul3A_17 : i32
      %add3A_19 = arith.addi %mul3A_2, %mul3A_18 : i32
      "tpu.region"() ({
        %run_scoped3A = tpu.sem_alloc : memref<!tpu.dma_semaphore, #tpu.memory_space<semaphore_mem>>
        %dma_start3A_20 = arith.constant 0 : i32
        %dma_start3A_21 = tpu.memref_slice %arg4[%add3A_19, %dma_start3A_20] : memref<8192x384xi32, #tpu.memory_space<hbm>> -> memref<128x384xi32, #tpu.memory_space<hbm>>
        %dma_start3A_22 = arith.constant 0 : i32
        %dma_start3A_23 = tpu.memref_slice %arg4[%add3A_19, %dma_start3A_22] : memref<8192x384xi32, #tpu.memory_space<hbm>> -> memref<128x384xi32, #tpu.memory_space<hbm>>
        tpu.enqueue_dma source(%arg6 : memref<128x384xi32, #tpu.memory_space<vmem>>) target(%dma_start3A_23 : memref<128x384xi32, #tpu.memory_space<hbm>>) target_semaphore(%run_scoped3A : memref<!tpu.dma_semaphore, #tpu.memory_space<semaphore_mem>>)
        %dma_wait3A_24 = arith.constant 0 : i32
        %dma_wait3A_25 = tpu.memref_slice %arg4[%add3A_19, %dma_wait3A_24] : memref<8192x384xi32, #tpu.memory_space<hbm>> -> memref<128x384xi32, #tpu.memory_space<hbm>>
        %dma_wait3A_26 = arith.constant 0 : i32
        %dma_wait3A_27 = tpu.memref_slice %arg4[%add3A_19, %dma_wait3A_26] : memref<8192x384xi32, #tpu.memory_space<hbm>> -> memref<128x384xi32, #tpu.memory_space<hbm>>
        tpu.wait_dma2 semaphore(%run_scoped3A : memref<!tpu.dma_semaphore, #tpu.memory_space<semaphore_mem>>) src(%arg6 : memref<128x384xi32, #tpu.memory_space<vmem>>) dst(%dma_wait3A_27 : memref<128x384xi32, #tpu.memory_space<hbm>>)
        tpu.yield
      }) : () -> ()
    }
    %scan3A_7 = arith.constant 2 : i32
    return
  }
}

#map = affine_map<(d0, d1) -> (0)>
#map1 = affine_map<(d0, d1) -> (0, 0)>
module attributes {stable_mosaic.version = 14 : i64} {
  func.func @_sc_gather(%arg0: i32, %arg1: i32, %arg2: memref<8192xi32, #tpu.memory_space<hbm>>, %arg3: memref<1152x384xi32, #tpu.memory_space<hbm>>, %arg4: memref<8192x384xi32, #tpu.memory_space<hbm>>, %arg5: memref<256xi32, #tpu.memory_space<vmem>>, %arg6: memref<128x384xi32, #tpu.memory_space<vmem>>, %arg7: memref<!tpu.dma_semaphore, #tpu.memory_space<semaphore_mem>>) attributes {dimension_semantics = [#tpu.dimension_semantics<core_parallel>, #tpu.dimension_semantics<subcore_parallel>], iteration_bounds = array<i64: 2, 16>, scalar_prefetch = 0 : i64, scratch_operands = 3 : i64, tpu.core_type = #tpu.core_type<sc_vector_subcore>, window_params = [{transform_indices = #map}, {transform_indices = #map1}, {transform_indices = #map1}]} {
    %mul3A = arith.constant 2 : i32
    %mul3A_0 = arith.muli %arg1, %mul3A : i32
    %add3A = arith.addi %mul3A_0, %arg0 : i32
    %mul3A_1 = arith.constant 256 : i32
    %mul3A_2 = arith.muli %add3A, %mul3A_1 : i32
    "tpu.region"() ({
      %run_scoped3A = tpu.sem_alloc : memref<!tpu.dma_semaphore, #tpu.memory_space<semaphore_mem>>
      %dma_start3A = tpu.memref_slice %arg2[%mul3A_2] : memref<8192xi32, #tpu.memory_space<hbm>> -> memref<256xi32, #tpu.memory_space<hbm>>
      %dma_start3A_8 = tpu.memref_slice %arg2[%mul3A_2] : memref<8192xi32, #tpu.memory_space<hbm>> -> memref<256xi32, #tpu.memory_space<hbm>>
      tpu.enqueue_dma source(%dma_start3A_8 : memref<256xi32, #tpu.memory_space<hbm>>) target(%arg5 : memref<256xi32, #tpu.memory_space<vmem>>) target_semaphore(%run_scoped3A : memref<!tpu.dma_semaphore, #tpu.memory_space<semaphore_mem>>)
      %dma_wait3A = tpu.memref_slice %arg2[%mul3A_2] : memref<8192xi32, #tpu.memory_space<hbm>> -> memref<256xi32, #tpu.memory_space<hbm>>
      %dma_wait3A_9 = tpu.memref_slice %arg2[%mul3A_2] : memref<8192xi32, #tpu.memory_space<hbm>> -> memref<256xi32, #tpu.memory_space<hbm>>
      tpu.wait_dma2 semaphore(%run_scoped3A : memref<!tpu.dma_semaphore, #tpu.memory_space<semaphore_mem>>) src(%dma_wait3A_9 : memref<256xi32, #tpu.memory_space<hbm>>) dst(%arg5 : memref<256xi32, #tpu.memory_space<vmem>>)
      tpu.yield
    }) : () -> ()
    %scan3A = arith.constant 0 : i32
    %scan3A_3 = arith.constant 0 : i32
    %scan3A_4 = arith.constant 2 : i32
    %scan3A_5 = arith.addi %scan3A_3, %scan3A_4 : i32
    %scan3A_6 = arith.constant 1 : i32
    scf.for %scan3A_8 = %scan3A_3 to %scan3A_5 step %scan3A_6  : i32 {
      %mul3A_9 = arith.constant 128 : i32
      %mul3A_10 = arith.muli %scan3A_8, %mul3A_9 : i32
      %dma_start3A = tpu.memref_slice %arg5[%mul3A_10] : memref<256xi32, #tpu.memory_space<vmem>> -> memref<128xi32, #tpu.memory_space<vmem>>
      %dma_start3A_11 = arith.constant 0 : i32
      %dma_start3A_12 = arith.constant 0 : i32
      %dma_start3A_13 = tpu.memref_slice %arg3[%dma_start3A_11, %dma_start3A_12] : memref<1152x384xi32, #tpu.memory_space<hbm>> -> memref<1152x384xi32, #tpu.memory_space<hbm>>
      tpu.enqueue_indirect_dma source(%dma_start3A_13 : memref<1152x384xi32, #tpu.memory_space<hbm>>) target(%arg6 : memref<128x384xi32, #tpu.memory_space<vmem>>) offsets(%dma_start3A : memref<128xi32, #tpu.memory_space<vmem>>) semaphore(%arg7 : memref<!tpu.dma_semaphore, #tpu.memory_space<semaphore_mem>>)
      %dma_wait3A = tpu.memref_slice %arg5[%mul3A_10] : memref<256xi32, #tpu.memory_space<vmem>> -> memref<128xi32, #tpu.memory_space<vmem>>
      %dma_wait3A_14 = arith.constant 0 : i32
      %dma_wait3A_15 = arith.constant 0 : i32
      %dma_wait3A_16 = tpu.memref_slice %arg3[%dma_wait3A_14, %dma_wait3A_15] : memref<1152x384xi32, #tpu.memory_space<hbm>> -> memref<1152x384xi32, #tpu.memory_space<hbm>>
      tpu.wait_indirect_dma semaphore(%arg7 : memref<!tpu.dma_semaphore, #tpu.memory_space<semaphore_mem>>) src(%dma_wait3A_16 : memref<1152x384xi32, #tpu.memory_space<hbm>>) dst(%arg6 : memref<128x384xi32, #tpu.memory_space<vmem>>)
      %mul3A_17 = arith.constant 128 : i32
      %mul3A_18 = arith.muli %scan3A_8, %mul3A_17 : i32
      %add3A_19 = arith.addi %mul3A_2, %mul3A_18 : i32
      "tpu.region"() ({
        %run_scoped3A = tpu.sem_alloc : memref<!tpu.dma_semaphore, #tpu.memory_space<semaphore_mem>>
        %dma_start3A_20 = arith.constant 0 : i32
        %dma_start3A_21 = tpu.memref_slice %arg4[%add3A_19, %dma_start3A_20] : memref<8192x384xi32, #tpu.memory_space<hbm>> -> memref<128x384xi32, #tpu.memory_space<hbm>>
        %dma_start3A_22 = arith.constant 0 : i32
        %dma_start3A_23 = tpu.memref_slice %arg4[%add3A_19, %dma_start3A_22] : memref<8192x384xi32, #tpu.memory_space<hbm>> -> memref<128x384xi32, #tpu.memory_space<hbm>>
        tpu.enqueue_dma source(%arg6 : memref<128x384xi32, #tpu.memory_space<vmem>>) target(%dma_start3A_23 : memref<128x384xi32, #tpu.memory_space<hbm>>) target_semaphore(%run_scoped3A : memref<!tpu.dma_semaphore, #tpu.memory_space<semaphore_mem>>)
        %dma_wait3A_24 = arith.constant 0 : i32
        %dma_wait3A_25 = tpu.memref_slice %arg4[%add3A_19, %dma_wait3A_24] : memref<8192x384xi32, #tpu.memory_space<hbm>> -> memref<128x384xi32, #tpu.memory_space<hbm>>
        %dma_wait3A_26 = arith.constant 0 : i32
        %dma_wait3A_27 = tpu.memref_slice %arg4[%add3A_19, %dma_wait3A_26] : memref<8192x384xi32, #tpu.memory_space<hbm>> -> memref<128x384xi32, #tpu.memory_space<hbm>>
        tpu.wait_dma2 semaphore(%run_scoped3A : memref<!tpu.dma_semaphore, #tpu.memory_space<semaphore_mem>>) src(%arg6 : memref<128x384xi32, #tpu.memory_space<vmem>>) dst(%dma_wait3A_27 : memref<128x384xi32, #tpu.memory_space<hbm>>)
        tpu.yield
      }) : () -> ()
    }
    %scan3A_7 = arith.constant 2 : i32
    return
  }
}

#map = affine_map<(d0, d1) -> (0)>
#map1 = affine_map<(d0, d1) -> (0, 0)>
module attributes {stable_mosaic.version = 14 : i64} {
  func.func @_sc_gather(%arg0: i32, %arg1: i32, %arg2: memref<8192xi32, #tpu.memory_space<hbm>>, %arg3: memref<1152x384xi32, #tpu.memory_space<hbm>>, %arg4: memref<8192x384xi32, #tpu.memory_space<hbm>>, %arg5: memref<256xi32, #tpu.memory_space<vmem>>, %arg6: memref<128x384xi32, #tpu.memory_space<vmem>>, %arg7: memref<!tpu.dma_semaphore, #tpu.memory_space<semaphore_mem>>) attributes {dimension_semantics = [#tpu.dimension_semantics<core_parallel>, #tpu.dimension_semantics<subcore_parallel>], iteration_bounds = array<i64: 2, 16>, scalar_prefetch = 0 : i64, scratch_operands = 3 : i64, tpu.core_type = #tpu.core_type<sc_vector_subcore>, window_params = [{transform_indices = #map}, {transform_indices = #map1}, {transform_indices = #map1}]} {
    %mul3A = arith.constant 2 : i32
    %mul3A_0 = arith.muli %arg1, %mul3A : i32
    %add3A = arith.addi %mul3A_0, %arg0 : i32
    %mul3A_1 = arith.constant 256 : i32
    %mul3A_2 = arith.muli %add3A, %mul3A_1 : i32
    "tpu.region"() ({
      %run_scoped3A = tpu.sem_alloc : memref<!tpu.dma_semaphore, #tpu.memory_space<semaphore_mem>>
      %dma_start3A = tpu.memref_slice %arg2[%mul3A_2] : memref<8192xi32, #tpu.memory_space<hbm>> -> memref<256xi32, #tpu.memory_space<hbm>>
      %dma_start3A_8 = tpu.memref_slice %arg2[%mul3A_2] : memref<8192xi32, #tpu.memory_space<hbm>> -> memref<256xi32, #tpu.memory_space<hbm>>
      tpu.enqueue_dma source(%dma_start3A_8 : memref<256xi32, #tpu.memory_space<hbm>>) target(%arg5 : memref<256xi32, #tpu.memory_space<vmem>>) target_semaphore(%run_scoped3A : memref<!tpu.dma_semaphore, #tpu.memory_space<semaphore_mem>>)
      %dma_wait3A = tpu.memref_slice %arg2[%mul3A_2] : memref<8192xi32, #tpu.memory_space<hbm>> -> memref<256xi32, #tpu.memory_space<hbm>>
      %dma_wait3A_9 = tpu.memref_slice %arg2[%mul3A_2] : memref<8192xi32, #tpu.memory_space<hbm>> -> memref<256xi32, #tpu.memory_space<hbm>>
      tpu.wait_dma2 semaphore(%run_scoped3A : memref<!tpu.dma_semaphore, #tpu.memory_space<semaphore_mem>>) src(%dma_wait3A_9 : memref<256xi32, #tpu.memory_space<hbm>>) dst(%arg5 : memref<256xi32, #tpu.memory_space<vmem>>)
      tpu.yield
    }) : () -> ()
    %scan3A = arith.constant 0 : i32
    %scan3A_3 = arith.constant 0 : i32
    %scan3A_4 = arith.constant 2 : i32
    %scan3A_5 = arith.addi %scan3A_3, %scan3A_4 : i32
    %scan3A_6 = arith.constant 1 : i32
    scf.for %scan3A_8 = %scan3A_3 to %scan3A_5 step %scan3A_6  : i32 {
      %mul3A_9 = arith.constant 128 : i32
      %mul3A_10 = arith.muli %scan3A_8, %mul3A_9 : i32
      %dma_start3A = tpu.memref_slice %arg5[%mul3A_10] : memref<256xi32, #tpu.memory_space<vmem>> -> memref<128xi32, #tpu.memory_space<vmem>>
      %dma_start3A_11 = arith.constant 0 : i32
      %dma_start3A_12 = arith.constant 0 : i32
      %dma_start3A_13 = tpu.memref_slice %arg3[%dma_start3A_11, %dma_start3A_12] : memref<1152x384xi32, #tpu.memory_space<hbm>> -> memref<1152x384xi32, #tpu.memory_space<hbm>>
      tpu.enqueue_indirect_dma source(%dma_start3A_13 : memref<1152x384xi32, #tpu.memory_space<hbm>>) target(%arg6 : memref<128x384xi32, #tpu.memory_space<vmem>>) offsets(%dma_start3A : memref<128xi32, #tpu.memory_space<vmem>>) semaphore(%arg7 : memref<!tpu.dma_semaphore, #tpu.memory_space<semaphore_mem>>)
      %dma_wait3A = tpu.memref_slice %arg5[%mul3A_10] : memref<256xi32, #tpu.memory_space<vmem>> -> memref<128xi32, #tpu.memory_space<vmem>>
      %dma_wait3A_14 = arith.constant 0 : i32
      %dma_wait3A_15 = arith.constant 0 : i32
      %dma_wait3A_16 = tpu.memref_slice %arg3[%dma_wait3A_14, %dma_wait3A_15] : memref<1152x384xi32, #tpu.memory_space<hbm>> -> memref<1152x384xi32, #tpu.memory_space<hbm>>
      tpu.wait_indirect_dma semaphore(%arg7 : memref<!tpu.dma_semaphore, #tpu.memory_space<semaphore_mem>>) src(%dma_wait3A_16 : memref<1152x384xi32, #tpu.memory_space<hbm>>) dst(%arg6 : memref<128x384xi32, #tpu.memory_space<vmem>>)
      %mul3A_17 = arith.constant 128 : i32
      %mul3A_18 = arith.muli %scan3A_8, %mul3A_17 : i32
      %add3A_19 = arith.addi %mul3A_2, %mul3A_18 : i32
      "tpu.region"() ({
        %run_scoped3A = tpu.sem_alloc : memref<!tpu.dma_semaphore, #tpu.memory_space<semaphore_mem>>
        %dma_start3A_20 = arith.constant 0 : i32
        %dma_start3A_21 = tpu.memref_slice %arg4[%add3A_19, %dma_start3A_20] : memref<8192x384xi32, #tpu.memory_space<hbm>> -> memref<128x384xi32, #tpu.memory_space<hbm>>
        %dma_start3A_22 = arith.constant 0 : i32
        %dma_start3A_23 = tpu.memref_slice %arg4[%add3A_19, %dma_start3A_22] : memref<8192x384xi32, #tpu.memory_space<hbm>> -> memref<128x384xi32, #tpu.memory_space<hbm>>
        tpu.enqueue_dma source(%arg6 : memref<128x384xi32, #tpu.memory_space<vmem>>) target(%dma_start3A_23 : memref<128x384xi32, #tpu.memory_space<hbm>>) target_semaphore(%run_scoped3A : memref<!tpu.dma_semaphore, #tpu.memory_space<semaphore_mem>>)
        %dma_wait3A_24 = arith.constant 0 : i32
        %dma_wait3A_25 = tpu.memref_slice %arg4[%add3A_19, %dma_wait3A_24] : memref<8192x384xi32, #tpu.memory_space<hbm>> -> memref<128x384xi32, #tpu.memory_space<hbm>>
        %dma_wait3A_26 = arith.constant 0 : i32
        %dma_wait3A_27 = tpu.memref_slice %arg4[%add3A_19, %dma_wait3A_26] : memref<8192x384xi32, #tpu.memory_space<hbm>> -> memref<128x384xi32, #tpu.memory_space<hbm>>
        tpu.wait_dma2 semaphore(%run_scoped3A : memref<!tpu.dma_semaphore, #tpu.memory_space<semaphore_mem>>) src(%arg6 : memref<128x384xi32, #tpu.memory_space<vmem>>) dst(%dma_wait3A_27 : memref<128x384xi32, #tpu.memory_space<hbm>>)
        tpu.yield
      }) : () -> ()
    }
    %scan3A_7 = arith.constant 2 : i32
    return
  }
}

module attributes {stable_mosaic.version = 14 : i64} {
  func.func @_stage_c(%arg0: i32, %arg1: i32, %arg2: memref<1x128x768xf32, #tpu.memory_space<vmem>>, %arg3: memref<1x128x768xf32, #tpu.memory_space<vmem>>, %arg4: memref<1x128x64xf32, #tpu.memory_space<vmem>>, %arg5: memref<1x1x1024x384xi32, #tpu.memory_space<vmem>>, %arg6: memref<768x768xf32, #tpu.memory_space<vmem>>, %arg7: memref<1x768xf32, #tpu.memory_space<vmem>>, %arg8: memref<768x768xf32, #tpu.memory_space<vmem>>, %arg9: memref<1x768xf32, #tpu.memory_space<vmem>>, %arg10: memref<1x768xf32, #tpu.memory_space<vmem>>, %arg11: memref<1x768xf32, #tpu.memory_space<vmem>>, %arg12: memref<1x128x768xf32, #tpu.memory_space<vmem>>, %arg13: memref<128x768xf32, #tpu.memory_space<vmem>>) attributes {dimension_semantics = [#tpu.dimension_semantics<arbitrary>, #tpu.dimension_semantics<arbitrary>], iteration_bounds = array<i64: 1, 8>, scalar_prefetch = 0 : i64, scratch_operands = 1 : i64, tpu.core_type = #tpu.core_type<tc>, window_params = [{transform_indices = @transform_0, window_bounds = array<i64: 1, 128, 768>}, {transform_indices = @transform_1, window_bounds = array<i64: 1, 128, 768>}, {transform_indices = @transform_2, window_bounds = array<i64: 1, 128, 64>}, {transform_indices = @transform_3, window_bounds = array<i64: 1, 1, 1024, 384>}, {pipeline_mode = #tpu.pipeline_mode<synchronous>, transform_indices = @transform_4, window_bounds = array<i64: 768, 768>}, {pipeline_mode = #tpu.pipeline_mode<synchronous>, transform_indices = @transform_5, window_bounds = array<i64: 1, 768>}, {pipeline_mode = #tpu.pipeline_mode<synchronous>, transform_indices = @transform_6, window_bounds = array<i64: 768, 768>}, {pipeline_mode = #tpu.pipeline_mode<synchronous>, transform_indices = @transform_7, window_bounds = array<i64: 1, 768>}, {pipeline_mode = #tpu.pipeline_mode<synchronous>, transform_indices = @transform_8, window_bounds = array<i64: 1, 768>}, {pipeline_mode = #tpu.pipeline_mode<synchronous>, transform_indices = @transform_9, window_bounds = array<i64: 1, 768>}, {transform_indices = @transform_10, window_bounds = array<i64: 1, 128, 768>}]} {
    %mul3A = arith.constant 16 : i32
    %mul3A_0 = arith.muli %arg1, %mul3A : i32
    %get3A = arith.constant 0 : index
    %get3A_1 = arith.constant 0 : index
    %get3A_2 = arith.constant 0 : index
    %get3A_3 = arith.constant 0 : index
    %get3A_4 = vector.load %arg5[%get3A, %get3A_1, %get3A_2, %get3A_3] : memref<1x1x1024x384xi32, #tpu.memory_space<vmem>>, vector<1x1x1024x384xi32>
    %get3A_5 = vector.shape_cast %get3A_4 : vector<1x1x1024x384xi32> to vector<1024x384xi32>
    %shift_left3A = arith.constant 16 : i32
    %shift_left3A_6 = vector.broadcast %shift_left3A : i32 to vector<1024x384xi32>
    %shift_left3A_7 = arith.shli %get3A_5, %shift_left3A_6 : vector<1024x384xi32>
    %bitcast_convert_type3A = tpu.bitcast %shift_left3A_7 : vector<1024x384xi32> -> vector<1024x384xf32>
    %and3A = arith.constant -65536 : i32
    %and3A_8 = vector.broadcast %and3A : i32 to vector<1024x384xi32>
    %and3A_9 = arith.andi %get3A_5, %and3A_8 : vector<1024x384xi32>
    %bitcast_convert_type3A_10 = tpu.bitcast %and3A_9 : vector<1024x384xi32> -> vector<1024x384xf32>
    %concatenate3A = tpu.concatenate %bitcast_convert_type3A, %bitcast_convert_type3A_10 in 1 : vector<1024x384xf32>, vector<1024x384xf32> -> vector<1024x768xf32>
    %reshape3A = vector.shape_cast %concatenate3A : vector<1024x768xf32> to vector<16x64x768xf32>
    %get3A_11 = arith.constant 0 : index
    %get3A_12 = arith.index_cast %mul3A_0 : i32 to index
    %get3A_13 = arith.constant 0 : index
    %get3A_14 = vector.load %arg3[%get3A_11, %get3A_12, %get3A_13] : memref<1x128x768xf32, #tpu.memory_space<vmem>>, vector<1x16x768xf32>
    %get3A_15 = vector.shape_cast %get3A_14 : vector<1x16x768xf32> to vector<16x768xf32>
    %get3A_16 = arith.constant 0 : index
    %get3A_17 = arith.index_cast %mul3A_0 : i32 to index
    %get3A_18 = arith.constant 0 : index
    %get3A_19 = vector.load %arg4[%get3A_16, %get3A_17, %get3A_18] : memref<1x128x64xf32, #tpu.memory_space<vmem>>, vector<1x16x64xf32>
    %get3A_20 = vector.shape_cast %get3A_19 : vector<1x16x64xf32> to vector<16x64xf32>
    %broadcast_in_dim3A = vector.shape_cast %get3A_20 : vector<16x64xf32> to vector<16x64x1xf32>
    %reduce_max3A = arith.constant dense<0xFF800000> : vector<16x1xf32>
    %reduce_max3A_21 = vector.multi_reduction <maximumf>, %broadcast_in_dim3A, %reduce_max3A [1] : vector<16x64x1xf32> to vector<16x1xf32>
    %broadcast_in_dim3A_22 = vector.shape_cast %reduce_max3A_21 : vector<16x1xf32> to vector<16x1x1xf32>
    %sub3A = vector.broadcast %broadcast_in_dim3A_22 : vector<16x1x1xf32> to vector<16x64x1xf32>
    %sub3A_23 = arith.subf %broadcast_in_dim3A, %sub3A : vector<16x64x1xf32>
    %exp3A = math.exp %sub3A_23 : vector<16x64x1xf32>
    %reduce_sum3A = arith.constant dense<0.000000e+00> : vector<16x1xf32>
    %reduce_sum3A_24 = vector.multi_reduction <add>, %exp3A, %reduce_sum3A [1] : vector<16x64x1xf32> to vector<16x1xf32>
    %broadcast_in_dim3A_25 = vector.shape_cast %reduce_sum3A_24 : vector<16x1xf32> to vector<16x1x1xf32>
    %div3A = vector.broadcast %broadcast_in_dim3A_25 : vector<16x1x1xf32> to vector<16x64x1xf32>
    %div3A_26 = arith.divf %exp3A, %div3A : vector<16x64x1xf32>
    %sub3A_27 = arith.constant 2.000000e+00 : f32
    %sub3A_28 = vector.broadcast %sub3A_27 : f32 to vector<16x64x1xf32>
    %sub3A_29 = arith.subf %sub3A_28, %div3A_26 : vector<16x64x1xf32>
    %broadcast_in_dim3A_30 = vector.shape_cast %get3A_15 : vector<16x768xf32> to vector<16x1x768xf32>
    %mul3A_31 = vector.broadcast %sub3A_29 : vector<16x64x1xf32> to vector<16x64x768xf32>
    %mul3A_32 = vector.broadcast %broadcast_in_dim3A_30 : vector<16x1x768xf32> to vector<16x64x768xf32>
    %mul3A_33 = arith.mulf %mul3A_31, %mul3A_32 : vector<16x64x768xf32>
    %mul3A_34 = vector.broadcast %div3A_26 : vector<16x64x1xf32> to vector<16x64x768xf32>
    %mul3A_35 = arith.mulf %mul3A_34, %reshape3A : vector<16x64x768xf32>
    %add3A = arith.addf %mul3A_33, %mul3A_35 : vector<16x64x768xf32>
    %tanh3A = math.tanh %add3A : vector<16x64x768xf32>
    %mul3A_36 = arith.mulf %reshape3A, %tanh3A : vector<16x64x768xf32>
    %reduce_sum3A_37 = arith.constant dense<0.000000e+00> : vector<16x64xf32>
    %reduce_sum3A_38 = vector.multi_reduction <add>, %mul3A_36, %reduce_sum3A_37 [2] : vector<16x64x768xf32> to vector<16x64xf32>
    %broadcast_in_dim3A_39 = vector.shape_cast %reduce_sum3A_38 : vector<16x64xf32> to vector<16x64x1xf32>
    %reduce_max3A_40 = arith.constant dense<0xFF800000> : vector<16x1xf32>
    %reduce_max3A_41 = vector.multi_reduction <maximumf>, %broadcast_in_dim3A_39, %reduce_max3A_40 [1] : vector<16x64x1xf32> to vector<16x1xf32>
    %broadcast_in_dim3A_42 = vector.shape_cast %reduce_max3A_41 : vector<16x1xf32> to vector<16x1x1xf32>
    %sub3A_43 = vector.broadcast %broadcast_in_dim3A_42 : vector<16x1x1xf32> to vector<16x64x1xf32>
    %sub3A_44 = arith.subf %broadcast_in_dim3A_39, %sub3A_43 : vector<16x64x1xf32>
    %exp3A_45 = math.exp %sub3A_44 : vector<16x64x1xf32>
    %reduce_sum3A_46 = arith.constant dense<0.000000e+00> : vector<16x1xf32>
    %reduce_sum3A_47 = vector.multi_reduction <add>, %exp3A_45, %reduce_sum3A_46 [1] : vector<16x64x1xf32> to vector<16x1xf32>
    %broadcast_in_dim3A_48 = vector.shape_cast %reduce_sum3A_47 : vector<16x1xf32> to vector<16x1x1xf32>
    %div3A_49 = vector.broadcast %broadcast_in_dim3A_48 : vector<16x1x1xf32> to vector<16x64x1xf32>
    %div3A_50 = arith.divf %exp3A_45, %div3A_49 : vector<16x64x1xf32>
    %mul3A_51 = vector.broadcast %div3A_50 : vector<16x64x1xf32> to vector<16x64x768xf32>
    %mul3A_52 = arith.mulf %mul3A_51, %reshape3A : vector<16x64x768xf32>
    %reduce_sum3A_53 = arith.constant dense<0.000000e+00> : vector<16x768xf32>
    %reduce_sum3A_54 = vector.multi_reduction <add>, %mul3A_52, %reduce_sum3A_53 [1] : vector<16x64x768xf32> to vector<16x768xf32>
    %swap3A = arith.index_cast %mul3A_0 : i32 to index
    %swap3A_55 = arith.constant 0 : index
    %swap3A_56 = vector.load %arg13[%swap3A, %swap3A_55] : memref<128x768xf32, #tpu.memory_space<vmem>>, vector<16x768xf32>
    tpu.vector_store %arg13[%swap3A, %swap3A_55], %reduce_sum3A_54 {strides = array<i32>} : memref<128x768xf32, #tpu.memory_space<vmem>>, vector<16x768xf32>,
    %eq3A = arith.constant 7 : i32
    %eq3A_57 = arith.cmpi eq, %arg1, %eq3A : i32
    %convert_element_type3A = arith.extui %eq3A_57 : i1 to i32
    %cond3A = arith.constant 0 : i32
    %cond3A_58 = arith.cmpi ne, %convert_element_type3A, %cond3A : i32
    scf.if %cond3A_58 {
      %get3A_59 = arith.constant 0 : index
      %get3A_60 = arith.constant 0 : index
      %get3A_61 = arith.constant 0 : index
      %get3A_62 = vector.load %arg2[%get3A_59, %get3A_60, %get3A_61] : memref<1x128x768xf32, #tpu.memory_space<vmem>>, vector<1x128x768xf32>
      %get3A_63 = vector.shape_cast %get3A_62 : vector<1x128x768xf32> to vector<128x768xf32>
      %get3A_64 = arith.constant 0 : index
      %get3A_65 = arith.constant 0 : index
      %get3A_66 = arith.constant 0 : index
      %get3A_67 = vector.load %arg3[%get3A_64, %get3A_65, %get3A_66] : memref<1x128x768xf32, #tpu.memory_space<vmem>>, vector<1x128x768xf32>
      %get3A_68 = vector.shape_cast %get3A_67 : vector<1x128x768xf32> to vector<128x768xf32>
      %get3A_69 = arith.constant 0 : index
      %get3A_70 = arith.constant 0 : index
      %get3A_71 = vector.load %arg13[%get3A_69, %get3A_70] : memref<128x768xf32, #tpu.memory_space<vmem>>, vector<128x768xf32>
      %add3A_72 = arith.addf %get3A_68, %get3A_71 : vector<128x768xf32>
      %mul3A_73 = arith.constant 1.000000e-01 : f32
      %mul3A_74 = vector.broadcast %mul3A_73 : f32 to vector<128x768xf32>
      %mul3A_75 = arith.mulf %add3A_72, %mul3A_74 : vector<128x768xf32>
      %add3A_76 = arith.addf %mul3A_75, %get3A_63 : vector<128x768xf32>
      %mul3A_77 = arith.mulf %get3A_68, %get3A_71 : vector<128x768xf32>
      %mul3A_78 = arith.constant 1.000000e-01 : f32
      %mul3A_79 = vector.broadcast %mul3A_78 : f32 to vector<128x768xf32>
      %mul3A_80 = arith.mulf %mul3A_77, %mul3A_79 : vector<128x768xf32>
      %add3A_81 = arith.addf %mul3A_80, %get3A_63 : vector<128x768xf32>
      %get3A_82 = arith.constant 0 : index
      %get3A_83 = arith.constant 0 : index
      %get3A_84 = vector.load %arg6[%get3A_82, %get3A_83] : memref<768x768xf32, #tpu.memory_space<vmem>>, vector<768x768xf32>
      %dot_general3A = arith.constant dense<0.000000e+00> : vector<128x768xf32>
      %dot_general3A_85 = tpu.matmul %add3A_76, %get3A_84, %dot_general3A {dimension_numbers = #tpu.dot_dimension_numbers<[1], [1], [0], [0], [0, 0, 1, 0], [], []>, transpose_lhs_hint = false} : vector<128x768xf32>, vector<768x768xf32>, vector<128x768xf32> -> vector<128x768xf32>
      %get3A_86 = arith.constant 0 : index
      %get3A_87 = arith.constant 0 : index
      %get3A_88 = vector.load %arg7[%get3A_86, %get3A_87] : memref<1x768xf32, #tpu.memory_space<vmem>>, vector<1x768xf32>
      %add3A_89 = vector.broadcast %get3A_88 : vector<1x768xf32> to vector<128x768xf32>
      %add3A_90 = arith.addf %dot_general3A_85, %add3A_89 : vector<128x768xf32>
      %ge3A = arith.constant 0.000000e+00 : f32
      %ge3A_91 = vector.broadcast %ge3A : f32 to vector<128x768xf32>
      %ge3A_92 = arith.cmpf oge, %add3A_90, %ge3A_91 : vector<128x768xf32>
      %mul3A_93 = arith.constant 0.00999999977 : f32
      %mul3A_94 = vector.broadcast %mul3A_93 : f32 to vector<128x768xf32>
      %mul3A_95 = arith.mulf %mul3A_94, %add3A_90 : vector<128x768xf32>
      %select_n3A = arith.select %ge3A_92, %add3A_90, %mul3A_95 : vector<128x768xi1>, vector<128x768xf32>
      %get3A_96 = arith.constant 0 : index
      %get3A_97 = arith.constant 0 : index
      %get3A_98 = vector.load %arg8[%get3A_96, %get3A_97] : memref<768x768xf32, #tpu.memory_space<vmem>>, vector<768x768xf32>
      %dot_general3A_99 = arith.constant dense<0.000000e+00> : vector<128x768xf32>
      %dot_general3A_100 = tpu.matmul %add3A_81, %get3A_98, %dot_general3A_99 {dimension_numbers = #tpu.dot_dimension_numbers<[1], [1], [0], [0], [0, 0, 1, 0], [], []>, transpose_lhs_hint = false} : vector<128x768xf32>, vector<768x768xf32>, vector<128x768xf32> -> vector<128x768xf32>
      %get3A_101 = arith.constant 0 : index
      %get3A_102 = arith.constant 0 : index
      %get3A_103 = vector.load %arg9[%get3A_101, %get3A_102] : memref<1x768xf32, #tpu.memory_space<vmem>>, vector<1x768xf32>
      %add3A_104 = vector.broadcast %get3A_103 : vector<1x768xf32> to vector<128x768xf32>
      %add3A_105 = arith.addf %dot_general3A_100, %add3A_104 : vector<128x768xf32>
      %ge3A_106 = arith.constant 0.000000e+00 : f32
      %ge3A_107 = vector.broadcast %ge3A_106 : f32 to vector<128x768xf32>
      %ge3A_108 = arith.cmpf oge, %add3A_105, %ge3A_107 : vector<128x768xf32>
      %mul3A_109 = arith.constant 0.00999999977 : f32
      %mul3A_110 = vector.broadcast %mul3A_109 : f32 to vector<128x768xf32>
      %mul3A_111 = arith.mulf %mul3A_110, %add3A_105 : vector<128x768xf32>
      %select_n3A_112 = arith.select %ge3A_108, %add3A_105, %mul3A_111 : vector<128x768xi1>, vector<128x768xf32>
      %add3A_113 = arith.addf %select_n3A, %select_n3A_112 : vector<128x768xf32>
      %reduce_sum3A_114 = arith.constant dense<0.000000e+00> : vector<128xf32>
      %reduce_sum3A_115 = vector.multi_reduction <add>, %add3A_113, %reduce_sum3A_114 [1] : vector<128x768xf32> to vector<128xf32>
      %broadcast_in_dim3A_116 = vector.shape_cast %reduce_sum3A_115 : vector<128xf32> to vector<128x1xf32>
      %div3A_117 = arith.constant 7.680000e+02 : f32
      %div3A_118 = vector.broadcast %div3A_117 : f32 to vector<128x1xf32>
      %div3A_119 = arith.divf %broadcast_in_dim3A_116, %div3A_118 : vector<128x1xf32>
      %sub3A_120 = vector.broadcast %div3A_119 : vector<128x1xf32> to vector<128x768xf32>
      %sub3A_121 = arith.subf %add3A_113, %sub3A_120 : vector<128x768xf32>
      %integer_pow3A = arith.mulf %sub3A_121, %sub3A_121 : vector<128x768xf32>
      %reduce_sum3A_122 = arith.constant dense<0.000000e+00> : vector<128xf32>
      %reduce_sum3A_123 = vector.multi_reduction <add>, %integer_pow3A, %reduce_sum3A_122 [1] : vector<128x768xf32> to vector<128xf32>
      %broadcast_in_dim3A_124 = vector.shape_cast %reduce_sum3A_123 : vector<128xf32> to vector<128x1xf32>
      %div3A_125 = arith.constant 7.680000e+02 : f32
      %div3A_126 = vector.broadcast %div3A_125 : f32 to vector<128x1xf32>
      %div3A_127 = arith.divf %broadcast_in_dim3A_124, %div3A_126 : vector<128x1xf32>
      %sub3A_128 = vector.broadcast %div3A_119 : vector<128x1xf32> to vector<128x768xf32>
      %sub3A_129 = arith.subf %add3A_113, %sub3A_128 : vector<128x768xf32>
      %add3A_130 = arith.constant 9.99999974E-6 : f32
      %add3A_131 = vector.broadcast %add3A_130 : f32 to vector<128x1xf32>
      %add3A_132 = arith.addf %div3A_127, %add3A_131 : vector<128x1xf32>
      %sqrt3A = math.sqrt %add3A_132 : vector<128x1xf32>
      %div3A_133 = vector.broadcast %sqrt3A : vector<128x1xf32> to vector<128x768xf32>
      %div3A_134 = arith.divf %sub3A_129, %div3A_133 : vector<128x768xf32>
      %get3A_135 = arith.constant 0 : index
      %get3A_136 = arith.constant 0 : index
      %get3A_137 = vector.load %arg10[%get3A_135, %get3A_136] : memref<1x768xf32, #tpu.memory_space<vmem>>, vector<1x768xf32>
      %mul3A_138 = vector.broadcast %get3A_137 : vector<1x768xf32> to vector<128x768xf32>
      %mul3A_139 = arith.mulf %div3A_134, %mul3A_138 : vector<128x768xf32>
      %get3A_140 = arith.constant 0 : index
      %get3A_141 = arith.constant 0 : index
      %get3A_142 = vector.load %arg11[%get3A_140, %get3A_141] : memref<1x768xf32, #tpu.memory_space<vmem>>, vector<1x768xf32>
      %add3A_143 = vector.broadcast %get3A_142 : vector<1x768xf32> to vector<128x768xf32>
      %add3A_144 = arith.addf %mul3A_139, %add3A_143 : vector<128x768xf32>
      %swap3A_145 = arith.constant 0 : index
      %swap3A_146 = arith.constant 0 : index
      %swap3A_147 = arith.constant 0 : index
      %swap3A_148 = vector.load %arg12[%swap3A_145, %swap3A_146, %swap3A_147] : memref<1x128x768xf32, #tpu.memory_space<vmem>>, vector<1x128x768xf32>
      %swap3A_149 = vector.shape_cast %swap3A_148 : vector<1x128x768xf32> to vector<128x768xf32>
      %swap3A_150 = vector.shape_cast %add3A_144 : vector<128x768xf32> to vector<1x128x768xf32>
      tpu.vector_store %arg12[%swap3A_145, %swap3A_146, %swap3A_147], %swap3A_150 {strides = array<i32>} : memref<1x128x768xf32, #tpu.memory_space<vmem>>, vector<1x128x768xf32>,
    } else {
    }
    return
  }
  func.func @transform_0(%arg0: i32, %arg1: i32) -> (i32, i32, i32) {
    %c0_i32 = arith.constant 0 : i32
    %c0_i32_0 = arith.constant 0 : i32
    %c0_i32_1 = arith.constant 0 : i32
    return %arg0, %c0_i32, %c0_i32_0 : i32, i32, i32
  }
  func.func @transform_1(%arg0: i32, %arg1: i32) -> (i32, i32, i32) {
    %c0_i32 = arith.constant 0 : i32
    %c0_i32_0 = arith.constant 0 : i32
    %c0_i32_1 = arith.constant 0 : i32
    return %arg0, %c0_i32, %c0_i32_0 : i32, i32, i32
  }
  func.func @transform_2(%arg0: i32, %arg1: i32) -> (i32, i32, i32) {
    %c0_i32 = arith.constant 0 : i32
    %c0_i32_0 = arith.constant 0 : i32
    %c0_i32_1 = arith.constant 0 : i32
    return %arg0, %c0_i32, %c0_i32_0 : i32, i32, i32
  }
  func.func @transform_3(%arg0: i32, %arg1: i32) -> (i32, i32, i32, i32) {
    %c0_i32 = arith.constant 0 : i32
    %c0_i32_0 = arith.constant 0 : i32
    %c0_i32_1 = arith.constant 0 : i32
    return %arg0, %arg1, %c0_i32, %c0_i32_0 : i32, i32, i32, i32
  }
  func.func @transform_4(%arg0: i32, %arg1: i32) -> (i32, i32) {
    %c0_i32 = arith.constant 0 : i32
    %c0_i32_0 = arith.constant 0 : i32
    %c0_i32_1 = arith.constant 0 : i32
    return %c0_i32, %c0_i32_0 : i32, i32
  }
  func.func @transform_5(%arg0: i32, %arg1: i32) -> (i32, i32) {
    %c0_i32 = arith.constant 0 : i32
    %c0_i32_0 = arith.constant 0 : i32
    %c0_i32_1 = arith.constant 0 : i32
    return %c0_i32, %c0_i32_0 : i32, i32
  }
  func.func @transform_6(%arg0: i32, %arg1: i32) -> (i32, i32) {
    %c0_i32 = arith.constant 0 : i32
    %c0_i32_0 = arith.constant 0 : i32
    %c0_i32_1 = arith.constant 0 : i32
    return %c0_i32, %c0_i32_0 : i32, i32
  }
  func.func @transform_7(%arg0: i32, %arg1: i32) -> (i32, i32) {
    %c0_i32 = arith.constant 0 : i32
    %c0_i32_0 = arith.constant 0 : i32
    %c0_i32_1 = arith.constant 0 : i32
    return %c0_i32, %c0_i32_0 : i32, i32
  }
  func.func @transform_8(%arg0: i32, %arg1: i32) -> (i32, i32) {
    %c0_i32 = arith.constant 0 : i32
    %c0_i32_0 = arith.constant 0 : i32
    %c0_i32_1 = arith.constant 0 : i32
    return %c0_i32, %c0_i32_0 : i32, i32
  }
  func.func @transform_9(%arg0: i32, %arg1: i32) -> (i32, i32) {
    %c0_i32 = arith.constant 0 : i32
    %c0_i32_0 = arith.constant 0 : i32
    %c0_i32_1 = arith.constant 0 : i32
    return %c0_i32, %c0_i32_0 : i32, i32
  }
  func.func @transform_10(%arg0: i32, %arg1: i32) -> (i32, i32, i32) {
    %c0_i32 = arith.constant 0 : i32
    %c0_i32_0 = arith.constant 0 : i32
    %c0_i32_1 = arith.constant 0 : i32
    return %arg0, %c0_i32, %c0_i32_0 : i32, i32, i32
  }
}

module attributes {stable_mosaic.version = 14 : i64} {
  func.func @_stage_a(%arg0: i32, %arg1: memref<1x128x768xf32, #tpu.memory_space<vmem>>, %arg2: memref<1x1024x768xf32, #tpu.memory_space<vmem>>, %arg3: memref<768x768xf32, #tpu.memory_space<vmem>>, %arg4: memref<1x768xf32, #tpu.memory_space<vmem>>, %arg5: memref<768x768xf32, #tpu.memory_space<vmem>>, %arg6: memref<1x768xf32, #tpu.memory_space<vmem>>, %arg7: memref<1x128x768xf32, #tpu.memory_space<vmem>>, %arg8: memref<1x1152x384xi32, #tpu.memory_space<vmem>>, %arg9: memref<1x128x64xi32, #tpu.memory_space<vmem>>, %arg10: memref<1x128x64xf32, #tpu.memory_space<vmem>>) attributes {dimension_semantics = [#tpu.dimension_semantics<arbitrary>], iteration_bounds = array<i64: 1>, scalar_prefetch = 0 : i64, scratch_operands = 0 : i64, tpu.core_type = #tpu.core_type<tc>, window_params = [{transform_indices = @transform_0, window_bounds = array<i64: 1, 128, 768>}, {transform_indices = @transform_1, window_bounds = array<i64: 1, 1024, 768>}, {pipeline_mode = #tpu.pipeline_mode<synchronous>, transform_indices = @transform_2, window_bounds = array<i64: 768, 768>}, {pipeline_mode = #tpu.pipeline_mode<synchronous>, transform_indices = @transform_3, window_bounds = array<i64: 1, 768>}, {pipeline_mode = #tpu.pipeline_mode<synchronous>, transform_indices = @transform_4, window_bounds = array<i64: 768, 768>}, {pipeline_mode = #tpu.pipeline_mode<synchronous>, transform_indices = @transform_5, window_bounds = array<i64: 1, 768>}, {transform_indices = @transform_6, window_bounds = array<i64: 1, 128, 768>}, {transform_indices = @transform_7, window_bounds = array<i64: 1, 1152, 384>}, {transform_indices = @transform_8, window_bounds = array<i64: 1, 128, 64>}, {transform_indices = @transform_9, window_bounds = array<i64: 1, 128, 64>}]} {
    %get3A = arith.constant 0 : index
    %get3A_0 = arith.constant 0 : index
    %get3A_1 = arith.constant 0 : index
    %get3A_2 = vector.load %arg1[%get3A, %get3A_0, %get3A_1] : memref<1x128x768xf32, #tpu.memory_space<vmem>>, vector<1x128x768xf32>
    %get3A_3 = vector.shape_cast %get3A_2 : vector<1x128x768xf32> to vector<128x768xf32>
    %get3A_4 = arith.constant 0 : index
    %get3A_5 = arith.constant 0 : index
    %get3A_6 = arith.constant 0 : index
    %get3A_7 = vector.load %arg2[%get3A_4, %get3A_5, %get3A_6] : memref<1x1024x768xf32, #tpu.memory_space<vmem>>, vector<1x1024x768xf32>
    %get3A_8 = vector.shape_cast %get3A_7 : vector<1x1024x768xf32> to vector<1024x768xf32>
    %get3A_9 = arith.constant 0 : index
    %get3A_10 = arith.constant 0 : index
    %get3A_11 = vector.load %arg3[%get3A_9, %get3A_10] : memref<768x768xf32, #tpu.memory_space<vmem>>, vector<768x768xf32>
    %dot_general3A = arith.constant dense<0.000000e+00> : vector<128x768xf32>
    %dot_general3A_12 = tpu.matmul %get3A_3, %get3A_11, %dot_general3A {dimension_numbers = #tpu.dot_dimension_numbers<[1], [1], [0], [0], [0, 0, 1, 0], [], []>, transpose_lhs_hint = false} : vector<128x768xf32>, vector<768x768xf32>, vector<128x768xf32> -> vector<128x768xf32>
    %get3A_13 = arith.constant 0 : index
    %get3A_14 = arith.constant 0 : index
    %get3A_15 = vector.load %arg4[%get3A_13, %get3A_14] : memref<1x768xf32, #tpu.memory_space<vmem>>, vector<1x768xf32>
    %add3A = vector.broadcast %get3A_15 : vector<1x768xf32> to vector<128x768xf32>
    %add3A_16 = arith.addf %dot_general3A_12, %add3A : vector<128x768xf32>
    %get3A_17 = arith.constant 0 : index
    %get3A_18 = arith.constant 0 : index
    %get3A_19 = vector.load %arg5[%get3A_17, %get3A_18] : memref<768x768xf32, #tpu.memory_space<vmem>>, vector<768x768xf32>
    %dot_general3A_20 = arith.constant dense<0.000000e+00> : vector<128x768xf32>
    %dot_general3A_21 = tpu.matmul %get3A_3, %get3A_19, %dot_general3A_20 {dimension_numbers = #tpu.dot_dimension_numbers<[1], [1], [0], [0], [0, 0, 1, 0], [], []>, transpose_lhs_hint = false} : vector<128x768xf32>, vector<768x768xf32>, vector<128x768xf32> -> vector<128x768xf32>
    %get3A_22 = arith.constant 0 : index
    %get3A_23 = arith.constant 0 : index
    %get3A_24 = vector.load %arg6[%get3A_22, %get3A_23] : memref<1x768xf32, #tpu.memory_space<vmem>>, vector<1x768xf32>
    %add3A_25 = vector.broadcast %get3A_24 : vector<1x768xf32> to vector<128x768xf32>
    %add3A_26 = arith.addf %dot_general3A_21, %add3A_25 : vector<128x768xf32>
    %get3A_27 = arith.constant 0 : index
    %get3A_28 = arith.constant 0 : index
    %get3A_29 = vector.load %arg5[%get3A_27, %get3A_28] : memref<768x768xf32, #tpu.memory_space<vmem>>, vector<768x768xf32>
    %dot_general3A_30 = arith.constant dense<0.000000e+00> : vector<1024x768xf32>
    %dot_general3A_31 = tpu.matmul %get3A_8, %get3A_29, %dot_general3A_30 {dimension_numbers = #tpu.dot_dimension_numbers<[1], [1], [0], [0], [0, 0, 1, 0], [], []>, transpose_lhs_hint = false} : vector<1024x768xf32>, vector<768x768xf32>, vector<1024x768xf32> -> vector<1024x768xf32>
    %get3A_32 = arith.constant 0 : index
    %get3A_33 = arith.constant 0 : index
    %get3A_34 = vector.load %arg6[%get3A_32, %get3A_33] : memref<1x768xf32, #tpu.memory_space<vmem>>, vector<1x768xf32>
    %add3A_35 = vector.broadcast %get3A_34 : vector<1x768xf32> to vector<1024x768xf32>
    %add3A_36 = arith.addf %dot_general3A_31, %add3A_35 : vector<1024x768xf32>
    %swap3A = arith.constant 0 : index
    %swap3A_37 = arith.constant 0 : index
    %swap3A_38 = arith.constant 0 : index
    %swap3A_39 = vector.load %arg7[%swap3A, %swap3A_37, %swap3A_38] : memref<1x128x768xf32, #tpu.memory_space<vmem>>, vector<1x128x768xf32>
    %swap3A_40 = vector.shape_cast %swap3A_39 : vector<1x128x768xf32> to vector<128x768xf32>
    %swap3A_41 = vector.shape_cast %add3A_16 : vector<128x768xf32> to vector<1x128x768xf32>
    tpu.vector_store %arg7[%swap3A, %swap3A_37, %swap3A_38], %swap3A_41 {strides = array<i32>} : memref<1x128x768xf32, #tpu.memory_space<vmem>>, vector<1x128x768xf32>,
    %bitcast_convert_type3A = tpu.bitcast %add3A_26 : vector<128x768xf32> -> vector<128x768xi32>
    %add3A_42 = arith.constant 32767 : i32
    %add3A_43 = vector.broadcast %add3A_42 : i32 to vector<128x768xi32>
    %add3A_44 = arith.addi %bitcast_convert_type3A, %add3A_43 : vector<128x768xi32>
    %shift_right_logical3A = arith.constant 16 : i32
    %shift_right_logical3A_45 = vector.broadcast %shift_right_logical3A : i32 to vector<128x768xi32>
    %shift_right_logical3A_46 = arith.shrui %bitcast_convert_type3A, %shift_right_logical3A_45 : vector<128x768xi32>
    %and3A = arith.constant 1 : i32
    %and3A_47 = vector.broadcast %and3A : i32 to vector<128x768xi32>
    %and3A_48 = arith.andi %shift_right_logical3A_46, %and3A_47 : vector<128x768xi32>
    %add3A_49 = arith.addi %add3A_44, %and3A_48 : vector<128x768xi32>
    %slice3A = vector.extract_strided_slice %add3A_49 {offsets = [0, 0], sizes = [128, 384], strides = [1, 1]} : vector<128x768xi32> to vector<128x384xi32>
    %slice3A_50 = vector.extract_strided_slice %add3A_49 {offsets = [0, 384], sizes = [128, 384], strides = [1, 1]} : vector<128x768xi32> to vector<128x384xi32>
    %shift_right_logical3A_51 = arith.constant 16 : i32
    %shift_right_logical3A_52 = vector.broadcast %shift_right_logical3A_51 : i32 to vector<128x384xi32>
    %shift_right_logical3A_53 = arith.shrui %slice3A, %shift_right_logical3A_52 : vector<128x384xi32>
    %and3A_54 = arith.constant -65536 : i32
    %and3A_55 = vector.broadcast %and3A_54 : i32 to vector<128x384xi32>
    %and3A_56 = arith.andi %slice3A_50, %and3A_55 : vector<128x384xi32>
    %or3A = arith.ori %and3A_56, %shift_right_logical3A_53 : vector<128x384xi32>
    %swap3A_57 = arith.constant 0 : index
    %swap3A_58 = arith.constant 0 : index
    %swap3A_59 = arith.constant 0 : index
    %swap3A_60 = vector.load %arg8[%swap3A_57, %swap3A_58, %swap3A_59] : memref<1x1152x384xi32, #tpu.memory_space<vmem>>, vector<1x128x384xi32>
    %swap3A_61 = vector.shape_cast %swap3A_60 : vector<1x128x384xi32> to vector<128x384xi32>
    %swap3A_62 = vector.shape_cast %or3A : vector<128x384xi32> to vector<1x128x384xi32>
    tpu.vector_store %arg8[%swap3A_57, %swap3A_58, %swap3A_59], %swap3A_62 {strides = array<i32>} : memref<1x1152x384xi32, #tpu.memory_space<vmem>>, vector<1x128x384xi32>,
    %bitcast_convert_type3A_63 = tpu.bitcast %add3A_36 : vector<1024x768xf32> -> vector<1024x768xi32>
    %add3A_64 = arith.constant 32767 : i32
    %add3A_65 = vector.broadcast %add3A_64 : i32 to vector<1024x768xi32>
    %add3A_66 = arith.addi %bitcast_convert_type3A_63, %add3A_65 : vector<1024x768xi32>
    %shift_right_logical3A_67 = arith.constant 16 : i32
    %shift_right_logical3A_68 = vector.broadcast %shift_right_logical3A_67 : i32 to vector<1024x768xi32>
    %shift_right_logical3A_69 = arith.shrui %bitcast_convert_type3A_63, %shift_right_logical3A_68 : vector<1024x768xi32>
    %and3A_70 = arith.constant 1 : i32
    %and3A_71 = vector.broadcast %and3A_70 : i32 to vector<1024x768xi32>
    %and3A_72 = arith.andi %shift_right_logical3A_69, %and3A_71 : vector<1024x768xi32>
    %add3A_73 = arith.addi %add3A_66, %and3A_72 : vector<1024x768xi32>
    %slice3A_74 = vector.extract_strided_slice %add3A_73 {offsets = [0, 0], sizes = [1024, 384], strides = [1, 1]} : vector<1024x768xi32> to vector<1024x384xi32>
    %slice3A_75 = vector.extract_strided_slice %add3A_73 {offsets = [0, 384], sizes = [1024, 384], strides = [1, 1]} : vector<1024x768xi32> to vector<1024x384xi32>
    %shift_right_logical3A_76 = arith.constant 16 : i32
    %shift_right_logical3A_77 = vector.broadcast %shift_right_logical3A_76 : i32 to vector<1024x384xi32>
    %shift_right_logical3A_78 = arith.shrui %slice3A_74, %shift_right_logical3A_77 : vector<1024x384xi32>
    %and3A_79 = arith.constant -65536 : i32
    %and3A_80 = vector.broadcast %and3A_79 : i32 to vector<1024x384xi32>
    %and3A_81 = arith.andi %slice3A_75, %and3A_80 : vector<1024x384xi32>
    %or3A_82 = arith.ori %and3A_81, %shift_right_logical3A_78 : vector<1024x384xi32>
    %swap3A_83 = arith.constant 0 : index
    %swap3A_84 = arith.constant 128 : index
    %swap3A_85 = arith.constant 0 : index
    %swap3A_86 = vector.load %arg8[%swap3A_83, %swap3A_84, %swap3A_85] : memref<1x1152x384xi32, #tpu.memory_space<vmem>>, vector<1x1024x384xi32>
    %swap3A_87 = vector.shape_cast %swap3A_86 : vector<1x1024x384xi32> to vector<1024x384xi32>
    %swap3A_88 = vector.shape_cast %or3A_82 : vector<1024x384xi32> to vector<1x1024x384xi32>
    tpu.vector_store %arg8[%swap3A_83, %swap3A_84, %swap3A_85], %swap3A_88 {strides = array<i32>} : memref<1x1152x384xi32, #tpu.memory_space<vmem>>, vector<1x1024x384xi32>,
    %mul3A = arith.constant 0.0360843912 : f32
    %mul3A_89 = vector.broadcast %mul3A : f32 to vector<128x768xf32>
    %mul3A_90 = arith.mulf %add3A_16, %mul3A_89 : vector<128x768xf32>
    %dot_general3A_91 = arith.constant dense<0.000000e+00> : vector<128x128xf32>
    %dot_general3A_92 = tpu.matmul %mul3A_90, %add3A_26, %dot_general3A_91 {dimension_numbers = #tpu.dot_dimension_numbers<[1], [1], [0], [0], [0, 0, 1, 0], [], []>, transpose_lhs_hint = false} : vector<128x768xf32>, vector<128x768xf32>, vector<128x128xf32> -> vector<128x128xf32>
    %dot_general3A_93 = arith.constant dense<0.000000e+00> : vector<128x1024xf32>
    %dot_general3A_94 = tpu.matmul %mul3A_90, %add3A_36, %dot_general3A_93 {dimension_numbers = #tpu.dot_dimension_numbers<[1], [1], [0], [0], [0, 0, 1, 0], [], []>, transpose_lhs_hint = false} : vector<128x768xf32>, vector<1024x768xf32>, vector<128x1024xf32> -> vector<128x1024xf32>
    %concatenate3A = tpu.concatenate %dot_general3A_92, %dot_general3A_94 in 1 : vector<128x128xf32>, vector<128x1024xf32> -> vector<128x1152xf32>
    %bitcast_convert_type3A_95 = tpu.bitcast %concatenate3A : vector<128x1152xf32> -> vector<128x1152xi32>
    %lt3A = arith.constant 0 : i32
    %lt3A_96 = vector.broadcast %lt3A : i32 to vector<128x1152xi32>
    %lt3A_97 = arith.cmpi slt, %bitcast_convert_type3A_95, %lt3A_96 : vector<128x1152xi32>
    %xor3A = arith.constant 2147483647 : i32
    %xor3A_98 = vector.broadcast %xor3A : i32 to vector<128x1152xi32>
    %xor3A_99 = arith.xori %bitcast_convert_type3A_95, %xor3A_98 : vector<128x1152xi32>
    %select_n3A = arith.select %lt3A_97, %xor3A_99, %bitcast_convert_type3A_95 : vector<128x1152xi1>, vector<128x1152xi32>
    %broadcast_in_dim3A = arith.constant 0 : i32
    %broadcast_in_dim3A_100 = vector.broadcast %broadcast_in_dim3A : i32 to vector<128x1xi32>
    %or3A_101 = arith.constant -2147483648 : i32
    %or3A_102 = vector.broadcast %or3A_101 : i32 to vector<128x1xi32>
    %or3A_103 = arith.ori %broadcast_in_dim3A_100, %or3A_102 : vector<128x1xi32>
    %xor3A_104 = arith.constant -2147483648 : i32
    %xor3A_105 = vector.broadcast %xor3A_104 : i32 to vector<128x1xi32>
    %xor3A_106 = arith.xori %or3A_103, %xor3A_105 : vector<128x1xi32>
    %ge3A = vector.broadcast %xor3A_106 : vector<128x1xi32> to vector<128x1152xi32>
    %ge3A_107 = arith.cmpi sge, %select_n3A, %ge3A : vector<128x1152xi32>
    %convert_element_type3A = arith.extui %ge3A_107 : vector<128x1152xi1> to vector<128x1152xi32>
    %reduce_sum3A = arith.constant dense<0> : vector<128xi32>
    %reduce_sum3A_108 = vector.multi_reduction <add>, %convert_element_type3A, %reduce_sum3A [1] : vector<128x1152xi32> to vector<128xi32>
    %broadcast_in_dim3A_109 = vector.shape_cast %reduce_sum3A_108 : vector<128xi32> to vector<128x1xi32>
    %ge3A_110 = arith.constant 64 : i32
    %ge3A_111 = vector.broadcast %ge3A_110 : i32 to vector<128x1xi32>
    %ge3A_112 = arith.cmpi sge, %broadcast_in_dim3A_109, %ge3A_111 : vector<128x1xi32>
    %select_n3A_113 = arith.select %ge3A_112, %or3A_103, %broadcast_in_dim3A_100 : vector<128x1xi1>, vector<128x1xi32>
    %or3A_114 = arith.constant 1073741824 : i32
    %or3A_115 = vector.broadcast %or3A_114 : i32 to vector<128x1xi32>
    %or3A_116 = arith.ori %select_n3A_113, %or3A_115 : vector<128x1xi32>
    %xor3A_117 = arith.constant -2147483648 : i32
    %xor3A_118 = vector.broadcast %xor3A_117 : i32 to vector<128x1xi32>
    %xor3A_119 = arith.xori %or3A_116, %xor3A_118 : vector<128x1xi32>
    %ge3A_120 = vector.broadcast %xor3A_119 : vector<128x1xi32> to vector<128x1152xi32>
    %ge3A_121 = arith.cmpi sge, %select_n3A, %ge3A_120 : vector<128x1152xi32>
    %convert_element_type3A_122 = arith.extui %ge3A_121 : vector<128x1152xi1> to vector<128x1152xi32>
    %reduce_sum3A_123 = arith.constant dense<0> : vector<128xi32>
    %reduce_sum3A_124 = vector.multi_reduction <add>, %convert_element_type3A_122, %reduce_sum3A_123 [1] : vector<128x1152xi32> to vector<128xi32>
    %broadcast_in_dim3A_125 = vector.shape_cast %reduce_sum3A_124 : vector<128xi32> to vector<128x1xi32>
    %ge3A_126 = arith.constant 64 : i32
    %ge3A_127 = vector.broadcast %ge3A_126 : i32 to vector<128x1xi32>
    %ge3A_128 = arith.cmpi sge, %broadcast_in_dim3A_125, %ge3A_127 : vector<128x1xi32>
    %select_n3A_129 = arith.select %ge3A_128, %or3A_116, %select_n3A_113 : vector<128x1xi1>, vector<128x1xi32>
    %or3A_130 = arith.constant 536870912 : i32
    %or3A_131 = vector.broadcast %or3A_130 : i32 to vector<128x1xi32>
    %or3A_132 = arith.ori %select_n3A_129, %or3A_131 : vector<128x1xi32>
    %xor3A_133 = arith.constant -2147483648 : i32
    %xor3A_134 = vector.broadcast %xor3A_133 : i32 to vector<128x1xi32>
    %xor3A_135 = arith.xori %or3A_132, %xor3A_134 : vector<128x1xi32>
    %ge3A_136 = vector.broadcast %xor3A_135 : vector<128x1xi32> to vector<128x1152xi32>
    %ge3A_137 = arith.cmpi sge, %select_n3A, %ge3A_136 : vector<128x1152xi32>
    %convert_element_type3A_138 = arith.extui %ge3A_137 : vector<128x1152xi1> to vector<128x1152xi32>
    %reduce_sum3A_139 = arith.constant dense<0> : vector<128xi32>
    %reduce_sum3A_140 = vector.multi_reduction <add>, %convert_element_type3A_138, %reduce_sum3A_139 [1] : vector<128x1152xi32> to vector<128xi32>
    %broadcast_in_dim3A_141 = vector.shape_cast %reduce_sum3A_140 : vector<128xi32> to vector<128x1xi32>
    %ge3A_142 = arith.constant 64 : i32
    %ge3A_143 = vector.broadcast %ge3A_142 : i32 to vector<128x1xi32>
    %ge3A_144 = arith.cmpi sge, %broadcast_in_dim3A_141, %ge3A_143 : vector<128x1xi32>
    %select_n3A_145 = arith.select %ge3A_144, %or3A_132, %select_n3A_129 : vector<128x1xi1>, vector<128x1xi32>
    %or3A_146 = arith.constant 268435456 : i32
    %or3A_147 = vector.broadcast %or3A_146 : i32 to vector<128x1xi32>
    %or3A_148 = arith.ori %select_n3A_145, %or3A_147 : vector<128x1xi32>
    %xor3A_149 = arith.constant -2147483648 : i32
    %xor3A_150 = vector.broadcast %xor3A_149 : i32 to vector<128x1xi32>
    %xor3A_151 = arith.xori %or3A_148, %xor3A_150 : vector<128x1xi32>
    %ge3A_152 = vector.broadcast %xor3A_151 : vector<128x1xi32> to vector<128x1152xi32>
    %ge3A_153 = arith.cmpi sge, %select_n3A, %ge3A_152 : vector<128x1152xi32>
    %convert_element_type3A_154 = arith.extui %ge3A_153 : vector<128x1152xi1> to vector<128x1152xi32>
    %reduce_sum3A_155 = arith.constant dense<0> : vector<128xi32>
    %reduce_sum3A_156 = vector.multi_reduction <add>, %convert_element_type3A_154, %reduce_sum3A_155 [1] : vector<128x1152xi32> to vector<128xi32>
    %broadcast_in_dim3A_157 = vector.shape_cast %reduce_sum3A_156 : vector<128xi32> to vector<128x1xi32>
    %ge3A_158 = arith.constant 64 : i32
    %ge3A_159 = vector.broadcast %ge3A_158 : i32 to vector<128x1xi32>
    %ge3A_160 = arith.cmpi sge, %broadcast_in_dim3A_157, %ge3A_159 : vector<128x1xi32>
    %select_n3A_161 = arith.select %ge3A_160, %or3A_148, %select_n3A_145 : vector<128x1xi1>, vector<128x1xi32>
    %or3A_162 = arith.constant 134217728 : i32
    %or3A_163 = vector.broadcast %or3A_162 : i32 to vector<128x1xi32>
    %or3A_164 = arith.ori %select_n3A_161, %or3A_163 : vector<128x1xi32>
    %xor3A_165 = arith.constant -2147483648 : i32
    %xor3A_166 = vector.broadcast %xor3A_165 : i32 to vector<128x1xi32>
    %xor3A_167 = arith.xori %or3A_164, %xor3A_166 : vector<128x1xi32>
    %ge3A_168 = vector.broadcast %xor3A_167 : vector<128x1xi32> to vector<128x1152xi32>
    %ge3A_169 = arith.cmpi sge, %select_n3A, %ge3A_168 : vector<128x1152xi32>
    %convert_element_type3A_170 = arith.extui %ge3A_169 : vector<128x1152xi1> to vector<128x1152xi32>
    %reduce_sum3A_171 = arith.constant dense<0> : vector<128xi32>
    %reduce_sum3A_172 = vector.multi_reduction <add>, %convert_element_type3A_170, %reduce_sum3A_171 [1] : vector<128x1152xi32> to vector<128xi32>
    %broadcast_in_dim3A_173 = vector.shape_cast %reduce_sum3A_172 : vector<128xi32> to vector<128x1xi32>
    %ge3A_174 = arith.constant 64 : i32
    %ge3A_175 = vector.broadcast %ge3A_174 : i32 to vector<128x1xi32>
    %ge3A_176 = arith.cmpi sge, %broadcast_in_dim3A_173, %ge3A_175 : vector<128x1xi32>
    %select_n3A_177 = arith.select %ge3A_176, %or3A_164, %select_n3A_161 : vector<128x1xi1>, vector<128x1xi32>
    %or3A_178 = arith.constant 67108864 : i32
    %or3A_179 = vector.broadcast %or3A_178 : i32 to vector<128x1xi32>
    %or3A_180 = arith.ori %select_n3A_177, %or3A_179 : vector<128x1xi32>
    %xor3A_181 = arith.constant -2147483648 : i32
    %xor3A_182 = vector.broadcast %xor3A_181 : i32 to vector<128x1xi32>
    %xor3A_183 = arith.xori %or3A_180, %xor3A_182 : vector<128x1xi32>
    %ge3A_184 = vector.broadcast %xor3A_183 : vector<128x1xi32> to vector<128x1152xi32>
    %ge3A_185 = arith.cmpi sge, %select_n3A, %ge3A_184 : vector<128x1152xi32>
    %convert_element_type3A_186 = arith.extui %ge3A_185 : vector<128x1152xi1> to vector<128x1152xi32>
    %reduce_sum3A_187 = arith.constant dense<0> : vector<128xi32>
    %reduce_sum3A_188 = vector.multi_reduction <add>, %convert_element_type3A_186, %reduce_sum3A_187 [1] : vector<128x1152xi32> to vector<128xi32>
    %broadcast_in_dim3A_189 = vector.shape_cast %reduce_sum3A_188 : vector<128xi32> to vector<128x1xi32>
    %ge3A_190 = arith.constant 64 : i32
    %ge3A_191 = vector.broadcast %ge3A_190 : i32 to vector<128x1xi32>
    %ge3A_192 = arith.cmpi sge, %broadcast_in_dim3A_189, %ge3A_191 : vector<128x1xi32>
    %select_n3A_193 = arith.select %ge3A_192, %or3A_180, %select_n3A_177 : vector<128x1xi1>, vector<128x1xi32>
    %or3A_194 = arith.constant 33554432 : i32
    %or3A_195 = vector.broadcast %or3A_194 : i32 to vector<128x1xi32>
    %or3A_196 = arith.ori %select_n3A_193, %or3A_195 : vector<128x1xi32>
    %xor3A_197 = arith.constant -2147483648 : i32
    %xor3A_198 = vector.broadcast %xor3A_197 : i32 to vector<128x1xi32>
    %xor3A_199 = arith.xori %or3A_196, %xor3A_198 : vector<128x1xi32>
    %ge3A_200 = vector.broadcast %xor3A_199 : vector<128x1xi32> to vector<128x1152xi32>
    %ge3A_201 = arith.cmpi sge, %select_n3A, %ge3A_200 : vector<128x1152xi32>
    %convert_element_type3A_202 = arith.extui %ge3A_201 : vector<128x1152xi1> to vector<128x1152xi32>
    %reduce_sum3A_203 = arith.constant dense<0> : vector<128xi32>
    %reduce_sum3A_204 = vector.multi_reduction <add>, %convert_element_type3A_202, %reduce_sum3A_203 [1] : vector<128x1152xi32> to vector<128xi32>
    %broadcast_in_dim3A_205 = vector.shape_cast %reduce_sum3A_204 : vector<128xi32> to vector<128x1xi32>
    %ge3A_206 = arith.constant 64 : i32
    %ge3A_207 = vector.broadcast %ge3A_206 : i32 to vector<128x1xi32>
    %ge3A_208 = arith.cmpi sge, %broadcast_in_dim3A_205, %ge3A_207 : vector<128x1xi32>
    %select_n3A_209 = arith.select %ge3A_208, %or3A_196, %select_n3A_193 : vector<128x1xi1>, vector<128x1xi32>
    %or3A_210 = arith.constant 16777216 : i32
    %or3A_211 = vector.broadcast %or3A_210 : i32 to vector<128x1xi32>
    %or3A_212 = arith.ori %select_n3A_209, %or3A_211 : vector<128x1xi32>
    %xor3A_213 = arith.constant -2147483648 : i32
    %xor3A_214 = vector.broadcast %xor3A_213 : i32 to vector<128x1xi32>
    %xor3A_215 = arith.xori %or3A_212, %xor3A_214 : vector<128x1xi32>
    %ge3A_216 = vector.broadcast %xor3A_215 : vector<128x1xi32> to vector<128x1152xi32>
    %ge3A_217 = arith.cmpi sge, %select_n3A, %ge3A_216 : vector<128x1152xi32>
    %convert_element_type3A_218 = arith.extui %ge3A_217 : vector<128x1152xi1> to vector<128x1152xi32>
    %reduce_sum3A_219 = arith.constant dense<0> : vector<128xi32>
    %reduce_sum3A_220 = vector.multi_reduction <add>, %convert_element_type3A_218, %reduce_sum3A_219 [1] : vector<128x1152xi32> to vector<128xi32>
    %broadcast_in_dim3A_221 = vector.shape_cast %reduce_sum3A_220 : vector<128xi32> to vector<128x1xi32>
    %ge3A_222 = arith.constant 64 : i32
    %ge3A_223 = vector.broadcast %ge3A_222 : i32 to vector<128x1xi32>
    %ge3A_224 = arith.cmpi sge, %broadcast_in_dim3A_221, %ge3A_223 : vector<128x1xi32>
    %select_n3A_225 = arith.select %ge3A_224, %or3A_212, %select_n3A_209 : vector<128x1xi1>, vector<128x1xi32>
    %or3A_226 = arith.constant 8388608 : i32
    %or3A_227 = vector.broadcast %or3A_226 : i32 to vector<128x1xi32>
    %or3A_228 = arith.ori %select_n3A_225, %or3A_227 : vector<128x1xi32>
    %xor3A_229 = arith.constant -2147483648 : i32
    %xor3A_230 = vector.broadcast %xor3A_229 : i32 to vector<128x1xi32>
    %xor3A_231 = arith.xori %or3A_228, %xor3A_230 : vector<128x1xi32>
    %ge3A_232 = vector.broadcast %xor3A_231 : vector<128x1xi32> to vector<128x1152xi32>
    %ge3A_233 = arith.cmpi sge, %select_n3A, %ge3A_232 : vector<128x1152xi32>
    %convert_element_type3A_234 = arith.extui %ge3A_233 : vector<128x1152xi1> to vector<128x1152xi32>
    %reduce_sum3A_235 = arith.constant dense<0> : vector<128xi32>
    %reduce_sum3A_236 = vector.multi_reduction <add>, %convert_element_type3A_234, %reduce_sum3A_235 [1] : vector<128x1152xi32> to vector<128xi32>
    %broadcast_in_dim3A_237 = vector.shape_cast %reduce_sum3A_236 : vector<128xi32> to vector<128x1xi32>
    %ge3A_238 = arith.constant 64 : i32
    %ge3A_239 = vector.broadcast %ge3A_238 : i32 to vector<128x1xi32>
    %ge3A_240 = arith.cmpi sge, %broadcast_in_dim3A_237, %ge3A_239 : vector<128x1xi32>
    %select_n3A_241 = arith.select %ge3A_240, %or3A_228, %select_n3A_225 : vector<128x1xi1>, vector<128x1xi32>
    %or3A_242 = arith.constant 4194304 : i32
    %or3A_243 = vector.broadcast %or3A_242 : i32 to vector<128x1xi32>
    %or3A_244 = arith.ori %select_n3A_241, %or3A_243 : vector<128x1xi32>
    %xor3A_245 = arith.constant -2147483648 : i32
    %xor3A_246 = vector.broadcast %xor3A_245 : i32 to vector<128x1xi32>
    %xor3A_247 = arith.xori %or3A_244, %xor3A_246 : vector<128x1xi32>
    %ge3A_248 = vector.broadcast %xor3A_247 : vector<128x1xi32> to vector<128x1152xi32>
    %ge3A_249 = arith.cmpi sge, %select_n3A, %ge3A_248 : vector<128x1152xi32>
    %convert_element_type3A_250 = arith.extui %ge3A_249 : vector<128x1152xi1> to vector<128x1152xi32>
    %reduce_sum3A_251 = arith.constant dense<0> : vector<128xi32>
    %reduce_sum3A_252 = vector.multi_reduction <add>, %convert_element_type3A_250, %reduce_sum3A_251 [1] : vector<128x1152xi32> to vector<128xi32>
    %broadcast_in_dim3A_253 = vector.shape_cast %reduce_sum3A_252 : vector<128xi32> to vector<128x1xi32>
    %ge3A_254 = arith.constant 64 : i32
    %ge3A_255 = vector.broadcast %ge3A_254 : i32 to vector<128x1xi32>
    %ge3A_256 = arith.cmpi sge, %broadcast_in_dim3A_253, %ge3A_255 : vector<128x1xi32>
    %select_n3A_257 = arith.select %ge3A_256, %or3A_244, %select_n3A_241 : vector<128x1xi1>, vector<128x1xi32>
    %or3A_258 = arith.constant 2097152 : i32
    %or3A_259 = vector.broadcast %or3A_258 : i32 to vector<128x1xi32>
    %or3A_260 = arith.ori %select_n3A_257, %or3A_259 : vector<128x1xi32>
    %xor3A_261 = arith.constant -2147483648 : i32
    %xor3A_262 = vector.broadcast %xor3A_261 : i32 to vector<128x1xi32>
    %xor3A_263 = arith.xori %or3A_260, %xor3A_262 : vector<128x1xi32>
    %ge3A_264 = vector.broadcast %xor3A_263 : vector<128x1xi32> to vector<128x1152xi32>
    %ge3A_265 = arith.cmpi sge, %select_n3A, %ge3A_264 : vector<128x1152xi32>
    %convert_element_type3A_266 = arith.extui %ge3A_265 : vector<128x1152xi1> to vector<128x1152xi32>
    %reduce_sum3A_267 = arith.constant dense<0> : vector<128xi32>
    %reduce_sum3A_268 = vector.multi_reduction <add>, %convert_element_type3A_266, %reduce_sum3A_267 [1] : vector<128x1152xi32> to vector<128xi32>
    %broadcast_in_dim3A_269 = vector.shape_cast %reduce_sum3A_268 : vector<128xi32> to vector<128x1xi32>
    %ge3A_270 = arith.constant 64 : i32
    %ge3A_271 = vector.broadcast %ge3A_270 : i32 to vector<128x1xi32>
    %ge3A_272 = arith.cmpi sge, %broadcast_in_dim3A_269, %ge3A_271 : vector<128x1xi32>
    %select_n3A_273 = arith.select %ge3A_272, %or3A_260, %select_n3A_257 : vector<128x1xi1>, vector<128x1xi32>
    %or3A_274 = arith.constant 1048576 : i32
    %or3A_275 = vector.broadcast %or3A_274 : i32 to vector<128x1xi32>
    %or3A_276 = arith.ori %select_n3A_273, %or3A_275 : vector<128x1xi32>
    %xor3A_277 = arith.constant -2147483648 : i32
    %xor3A_278 = vector.broadcast %xor3A_277 : i32 to vector<128x1xi32>
    %xor3A_279 = arith.xori %or3A_276, %xor3A_278 : vector<128x1xi32>
    %ge3A_280 = vector.broadcast %xor3A_279 : vector<128x1xi32> to vector<128x1152xi32>
    %ge3A_281 = arith.cmpi sge, %select_n3A, %ge3A_280 : vector<128x1152xi32>
    %convert_element_type3A_282 = arith.extui %ge3A_281 : vector<128x1152xi1> to vector<128x1152xi32>
    %reduce_sum3A_283 = arith.constant dense<0> : vector<128xi32>
    %reduce_sum3A_284 = vector.multi_reduction <add>, %convert_element_type3A_282, %reduce_sum3A_283 [1] : vector<128x1152xi32> to vector<128xi32>
    %broadcast_in_dim3A_285 = vector.shape_cast %reduce_sum3A_284 : vector<128xi32> to vector<128x1xi32>
    %ge3A_286 = arith.constant 64 : i32
    %ge3A_287 = vector.broadcast %ge3A_286 : i32 to vector<128x1xi32>
    %ge3A_288 = arith.cmpi sge, %broadcast_in_dim3A_285, %ge3A_287 : vector<128x1xi32>
    %select_n3A_289 = arith.select %ge3A_288, %or3A_276, %select_n3A_273 : vector<128x1xi1>, vector<128x1xi32>
    %or3A_290 = arith.constant 524288 : i32
    %or3A_291 = vector.broadcast %or3A_290 : i32 to vector<128x1xi32>
    %or3A_292 = arith.ori %select_n3A_289, %or3A_291 : vector<128x1xi32>
    %xor3A_293 = arith.constant -2147483648 : i32
    %xor3A_294 = vector.broadcast %xor3A_293 : i32 to vector<128x1xi32>
    %xor3A_295 = arith.xori %or3A_292, %xor3A_294 : vector<128x1xi32>
    %ge3A_296 = vector.broadcast %xor3A_295 : vector<128x1xi32> to vector<128x1152xi32>
    %ge3A_297 = arith.cmpi sge, %select_n3A, %ge3A_296 : vector<128x1152xi32>
    %convert_element_type3A_298 = arith.extui %ge3A_297 : vector<128x1152xi1> to vector<128x1152xi32>
    %reduce_sum3A_299 = arith.constant dense<0> : vector<128xi32>
    %reduce_sum3A_300 = vector.multi_reduction <add>, %convert_element_type3A_298, %reduce_sum3A_299 [1] : vector<128x1152xi32> to vector<128xi32>
    %broadcast_in_dim3A_301 = vector.shape_cast %reduce_sum3A_300 : vector<128xi32> to vector<128x1xi32>
    %ge3A_302 = arith.constant 64 : i32
    %ge3A_303 = vector.broadcast %ge3A_302 : i32 to vector<128x1xi32>
    %ge3A_304 = arith.cmpi sge, %broadcast_in_dim3A_301, %ge3A_303 : vector<128x1xi32>
    %select_n3A_305 = arith.select %ge3A_304, %or3A_292, %select_n3A_289 : vector<128x1xi1>, vector<128x1xi32>
    %or3A_306 = arith.constant 262144 : i32
    %or3A_307 = vector.broadcast %or3A_306 : i32 to vector<128x1xi32>
    %or3A_308 = arith.ori %select_n3A_305, %or3A_307 : vector<128x1xi32>
    %xor3A_309 = arith.constant -2147483648 : i32
    %xor3A_310 = vector.broadcast %xor3A_309 : i32 to vector<128x1xi32>
    %xor3A_311 = arith.xori %or3A_308, %xor3A_310 : vector<128x1xi32>
    %ge3A_312 = vector.broadcast %xor3A_311 : vector<128x1xi32> to vector<128x1152xi32>
    %ge3A_313 = arith.cmpi sge, %select_n3A, %ge3A_312 : vector<128x1152xi32>
    %convert_element_type3A_314 = arith.extui %ge3A_313 : vector<128x1152xi1> to vector<128x1152xi32>
    %reduce_sum3A_315 = arith.constant dense<0> : vector<128xi32>
    %reduce_sum3A_316 = vector.multi_reduction <add>, %convert_element_type3A_314, %reduce_sum3A_315 [1] : vector<128x1152xi32> to vector<128xi32>
    %broadcast_in_dim3A_317 = vector.shape_cast %reduce_sum3A_316 : vector<128xi32> to vector<128x1xi32>
    %ge3A_318 = arith.constant 64 : i32
    %ge3A_319 = vector.broadcast %ge3A_318 : i32 to vector<128x1xi32>
    %ge3A_320 = arith.cmpi sge, %broadcast_in_dim3A_317, %ge3A_319 : vector<128x1xi32>
    %select_n3A_321 = arith.select %ge3A_320, %or3A_308, %select_n3A_305 : vector<128x1xi1>, vector<128x1xi32>
    %or3A_322 = arith.constant 131072 : i32
    %or3A_323 = vector.broadcast %or3A_322 : i32 to vector<128x1xi32>
    %or3A_324 = arith.ori %select_n3A_321, %or3A_323 : vector<128x1xi32>
    %xor3A_325 = arith.constant -2147483648 : i32
    %xor3A_326 = vector.broadcast %xor3A_325 : i32 to vector<128x1xi32>
    %xor3A_327 = arith.xori %or3A_324, %xor3A_326 : vector<128x1xi32>
    %ge3A_328 = vector.broadcast %xor3A_327 : vector<128x1xi32> to vector<128x1152xi32>
    %ge3A_329 = arith.cmpi sge, %select_n3A, %ge3A_328 : vector<128x1152xi32>
    %convert_element_type3A_330 = arith.extui %ge3A_329 : vector<128x1152xi1> to vector<128x1152xi32>
    %reduce_sum3A_331 = arith.constant dense<0> : vector<128xi32>
    %reduce_sum3A_332 = vector.multi_reduction <add>, %convert_element_type3A_330, %reduce_sum3A_331 [1] : vector<128x1152xi32> to vector<128xi32>
    %broadcast_in_dim3A_333 = vector.shape_cast %reduce_sum3A_332 : vector<128xi32> to vector<128x1xi32>
    %ge3A_334 = arith.constant 64 : i32
    %ge3A_335 = vector.broadcast %ge3A_334 : i32 to vector<128x1xi32>
    %ge3A_336 = arith.cmpi sge, %broadcast_in_dim3A_333, %ge3A_335 : vector<128x1xi32>
    %select_n3A_337 = arith.select %ge3A_336, %or3A_324, %select_n3A_321 : vector<128x1xi1>, vector<128x1xi32>
    %or3A_338 = arith.constant 65536 : i32
    %or3A_339 = vector.broadcast %or3A_338 : i32 to vector<128x1xi32>
    %or3A_340 = arith.ori %select_n3A_337, %or3A_339 : vector<128x1xi32>
    %xor3A_341 = arith.constant -2147483648 : i32
    %xor3A_342 = vector.broadcast %xor3A_341 : i32 to vector<128x1xi32>
    %xor3A_343 = arith.xori %or3A_340, %xor3A_342 : vector<128x1xi32>
    %ge3A_344 = vector.broadcast %xor3A_343 : vector<128x1xi32> to vector<128x1152xi32>
    %ge3A_345 = arith.cmpi sge, %select_n3A, %ge3A_344 : vector<128x1152xi32>
    %convert_element_type3A_346 = arith.extui %ge3A_345 : vector<128x1152xi1> to vector<128x1152xi32>
    %reduce_sum3A_347 = arith.constant dense<0> : vector<128xi32>
    %reduce_sum3A_348 = vector.multi_reduction <add>, %convert_element_type3A_346, %reduce_sum3A_347 [1] : vector<128x1152xi32> to vector<128xi32>
    %broadcast_in_dim3A_349 = vector.shape_cast %reduce_sum3A_348 : vector<128xi32> to vector<128x1xi32>
    %ge3A_350 = arith.constant 64 : i32
    %ge3A_351 = vector.broadcast %ge3A_350 : i32 to vector<128x1xi32>
    %ge3A_352 = arith.cmpi sge, %broadcast_in_dim3A_349, %ge3A_351 : vector<128x1xi32>
    %select_n3A_353 = arith.select %ge3A_352, %or3A_340, %select_n3A_337 : vector<128x1xi1>, vector<128x1xi32>
    %or3A_354 = arith.constant 32768 : i32
    %or3A_355 = vector.broadcast %or3A_354 : i32 to vector<128x1xi32>
    %or3A_356 = arith.ori %select_n3A_353, %or3A_355 : vector<128x1xi32>
    %xor3A_357 = arith.constant -2147483648 : i32
    %xor3A_358 = vector.broadcast %xor3A_357 : i32 to vector<128x1xi32>
    %xor3A_359 = arith.xori %or3A_356, %xor3A_358 : vector<128x1xi32>
    %ge3A_360 = vector.broadcast %xor3A_359 : vector<128x1xi32> to vector<128x1152xi32>
    %ge3A_361 = arith.cmpi sge, %select_n3A, %ge3A_360 : vector<128x1152xi32>
    %convert_element_type3A_362 = arith.extui %ge3A_361 : vector<128x1152xi1> to vector<128x1152xi32>
    %reduce_sum3A_363 = arith.constant dense<0> : vector<128xi32>
    %reduce_sum3A_364 = vector.multi_reduction <add>, %convert_element_type3A_362, %reduce_sum3A_363 [1] : vector<128x1152xi32> to vector<128xi32>
    %broadcast_in_dim3A_365 = vector.shape_cast %reduce_sum3A_364 : vector<128xi32> to vector<128x1xi32>
    %ge3A_366 = arith.constant 64 : i32
    %ge3A_367 = vector.broadcast %ge3A_366 : i32 to vector<128x1xi32>
    %ge3A_368 = arith.cmpi sge, %broadcast_in_dim3A_365, %ge3A_367 : vector<128x1xi32>
    %select_n3A_369 = arith.select %ge3A_368, %or3A_356, %select_n3A_353 : vector<128x1xi1>, vector<128x1xi32>
    %or3A_370 = arith.constant 16384 : i32
    %or3A_371 = vector.broadcast %or3A_370 : i32 to vector<128x1xi32>
    %or3A_372 = arith.ori %select_n3A_369, %or3A_371 : vector<128x1xi32>
    %xor3A_373 = arith.constant -2147483648 : i32
    %xor3A_374 = vector.broadcast %xor3A_373 : i32 to vector<128x1xi32>
    %xor3A_375 = arith.xori %or3A_372, %xor3A_374 : vector<128x1xi32>
    %ge3A_376 = vector.broadcast %xor3A_375 : vector<128x1xi32> to vector<128x1152xi32>
    %ge3A_377 = arith.cmpi sge, %select_n3A, %ge3A_376 : vector<128x1152xi32>
    %convert_element_type3A_378 = arith.extui %ge3A_377 : vector<128x1152xi1> to vector<128x1152xi32>
    %reduce_sum3A_379 = arith.constant dense<0> : vector<128xi32>
    %reduce_sum3A_380 = vector.multi_reduction <add>, %convert_element_type3A_378, %reduce_sum3A_379 [1] : vector<128x1152xi32> to vector<128xi32>
    %broadcast_in_dim3A_381 = vector.shape_cast %reduce_sum3A_380 : vector<128xi32> to vector<128x1xi32>
    %ge3A_382 = arith.constant 64 : i32
    %ge3A_383 = vector.broadcast %ge3A_382 : i32 to vector<128x1xi32>
    %ge3A_384 = arith.cmpi sge, %broadcast_in_dim3A_381, %ge3A_383 : vector<128x1xi32>
    %select_n3A_385 = arith.select %ge3A_384, %or3A_372, %select_n3A_369 : vector<128x1xi1>, vector<128x1xi32>
    %or3A_386 = arith.constant 8192 : i32
    %or3A_387 = vector.broadcast %or3A_386 : i32 to vector<128x1xi32>
    %or3A_388 = arith.ori %select_n3A_385, %or3A_387 : vector<128x1xi32>
    %xor3A_389 = arith.constant -2147483648 : i32
    %xor3A_390 = vector.broadcast %xor3A_389 : i32 to vector<128x1xi32>
    %xor3A_391 = arith.xori %or3A_388, %xor3A_390 : vector<128x1xi32>
    %ge3A_392 = vector.broadcast %xor3A_391 : vector<128x1xi32> to vector<128x1152xi32>
    %ge3A_393 = arith.cmpi sge, %select_n3A, %ge3A_392 : vector<128x1152xi32>
    %convert_element_type3A_394 = arith.extui %ge3A_393 : vector<128x1152xi1> to vector<128x1152xi32>
    %reduce_sum3A_395 = arith.constant dense<0> : vector<128xi32>
    %reduce_sum3A_396 = vector.multi_reduction <add>, %convert_element_type3A_394, %reduce_sum3A_395 [1] : vector<128x1152xi32> to vector<128xi32>
    %broadcast_in_dim3A_397 = vector.shape_cast %reduce_sum3A_396 : vector<128xi32> to vector<128x1xi32>
    %ge3A_398 = arith.constant 64 : i32
    %ge3A_399 = vector.broadcast %ge3A_398 : i32 to vector<128x1xi32>
    %ge3A_400 = arith.cmpi sge, %broadcast_in_dim3A_397, %ge3A_399 : vector<128x1xi32>
    %select_n3A_401 = arith.select %ge3A_400, %or3A_388, %select_n3A_385 : vector<128x1xi1>, vector<128x1xi32>
    %or3A_402 = arith.constant 4096 : i32
    %or3A_403 = vector.broadcast %or3A_402 : i32 to vector<128x1xi32>
    %or3A_404 = arith.ori %select_n3A_401, %or3A_403 : vector<128x1xi32>
    %xor3A_405 = arith.constant -2147483648 : i32
    %xor3A_406 = vector.broadcast %xor3A_405 : i32 to vector<128x1xi32>
    %xor3A_407 = arith.xori %or3A_404, %xor3A_406 : vector<128x1xi32>
    %ge3A_408 = vector.broadcast %xor3A_407 : vector<128x1xi32> to vector<128x1152xi32>
    %ge3A_409 = arith.cmpi sge, %select_n3A, %ge3A_408 : vector<128x1152xi32>
    %convert_element_type3A_410 = arith.extui %ge3A_409 : vector<128x1152xi1> to vector<128x1152xi32>
    %reduce_sum3A_411 = arith.constant dense<0> : vector<128xi32>
    %reduce_sum3A_412 = vector.multi_reduction <add>, %convert_element_type3A_410, %reduce_sum3A_411 [1] : vector<128x1152xi32> to vector<128xi32>
    %broadcast_in_dim3A_413 = vector.shape_cast %reduce_sum3A_412 : vector<128xi32> to vector<128x1xi32>
    %ge3A_414 = arith.constant 64 : i32
    %ge3A_415 = vector.broadcast %ge3A_414 : i32 to vector<128x1xi32>
    %ge3A_416 = arith.cmpi sge, %broadcast_in_dim3A_413, %ge3A_415 : vector<128x1xi32>
    %select_n3A_417 = arith.select %ge3A_416, %or3A_404, %select_n3A_401 : vector<128x1xi1>, vector<128x1xi32>
    %or3A_418 = arith.constant 2048 : i32
    %or3A_419 = vector.broadcast %or3A_418 : i32 to vector<128x1xi32>
    %or3A_420 = arith.ori %select_n3A_417, %or3A_419 : vector<128x1xi32>
    %xor3A_421 = arith.constant -2147483648 : i32
    %xor3A_422 = vector.broadcast %xor3A_421 : i32 to vector<128x1xi32>
    %xor3A_423 = arith.xori %or3A_420, %xor3A_422 : vector<128x1xi32>
    %ge3A_424 = vector.broadcast %xor3A_423 : vector<128x1xi32> to vector<128x1152xi32>
    %ge3A_425 = arith.cmpi sge, %select_n3A, %ge3A_424 : vector<128x1152xi32>
    %convert_element_type3A_426 = arith.extui %ge3A_425 : vector<128x1152xi1> to vector<128x1152xi32>
    %reduce_sum3A_427 = arith.constant dense<0> : vector<128xi32>
    %reduce_sum3A_428 = vector.multi_reduction <add>, %convert_element_type3A_426, %reduce_sum3A_427 [1] : vector<128x1152xi32> to vector<128xi32>
    %broadcast_in_dim3A_429 = vector.shape_cast %reduce_sum3A_428 : vector<128xi32> to vector<128x1xi32>
    %ge3A_430 = arith.constant 64 : i32
    %ge3A_431 = vector.broadcast %ge3A_430 : i32 to vector<128x1xi32>
    %ge3A_432 = arith.cmpi sge, %broadcast_in_dim3A_429, %ge3A_431 : vector<128x1xi32>
    %select_n3A_433 = arith.select %ge3A_432, %or3A_420, %select_n3A_417 : vector<128x1xi1>, vector<128x1xi32>
    %or3A_434 = arith.constant 1024 : i32
    %or3A_435 = vector.broadcast %or3A_434 : i32 to vector<128x1xi32>
    %or3A_436 = arith.ori %select_n3A_433, %or3A_435 : vector<128x1xi32>
    %xor3A_437 = arith.constant -2147483648 : i32
    %xor3A_438 = vector.broadcast %xor3A_437 : i32 to vector<128x1xi32>
    %xor3A_439 = arith.xori %or3A_436, %xor3A_438 : vector<128x1xi32>
    %ge3A_440 = vector.broadcast %xor3A_439 : vector<128x1xi32> to vector<128x1152xi32>
    %ge3A_441 = arith.cmpi sge, %select_n3A, %ge3A_440 : vector<128x1152xi32>
    %convert_element_type3A_442 = arith.extui %ge3A_441 : vector<128x1152xi1> to vector<128x1152xi32>
    %reduce_sum3A_443 = arith.constant dense<0> : vector<128xi32>
    %reduce_sum3A_444 = vector.multi_reduction <add>, %convert_element_type3A_442, %reduce_sum3A_443 [1] : vector<128x1152xi32> to vector<128xi32>
    %broadcast_in_dim3A_445 = vector.shape_cast %reduce_sum3A_444 : vector<128xi32> to vector<128x1xi32>
    %ge3A_446 = arith.constant 64 : i32
    %ge3A_447 = vector.broadcast %ge3A_446 : i32 to vector<128x1xi32>
    %ge3A_448 = arith.cmpi sge, %broadcast_in_dim3A_445, %ge3A_447 : vector<128x1xi32>
    %select_n3A_449 = arith.select %ge3A_448, %or3A_436, %select_n3A_433 : vector<128x1xi1>, vector<128x1xi32>
    %or3A_450 = arith.constant 512 : i32
    %or3A_451 = vector.broadcast %or3A_450 : i32 to vector<128x1xi32>
    %or3A_452 = arith.ori %select_n3A_449, %or3A_451 : vector<128x1xi32>
    %xor3A_453 = arith.constant -2147483648 : i32
    %xor3A_454 = vector.broadcast %xor3A_453 : i32 to vector<128x1xi32>
    %xor3A_455 = arith.xori %or3A_452, %xor3A_454 : vector<128x1xi32>
    %ge3A_456 = vector.broadcast %xor3A_455 : vector<128x1xi32> to vector<128x1152xi32>
    %ge3A_457 = arith.cmpi sge, %select_n3A, %ge3A_456 : vector<128x1152xi32>
    %convert_element_type3A_458 = arith.extui %ge3A_457 : vector<128x1152xi1> to vector<128x1152xi32>
    %reduce_sum3A_459 = arith.constant dense<0> : vector<128xi32>
    %reduce_sum3A_460 = vector.multi_reduction <add>, %convert_element_type3A_458, %reduce_sum3A_459 [1] : vector<128x1152xi32> to vector<128xi32>
    %broadcast_in_dim3A_461 = vector.shape_cast %reduce_sum3A_460 : vector<128xi32> to vector<128x1xi32>
    %ge3A_462 = arith.constant 64 : i32
    %ge3A_463 = vector.broadcast %ge3A_462 : i32 to vector<128x1xi32>
    %ge3A_464 = arith.cmpi sge, %broadcast_in_dim3A_461, %ge3A_463 : vector<128x1xi32>
    %select_n3A_465 = arith.select %ge3A_464, %or3A_452, %select_n3A_449 : vector<128x1xi1>, vector<128x1xi32>
    %or3A_466 = arith.constant 256 : i32
    %or3A_467 = vector.broadcast %or3A_466 : i32 to vector<128x1xi32>
    %or3A_468 = arith.ori %select_n3A_465, %or3A_467 : vector<128x1xi32>
    %xor3A_469 = arith.constant -2147483648 : i32
    %xor3A_470 = vector.broadcast %xor3A_469 : i32 to vector<128x1xi32>
    %xor3A_471 = arith.xori %or3A_468, %xor3A_470 : vector<128x1xi32>
    %ge3A_472 = vector.broadcast %xor3A_471 : vector<128x1xi32> to vector<128x1152xi32>
    %ge3A_473 = arith.cmpi sge, %select_n3A, %ge3A_472 : vector<128x1152xi32>
    %convert_element_type3A_474 = arith.extui %ge3A_473 : vector<128x1152xi1> to vector<128x1152xi32>
    %reduce_sum3A_475 = arith.constant dense<0> : vector<128xi32>
    %reduce_sum3A_476 = vector.multi_reduction <add>, %convert_element_type3A_474, %reduce_sum3A_475 [1] : vector<128x1152xi32> to vector<128xi32>
    %broadcast_in_dim3A_477 = vector.shape_cast %reduce_sum3A_476 : vector<128xi32> to vector<128x1xi32>
    %ge3A_478 = arith.constant 64 : i32
    %ge3A_479 = vector.broadcast %ge3A_478 : i32 to vector<128x1xi32>
    %ge3A_480 = arith.cmpi sge, %broadcast_in_dim3A_477, %ge3A_479 : vector<128x1xi32>
    %select_n3A_481 = arith.select %ge3A_480, %or3A_468, %select_n3A_465 : vector<128x1xi1>, vector<128x1xi32>
    %or3A_482 = arith.constant 128 : i32
    %or3A_483 = vector.broadcast %or3A_482 : i32 to vector<128x1xi32>
    %or3A_484 = arith.ori %select_n3A_481, %or3A_483 : vector<128x1xi32>
    %xor3A_485 = arith.constant -2147483648 : i32
    %xor3A_486 = vector.broadcast %xor3A_485 : i32 to vector<128x1xi32>
    %xor3A_487 = arith.xori %or3A_484, %xor3A_486 : vector<128x1xi32>
    %ge3A_488 = vector.broadcast %xor3A_487 : vector<128x1xi32> to vector<128x1152xi32>
    %ge3A_489 = arith.cmpi sge, %select_n3A, %ge3A_488 : vector<128x1152xi32>
    %convert_element_type3A_490 = arith.extui %ge3A_489 : vector<128x1152xi1> to vector<128x1152xi32>
    %reduce_sum3A_491 = arith.constant dense<0> : vector<128xi32>
    %reduce_sum3A_492 = vector.multi_reduction <add>, %convert_element_type3A_490, %reduce_sum3A_491 [1] : vector<128x1152xi32> to vector<128xi32>
    %broadcast_in_dim3A_493 = vector.shape_cast %reduce_sum3A_492 : vector<128xi32> to vector<128x1xi32>
    %ge3A_494 = arith.constant 64 : i32
    %ge3A_495 = vector.broadcast %ge3A_494 : i32 to vector<128x1xi32>
    %ge3A_496 = arith.cmpi sge, %broadcast_in_dim3A_493, %ge3A_495 : vector<128x1xi32>
    %select_n3A_497 = arith.select %ge3A_496, %or3A_484, %select_n3A_481 : vector<128x1xi1>, vector<128x1xi32>
    %or3A_498 = arith.constant 64 : i32
    %or3A_499 = vector.broadcast %or3A_498 : i32 to vector<128x1xi32>
    %or3A_500 = arith.ori %select_n3A_497, %or3A_499 : vector<128x1xi32>
    %xor3A_501 = arith.constant -2147483648 : i32
    %xor3A_502 = vector.broadcast %xor3A_501 : i32 to vector<128x1xi32>
    %xor3A_503 = arith.xori %or3A_500, %xor3A_502 : vector<128x1xi32>
    %ge3A_504 = vector.broadcast %xor3A_503 : vector<128x1xi32> to vector<128x1152xi32>
    %ge3A_505 = arith.cmpi sge, %select_n3A, %ge3A_504 : vector<128x1152xi32>
    %convert_element_type3A_506 = arith.extui %ge3A_505 : vector<128x1152xi1> to vector<128x1152xi32>
    %reduce_sum3A_507 = arith.constant dense<0> : vector<128xi32>
    %reduce_sum3A_508 = vector.multi_reduction <add>, %convert_element_type3A_506, %reduce_sum3A_507 [1] : vector<128x1152xi32> to vector<128xi32>
    %broadcast_in_dim3A_509 = vector.shape_cast %reduce_sum3A_508 : vector<128xi32> to vector<128x1xi32>
    %ge3A_510 = arith.constant 64 : i32
    %ge3A_511 = vector.broadcast %ge3A_510 : i32 to vector<128x1xi32>
    %ge3A_512 = arith.cmpi sge, %broadcast_in_dim3A_509, %ge3A_511 : vector<128x1xi32>
    %select_n3A_513 = arith.select %ge3A_512, %or3A_500, %select_n3A_497 : vector<128x1xi1>, vector<128x1xi32>
    %or3A_514 = arith.constant 32 : i32
    %or3A_515 = vector.broadcast %or3A_514 : i32 to vector<128x1xi32>
    %or3A_516 = arith.ori %select_n3A_513, %or3A_515 : vector<128x1xi32>
    %xor3A_517 = arith.constant -2147483648 : i32
    %xor3A_518 = vector.broadcast %xor3A_517 : i32 to vector<128x1xi32>
    %xor3A_519 = arith.xori %or3A_516, %xor3A_518 : vector<128x1xi32>
    %ge3A_520 = vector.broadcast %xor3A_519 : vector<128x1xi32> to vector<128x1152xi32>
    %ge3A_521 = arith.cmpi sge, %select_n3A, %ge3A_520 : vector<128x1152xi32>
    %convert_element_type3A_522 = arith.extui %ge3A_521 : vector<128x1152xi1> to vector<128x1152xi32>
    %reduce_sum3A_523 = arith.constant dense<0> : vector<128xi32>
    %reduce_sum3A_524 = vector.multi_reduction <add>, %convert_element_type3A_522, %reduce_sum3A_523 [1] : vector<128x1152xi32> to vector<128xi32>
    %broadcast_in_dim3A_525 = vector.shape_cast %reduce_sum3A_524 : vector<128xi32> to vector<128x1xi32>
    %ge3A_526 = arith.constant 64 : i32
    %ge3A_527 = vector.broadcast %ge3A_526 : i32 to vector<128x1xi32>
    %ge3A_528 = arith.cmpi sge, %broadcast_in_dim3A_525, %ge3A_527 : vector<128x1xi32>
    %select_n3A_529 = arith.select %ge3A_528, %or3A_516, %select_n3A_513 : vector<128x1xi1>, vector<128x1xi32>
    %or3A_530 = arith.constant 16 : i32
    %or3A_531 = vector.broadcast %or3A_530 : i32 to vector<128x1xi32>
    %or3A_532 = arith.ori %select_n3A_529, %or3A_531 : vector<128x1xi32>
    %xor3A_533 = arith.constant -2147483648 : i32
    %xor3A_534 = vector.broadcast %xor3A_533 : i32 to vector<128x1xi32>
    %xor3A_535 = arith.xori %or3A_532, %xor3A_534 : vector<128x1xi32>
    %ge3A_536 = vector.broadcast %xor3A_535 : vector<128x1xi32> to vector<128x1152xi32>
    %ge3A_537 = arith.cmpi sge, %select_n3A, %ge3A_536 : vector<128x1152xi32>
    %convert_element_type3A_538 = arith.extui %ge3A_537 : vector<128x1152xi1> to vector<128x1152xi32>
    %reduce_sum3A_539 = arith.constant dense<0> : vector<128xi32>
    %reduce_sum3A_540 = vector.multi_reduction <add>, %convert_element_type3A_538, %reduce_sum3A_539 [1] : vector<128x1152xi32> to vector<128xi32>
    %broadcast_in_dim3A_541 = vector.shape_cast %reduce_sum3A_540 : vector<128xi32> to vector<128x1xi32>
    %ge3A_542 = arith.constant 64 : i32
    %ge3A_543 = vector.broadcast %ge3A_542 : i32 to vector<128x1xi32>
    %ge3A_544 = arith.cmpi sge, %broadcast_in_dim3A_541, %ge3A_543 : vector<128x1xi32>
    %select_n3A_545 = arith.select %ge3A_544, %or3A_532, %select_n3A_529 : vector<128x1xi1>, vector<128x1xi32>
    %or3A_546 = arith.constant 8 : i32
    %or3A_547 = vector.broadcast %or3A_546 : i32 to vector<128x1xi32>
    %or3A_548 = arith.ori %select_n3A_545, %or3A_547 : vector<128x1xi32>
    %xor3A_549 = arith.constant -2147483648 : i32
    %xor3A_550 = vector.broadcast %xor3A_549 : i32 to vector<128x1xi32>
    %xor3A_551 = arith.xori %or3A_548, %xor3A_550 : vector<128x1xi32>
    %ge3A_552 = vector.broadcast %xor3A_551 : vector<128x1xi32> to vector<128x1152xi32>
    %ge3A_553 = arith.cmpi sge, %select_n3A, %ge3A_552 : vector<128x1152xi32>
    %convert_element_type3A_554 = arith.extui %ge3A_553 : vector<128x1152xi1> to vector<128x1152xi32>
    %reduce_sum3A_555 = arith.constant dense<0> : vector<128xi32>
    %reduce_sum3A_556 = vector.multi_reduction <add>, %convert_element_type3A_554, %reduce_sum3A_555 [1] : vector<128x1152xi32> to vector<128xi32>
    %broadcast_in_dim3A_557 = vector.shape_cast %reduce_sum3A_556 : vector<128xi32> to vector<128x1xi32>
    %ge3A_558 = arith.constant 64 : i32
    %ge3A_559 = vector.broadcast %ge3A_558 : i32 to vector<128x1xi32>
    %ge3A_560 = arith.cmpi sge, %broadcast_in_dim3A_557, %ge3A_559 : vector<128x1xi32>
    %select_n3A_561 = arith.select %ge3A_560, %or3A_548, %select_n3A_545 : vector<128x1xi1>, vector<128x1xi32>
    %or3A_562 = arith.constant 4 : i32
    %or3A_563 = vector.broadcast %or3A_562 : i32 to vector<128x1xi32>
    %or3A_564 = arith.ori %select_n3A_561, %or3A_563 : vector<128x1xi32>
    %xor3A_565 = arith.constant -2147483648 : i32
    %xor3A_566 = vector.broadcast %xor3A_565 : i32 to vector<128x1xi32>
    %xor3A_567 = arith.xori %or3A_564, %xor3A_566 : vector<128x1xi32>
    %ge3A_568 = vector.broadcast %xor3A_567 : vector<128x1xi32> to vector<128x1152xi32>
    %ge3A_569 = arith.cmpi sge, %select_n3A, %ge3A_568 : vector<128x1152xi32>
    %convert_element_type3A_570 = arith.extui %ge3A_569 : vector<128x1152xi1> to vector<128x1152xi32>
    %reduce_sum3A_571 = arith.constant dense<0> : vector<128xi32>
    %reduce_sum3A_572 = vector.multi_reduction <add>, %convert_element_type3A_570, %reduce_sum3A_571 [1] : vector<128x1152xi32> to vector<128xi32>
    %broadcast_in_dim3A_573 = vector.shape_cast %reduce_sum3A_572 : vector<128xi32> to vector<128x1xi32>
    %ge3A_574 = arith.constant 64 : i32
    %ge3A_575 = vector.broadcast %ge3A_574 : i32 to vector<128x1xi32>
    %ge3A_576 = arith.cmpi sge, %broadcast_in_dim3A_573, %ge3A_575 : vector<128x1xi32>
    %select_n3A_577 = arith.select %ge3A_576, %or3A_564, %select_n3A_561 : vector<128x1xi1>, vector<128x1xi32>
    %or3A_578 = arith.constant 2 : i32
    %or3A_579 = vector.broadcast %or3A_578 : i32 to vector<128x1xi32>
    %or3A_580 = arith.ori %select_n3A_577, %or3A_579 : vector<128x1xi32>
    %xor3A_581 = arith.constant -2147483648 : i32
    %xor3A_582 = vector.broadcast %xor3A_581 : i32 to vector<128x1xi32>
    %xor3A_583 = arith.xori %or3A_580, %xor3A_582 : vector<128x1xi32>
    %ge3A_584 = vector.broadcast %xor3A_583 : vector<128x1xi32> to vector<128x1152xi32>
    %ge3A_585 = arith.cmpi sge, %select_n3A, %ge3A_584 : vector<128x1152xi32>
    %convert_element_type3A_586 = arith.extui %ge3A_585 : vector<128x1152xi1> to vector<128x1152xi32>
    %reduce_sum3A_587 = arith.constant dense<0> : vector<128xi32>
    %reduce_sum3A_588 = vector.multi_reduction <add>, %convert_element_type3A_586, %reduce_sum3A_587 [1] : vector<128x1152xi32> to vector<128xi32>
    %broadcast_in_dim3A_589 = vector.shape_cast %reduce_sum3A_588 : vector<128xi32> to vector<128x1xi32>
    %ge3A_590 = arith.constant 64 : i32
    %ge3A_591 = vector.broadcast %ge3A_590 : i32 to vector<128x1xi32>
    %ge3A_592 = arith.cmpi sge, %broadcast_in_dim3A_589, %ge3A_591 : vector<128x1xi32>
    %select_n3A_593 = arith.select %ge3A_592, %or3A_580, %select_n3A_577 : vector<128x1xi1>, vector<128x1xi32>
    %or3A_594 = arith.constant 1 : i32
    %or3A_595 = vector.broadcast %or3A_594 : i32 to vector<128x1xi32>
    %or3A_596 = arith.ori %select_n3A_593, %or3A_595 : vector<128x1xi32>
    %xor3A_597 = arith.constant -2147483648 : i32
    %xor3A_598 = vector.broadcast %xor3A_597 : i32 to vector<128x1xi32>
    %xor3A_599 = arith.xori %or3A_596, %xor3A_598 : vector<128x1xi32>
    %ge3A_600 = vector.broadcast %xor3A_599 : vector<128x1xi32> to vector<128x1152xi32>
    %ge3A_601 = arith.cmpi sge, %select_n3A, %ge3A_600 : vector<128x1152xi32>
    %convert_element_type3A_602 = arith.extui %ge3A_601 : vector<128x1152xi1> to vector<128x1152xi32>
    %reduce_sum3A_603 = arith.constant dense<0> : vector<128xi32>
    %reduce_sum3A_604 = vector.multi_reduction <add>, %convert_element_type3A_602, %reduce_sum3A_603 [1] : vector<128x1152xi32> to vector<128xi32>
    %broadcast_in_dim3A_605 = vector.shape_cast %reduce_sum3A_604 : vector<128xi32> to vector<128x1xi32>
    %ge3A_606 = arith.constant 64 : i32
    %ge3A_607 = vector.broadcast %ge3A_606 : i32 to vector<128x1xi32>
    %ge3A_608 = arith.cmpi sge, %broadcast_in_dim3A_605, %ge3A_607 : vector<128x1xi32>
    %select_n3A_609 = arith.select %ge3A_608, %or3A_596, %select_n3A_593 : vector<128x1xi1>, vector<128x1xi32>
    %xor3A_610 = arith.constant -2147483648 : i32
    %xor3A_611 = vector.broadcast %xor3A_610 : i32 to vector<128x1xi32>
    %xor3A_612 = arith.xori %select_n3A_609, %xor3A_611 : vector<128x1xi32>
    %gt3A = vector.broadcast %xor3A_612 : vector<128x1xi32> to vector<128x1152xi32>
    %gt3A_613 = arith.cmpi sgt, %select_n3A, %gt3A : vector<128x1152xi32>
    %convert_element_type3A_614 = arith.extui %gt3A_613 : vector<128x1152xi1> to vector<128x1152xi32>
    %eq3A = vector.broadcast %xor3A_612 : vector<128x1xi32> to vector<128x1152xi32>
    %eq3A_615 = arith.cmpi eq, %select_n3A, %eq3A : vector<128x1152xi32>
    %convert_element_type3A_616 = arith.extui %eq3A_615 : vector<128x1152xi1> to vector<128x1152xi32>
    %reduce_sum3A_617 = arith.constant dense<0> : vector<128xi32>
    %reduce_sum3A_618 = vector.multi_reduction <add>, %convert_element_type3A_614, %reduce_sum3A_617 [1] : vector<128x1152xi32> to vector<128xi32>
    %broadcast_in_dim3A_619 = vector.shape_cast %reduce_sum3A_618 : vector<128xi32> to vector<128x1xi32>
    %sub3A = arith.constant 64 : i32
    %sub3A_620 = vector.broadcast %sub3A : i32 to vector<128x1xi32>
    %sub3A_621 = arith.subi %sub3A_620, %broadcast_in_dim3A_619 : vector<128x1xi32>
    %broadcast_in_dim3A_622 = arith.constant 0 : i32
    %broadcast_in_dim3A_623 = vector.broadcast %broadcast_in_dim3A_622 : i32 to vector<128x1xi32>
    %slice3A_624 = vector.extract_strided_slice %convert_element_type3A_616 {offsets = [0, 0], sizes = [128, 1151], strides = [1, 1]} : vector<128x1152xi32> to vector<128x1151xi32>
    %concatenate3A_625 = tpu.concatenate %broadcast_in_dim3A_623, %slice3A_624 in 1 : vector<128x1xi32>, vector<128x1151xi32> -> vector<128x1152xi32>
    %add3A_626 = arith.addi %convert_element_type3A_616, %concatenate3A_625 : vector<128x1152xi32>
    %broadcast_in_dim3A_627 = arith.constant 0 : i32
    %broadcast_in_dim3A_628 = vector.broadcast %broadcast_in_dim3A_627 : i32 to vector<128x2xi32>
    %slice3A_629 = vector.extract_strided_slice %add3A_626 {offsets = [0, 0], sizes = [128, 1150], strides = [1, 1]} : vector<128x1152xi32> to vector<128x1150xi32>
    %concatenate3A_630 = tpu.concatenate %broadcast_in_dim3A_628, %slice3A_629 in 1 : vector<128x2xi32>, vector<128x1150xi32> -> vector<128x1152xi32>
    %add3A_631 = arith.addi %add3A_626, %concatenate3A_630 : vector<128x1152xi32>
    %broadcast_in_dim3A_632 = arith.constant 0 : i32
    %broadcast_in_dim3A_633 = vector.broadcast %broadcast_in_dim3A_632 : i32 to vector<128x4xi32>
    %slice3A_634 = vector.extract_strided_slice %add3A_631 {offsets = [0, 0], sizes = [128, 1148], strides = [1, 1]} : vector<128x1152xi32> to vector<128x1148xi32>
    %concatenate3A_635 = tpu.concatenate %broadcast_in_dim3A_633, %slice3A_634 in 1 : vector<128x4xi32>, vector<128x1148xi32> -> vector<128x1152xi32>
    %add3A_636 = arith.addi %add3A_631, %concatenate3A_635 : vector<128x1152xi32>
    %broadcast_in_dim3A_637 = arith.constant 0 : i32
    %broadcast_in_dim3A_638 = vector.broadcast %broadcast_in_dim3A_637 : i32 to vector<128x8xi32>
    %slice3A_639 = vector.extract_strided_slice %add3A_636 {offsets = [0, 0], sizes = [128, 1144], strides = [1, 1]} : vector<128x1152xi32> to vector<128x1144xi32>
    %concatenate3A_640 = tpu.concatenate %broadcast_in_dim3A_638, %slice3A_639 in 1 : vector<128x8xi32>, vector<128x1144xi32> -> vector<128x1152xi32>
    %add3A_641 = arith.addi %add3A_636, %concatenate3A_640 : vector<128x1152xi32>
    %broadcast_in_dim3A_642 = arith.constant 0 : i32
    %broadcast_in_dim3A_643 = vector.broadcast %broadcast_in_dim3A_642 : i32 to vector<128x16xi32>
    %slice3A_644 = vector.extract_strided_slice %add3A_641 {offsets = [0, 0], sizes = [128, 1136], strides = [1, 1]} : vector<128x1152xi32> to vector<128x1136xi32>
    %concatenate3A_645 = tpu.concatenate %broadcast_in_dim3A_643, %slice3A_644 in 1 : vector<128x16xi32>, vector<128x1136xi32> -> vector<128x1152xi32>
    %add3A_646 = arith.addi %add3A_641, %concatenate3A_645 : vector<128x1152xi32>
    %broadcast_in_dim3A_647 = arith.constant 0 : i32
    %broadcast_in_dim3A_648 = vector.broadcast %broadcast_in_dim3A_647 : i32 to vector<128x32xi32>
    %slice3A_649 = vector.extract_strided_slice %add3A_646 {offsets = [0, 0], sizes = [128, 1120], strides = [1, 1]} : vector<128x1152xi32> to vector<128x1120xi32>
    %concatenate3A_650 = tpu.concatenate %broadcast_in_dim3A_648, %slice3A_649 in 1 : vector<128x32xi32>, vector<128x1120xi32> -> vector<128x1152xi32>
    %add3A_651 = arith.addi %add3A_646, %concatenate3A_650 : vector<128x1152xi32>
    %broadcast_in_dim3A_652 = arith.constant 0 : i32
    %broadcast_in_dim3A_653 = vector.broadcast %broadcast_in_dim3A_652 : i32 to vector<128x64xi32>
    %slice3A_654 = vector.extract_strided_slice %add3A_651 {offsets = [0, 0], sizes = [128, 1088], strides = [1, 1]} : vector<128x1152xi32> to vector<128x1088xi32>
    %concatenate3A_655 = tpu.concatenate %broadcast_in_dim3A_653, %slice3A_654 in 1 : vector<128x64xi32>, vector<128x1088xi32> -> vector<128x1152xi32>
    %add3A_656 = arith.addi %add3A_651, %concatenate3A_655 : vector<128x1152xi32>
    %broadcast_in_dim3A_657 = arith.constant 0 : i32
    %broadcast_in_dim3A_658 = vector.broadcast %broadcast_in_dim3A_657 : i32 to vector<128x128xi32>
    %slice3A_659 = vector.extract_strided_slice %add3A_656 {offsets = [0, 0], sizes = [128, 1024], strides = [1, 1]} : vector<128x1152xi32> to vector<128x1024xi32>
    %concatenate3A_660 = tpu.concatenate %broadcast_in_dim3A_658, %slice3A_659 in 1 : vector<128x128xi32>, vector<128x1024xi32> -> vector<128x1152xi32>
    %add3A_661 = arith.addi %add3A_656, %concatenate3A_660 : vector<128x1152xi32>
    %broadcast_in_dim3A_662 = arith.constant 0 : i32
    %broadcast_in_dim3A_663 = vector.broadcast %broadcast_in_dim3A_662 : i32 to vector<128x256xi32>
    %slice3A_664 = vector.extract_strided_slice %add3A_661 {offsets = [0, 0], sizes = [128, 896], strides = [1, 1]} : vector<128x1152xi32> to vector<128x896xi32>
    %concatenate3A_665 = tpu.concatenate %broadcast_in_dim3A_663, %slice3A_664 in 1 : vector<128x256xi32>, vector<128x896xi32> -> vector<128x1152xi32>
    %add3A_666 = arith.addi %add3A_661, %concatenate3A_665 : vector<128x1152xi32>
    %broadcast_in_dim3A_667 = arith.constant 0 : i32
    %broadcast_in_dim3A_668 = vector.broadcast %broadcast_in_dim3A_667 : i32 to vector<128x512xi32>
    %slice3A_669 = vector.extract_strided_slice %add3A_666 {offsets = [0, 0], sizes = [128, 640], strides = [1, 1]} : vector<128x1152xi32> to vector<128x640xi32>
    %concatenate3A_670 = tpu.concatenate %broadcast_in_dim3A_668, %slice3A_669 in 1 : vector<128x512xi32>, vector<128x640xi32> -> vector<128x1152xi32>
    %add3A_671 = arith.addi %add3A_666, %concatenate3A_670 : vector<128x1152xi32>
    %broadcast_in_dim3A_672 = arith.constant 0 : i32
    %broadcast_in_dim3A_673 = vector.broadcast %broadcast_in_dim3A_672 : i32 to vector<128x1024xi32>
    %slice3A_674 = vector.extract_strided_slice %add3A_671 {offsets = [0, 0], sizes = [128, 128], strides = [1, 1]} : vector<128x1152xi32> to vector<128x128xi32>
    %concatenate3A_675 = tpu.concatenate %broadcast_in_dim3A_673, %slice3A_674 in 1 : vector<128x1024xi32>, vector<128x128xi32> -> vector<128x1152xi32>
    %add3A_676 = arith.addi %add3A_671, %concatenate3A_675 : vector<128x1152xi32>
    %sub3A_677 = arith.subi %add3A_676, %convert_element_type3A_616 : vector<128x1152xi32>
    %lt3A_678 = vector.broadcast %sub3A_621 : vector<128x1xi32> to vector<128x1152xi32>
    %lt3A_679 = arith.cmpi slt, %sub3A_677, %lt3A_678 : vector<128x1152xi32>
    %convert_element_type3A_680 = arith.extui %lt3A_679 : vector<128x1152xi1> to vector<128x1152xi32>
    %and3A_681 = arith.andi %convert_element_type3A_616, %convert_element_type3A_680 : vector<128x1152xi32>
    %or3A_682 = arith.ori %convert_element_type3A_614, %and3A_681 : vector<128x1152xi32>
    %broadcast_in_dim3A_683 = arith.constant 0 : i32
    %broadcast_in_dim3A_684 = vector.broadcast %broadcast_in_dim3A_683 : i32 to vector<128x1xi32>
    %slice3A_685 = vector.extract_strided_slice %or3A_682 {offsets = [0, 0], sizes = [128, 1151], strides = [1, 1]} : vector<128x1152xi32> to vector<128x1151xi32>
    %concatenate3A_686 = tpu.concatenate %broadcast_in_dim3A_684, %slice3A_685 in 1 : vector<128x1xi32>, vector<128x1151xi32> -> vector<128x1152xi32>
    %add3A_687 = arith.addi %or3A_682, %concatenate3A_686 : vector<128x1152xi32>
    %broadcast_in_dim3A_688 = arith.constant 0 : i32
    %broadcast_in_dim3A_689 = vector.broadcast %broadcast_in_dim3A_688 : i32 to vector<128x2xi32>
    %slice3A_690 = vector.extract_strided_slice %add3A_687 {offsets = [0, 0], sizes = [128, 1150], strides = [1, 1]} : vector<128x1152xi32> to vector<128x1150xi32>
    %concatenate3A_691 = tpu.concatenate %broadcast_in_dim3A_689, %slice3A_690 in 1 : vector<128x2xi32>, vector<128x1150xi32> -> vector<128x1152xi32>
    %add3A_692 = arith.addi %add3A_687, %concatenate3A_691 : vector<128x1152xi32>
    %broadcast_in_dim3A_693 = arith.constant 0 : i32
    %broadcast_in_dim3A_694 = vector.broadcast %broadcast_in_dim3A_693 : i32 to vector<128x4xi32>
    %slice3A_695 = vector.extract_strided_slice %add3A_692 {offsets = [0, 0], sizes = [128, 1148], strides = [1, 1]} : vector<128x1152xi32> to vector<128x1148xi32>
    %concatenate3A_696 = tpu.concatenate %broadcast_in_dim3A_694, %slice3A_695 in 1 : vector<128x4xi32>, vector<128x1148xi32> -> vector<128x1152xi32>
    %add3A_697 = arith.addi %add3A_692, %concatenate3A_696 : vector<128x1152xi32>
    %broadcast_in_dim3A_698 = arith.constant 0 : i32
    %broadcast_in_dim3A_699 = vector.broadcast %broadcast_in_dim3A_698 : i32 to vector<128x8xi32>
    %slice3A_700 = vector.extract_strided_slice %add3A_697 {offsets = [0, 0], sizes = [128, 1144], strides = [1, 1]} : vector<128x1152xi32> to vector<128x1144xi32>
    %concatenate3A_701 = tpu.concatenate %broadcast_in_dim3A_699, %slice3A_700 in 1 : vector<128x8xi32>, vector<128x1144xi32> -> vector<128x1152xi32>
    %add3A_702 = arith.addi %add3A_697, %concatenate3A_701 : vector<128x1152xi32>
    %broadcast_in_dim3A_703 = arith.constant 0 : i32
    %broadcast_in_dim3A_704 = vector.broadcast %broadcast_in_dim3A_703 : i32 to vector<128x16xi32>
    %slice3A_705 = vector.extract_strided_slice %add3A_702 {offsets = [0, 0], sizes = [128, 1136], strides = [1, 1]} : vector<128x1152xi32> to vector<128x1136xi32>
    %concatenate3A_706 = tpu.concatenate %broadcast_in_dim3A_704, %slice3A_705 in 1 : vector<128x16xi32>, vector<128x1136xi32> -> vector<128x1152xi32>
    %add3A_707 = arith.addi %add3A_702, %concatenate3A_706 : vector<128x1152xi32>
    %broadcast_in_dim3A_708 = arith.constant 0 : i32
    %broadcast_in_dim3A_709 = vector.broadcast %broadcast_in_dim3A_708 : i32 to vector<128x32xi32>
    %slice3A_710 = vector.extract_strided_slice %add3A_707 {offsets = [0, 0], sizes = [128, 1120], strides = [1, 1]} : vector<128x1152xi32> to vector<128x1120xi32>
    %concatenate3A_711 = tpu.concatenate %broadcast_in_dim3A_709, %slice3A_710 in 1 : vector<128x32xi32>, vector<128x1120xi32> -> vector<128x1152xi32>
    %add3A_712 = arith.addi %add3A_707, %concatenate3A_711 : vector<128x1152xi32>
    %broadcast_in_dim3A_713 = arith.constant 0 : i32
    %broadcast_in_dim3A_714 = vector.broadcast %broadcast_in_dim3A_713 : i32 to vector<128x64xi32>
    %slice3A_715 = vector.extract_strided_slice %add3A_712 {offsets = [0, 0], sizes = [128, 1088], strides = [1, 1]} : vector<128x1152xi32> to vector<128x1088xi32>
    %concatenate3A_716 = tpu.concatenate %broadcast_in_dim3A_714, %slice3A_715 in 1 : vector<128x64xi32>, vector<128x1088xi32> -> vector<128x1152xi32>
    %add3A_717 = arith.addi %add3A_712, %concatenate3A_716 : vector<128x1152xi32>
    %broadcast_in_dim3A_718 = arith.constant 0 : i32
    %broadcast_in_dim3A_719 = vector.broadcast %broadcast_in_dim3A_718 : i32 to vector<128x128xi32>
    %slice3A_720 = vector.extract_strided_slice %add3A_717 {offsets = [0, 0], sizes = [128, 1024], strides = [1, 1]} : vector<128x1152xi32> to vector<128x1024xi32>
    %concatenate3A_721 = tpu.concatenate %broadcast_in_dim3A_719, %slice3A_720 in 1 : vector<128x128xi32>, vector<128x1024xi32> -> vector<128x1152xi32>
    %add3A_722 = arith.addi %add3A_717, %concatenate3A_721 : vector<128x1152xi32>
    %broadcast_in_dim3A_723 = arith.constant 0 : i32
    %broadcast_in_dim3A_724 = vector.broadcast %broadcast_in_dim3A_723 : i32 to vector<128x256xi32>
    %slice3A_725 = vector.extract_strided_slice %add3A_722 {offsets = [0, 0], sizes = [128, 896], strides = [1, 1]} : vector<128x1152xi32> to vector<128x896xi32>
    %concatenate3A_726 = tpu.concatenate %broadcast_in_dim3A_724, %slice3A_725 in 1 : vector<128x256xi32>, vector<128x896xi32> -> vector<128x1152xi32>
    %add3A_727 = arith.addi %add3A_722, %concatenate3A_726 : vector<128x1152xi32>
    %broadcast_in_dim3A_728 = arith.constant 0 : i32
    %broadcast_in_dim3A_729 = vector.broadcast %broadcast_in_dim3A_728 : i32 to vector<128x512xi32>
    %slice3A_730 = vector.extract_strided_slice %add3A_727 {offsets = [0, 0], sizes = [128, 640], strides = [1, 1]} : vector<128x1152xi32> to vector<128x640xi32>
    %concatenate3A_731 = tpu.concatenate %broadcast_in_dim3A_729, %slice3A_730 in 1 : vector<128x512xi32>, vector<128x640xi32> -> vector<128x1152xi32>
    %add3A_732 = arith.addi %add3A_727, %concatenate3A_731 : vector<128x1152xi32>
    %broadcast_in_dim3A_733 = arith.constant 0 : i32
    %broadcast_in_dim3A_734 = vector.broadcast %broadcast_in_dim3A_733 : i32 to vector<128x1024xi32>
    %slice3A_735 = vector.extract_strided_slice %add3A_732 {offsets = [0, 0], sizes = [128, 128], strides = [1, 1]} : vector<128x1152xi32> to vector<128x128xi32>
    %concatenate3A_736 = tpu.concatenate %broadcast_in_dim3A_734, %slice3A_735 in 1 : vector<128x1024xi32>, vector<128x128xi32> -> vector<128x1152xi32>
    %add3A_737 = arith.addi %add3A_732, %concatenate3A_736 : vector<128x1152xi32>
    %sub3A_738 = arith.subi %add3A_737, %or3A_682 : vector<128x1152xi32>
    %iota3A = tpu.iota {dimensions = array<i32: 2>} : vector<1x1x1152xi32>
    %iota3A_739 = tpu.iota {dimensions = array<i32: 1>} : vector<1x64x1xi32>
    %slice3A_740 = vector.extract_strided_slice %or3A_682 {offsets = [0, 0], sizes = [16, 1152], strides = [1, 1]} : vector<128x1152xi32> to vector<16x1152xi32>
    %broadcast_in_dim3A_741 = vector.shape_cast %slice3A_740 : vector<16x1152xi32> to vector<16x1x1152xi32>
    %slice3A_742 = vector.extract_strided_slice %sub3A_738 {offsets = [0, 0], sizes = [16, 1152], strides = [1, 1]} : vector<128x1152xi32> to vector<16x1152xi32>
    %broadcast_in_dim3A_743 = vector.shape_cast %slice3A_742 : vector<16x1152xi32> to vector<16x1x1152xi32>
    %eq3A_744 = vector.broadcast %broadcast_in_dim3A_743 : vector<16x1x1152xi32> to vector<16x64x1152xi32>
    %eq3A_745 = vector.broadcast %iota3A_739 : vector<1x64x1xi32> to vector<16x64x1152xi32>
    %eq3A_746 = arith.cmpi eq, %eq3A_744, %eq3A_745 : vector<16x64x1152xi32>
    %gt3A_747 = arith.constant 0 : i32
    %gt3A_748 = vector.broadcast %gt3A_747 : i32 to vector<16x1x1152xi32>
    %gt3A_749 = arith.cmpi sgt, %broadcast_in_dim3A_741, %gt3A_748 : vector<16x1x1152xi32>
    %and3A_750 = vector.broadcast %gt3A_749 : vector<16x1x1152xi1> to vector<16x64x1152xi1>
    %and3A_751 = arith.andi %eq3A_746, %and3A_750 : vector<16x64x1152xi1>
    %jit3A = arith.constant 0 : i32
    %broadcast_in_dim3A_752 = vector.shape_cast %iota3A : vector<1x1x1152xi32> to vector<1x1x1152xi32>
    %broadcast_in_dim3A_753 = vector.broadcast %broadcast_in_dim3A_752 : vector<1x1x1152xi32> to vector<16x64x1152xi32>
    %broadcast_in_dim3A_754 = vector.broadcast %jit3A : i32 to vector<16x64x1152xi32>
    %select_n3A_755 = arith.select %and3A_751, %broadcast_in_dim3A_753, %broadcast_in_dim3A_754 : vector<16x64x1152xi1>, vector<16x64x1152xi32>
    %reduce_sum3A_756 = arith.constant dense<0> : vector<16x64xi32>
    %reduce_sum3A_757 = vector.multi_reduction <add>, %select_n3A_755, %reduce_sum3A_756 [2] : vector<16x64x1152xi32> to vector<16x64xi32>
    %swap3A_758 = arith.constant 0 : index
    %swap3A_759 = arith.constant 0 : index
    %swap3A_760 = arith.constant 0 : index
    %swap3A_761 = vector.load %arg9[%swap3A_758, %swap3A_759, %swap3A_760] : memref<1x128x64xi32, #tpu.memory_space<vmem>>, vector<1x16x64xi32>
    %swap3A_762 = vector.shape_cast %swap3A_761 : vector<1x16x64xi32> to vector<16x64xi32>
    %swap3A_763 = vector.shape_cast %reduce_sum3A_757 : vector<16x64xi32> to vector<1x16x64xi32>
    tpu.vector_store %arg9[%swap3A_758, %swap3A_759, %swap3A_760], %swap3A_763 {strides = array<i32>} : memref<1x128x64xi32, #tpu.memory_space<vmem>>, vector<1x16x64xi32>,
    %slice3A_764 = vector.extract_strided_slice %concatenate3A {offsets = [0, 0], sizes = [16, 1152], strides = [1, 1]} : vector<128x1152xf32> to vector<16x1152xf32>
    %broadcast_in_dim3A_765 = vector.shape_cast %slice3A_764 : vector<16x1152xf32> to vector<16x1x1152xf32>
    %jit3A_766 = arith.constant 0.000000e+00 : f32
    %broadcast_in_dim3A_767 = vector.shape_cast %broadcast_in_dim3A_765 : vector<16x1x1152xf32> to vector<16x1x1152xf32>
    %broadcast_in_dim3A_768 = vector.broadcast %broadcast_in_dim3A_767 : vector<16x1x1152xf32> to vector<16x64x1152xf32>
    %broadcast_in_dim3A_769 = vector.broadcast %jit3A_766 : f32 to vector<16x64x1152xf32>
    %select_n3A_770 = arith.select %and3A_751, %broadcast_in_dim3A_768, %broadcast_in_dim3A_769 : vector<16x64x1152xi1>, vector<16x64x1152xf32>
    %reduce_sum3A_771 = arith.constant dense<0.000000e+00> : vector<16x64xf32>
    %reduce_sum3A_772 = vector.multi_reduction <add>, %select_n3A_770, %reduce_sum3A_771 [2] : vector<16x64x1152xf32> to vector<16x64xf32>
    %swap3A_773 = arith.constant 0 : index
    %swap3A_774 = arith.constant 0 : index
    %swap3A_775 = arith.constant 0 : index
    %swap3A_776 = vector.load %arg10[%swap3A_773, %swap3A_774, %swap3A_775] : memref<1x128x64xf32, #tpu.memory_space<vmem>>, vector<1x16x64xf32>
    %swap3A_777 = vector.shape_cast %swap3A_776 : vector<1x16x64xf32> to vector<16x64xf32>
    %swap3A_778 = vector.shape_cast %reduce_sum3A_772 : vector<16x64xf32> to vector<1x16x64xf32>
    tpu.vector_store %arg10[%swap3A_773, %swap3A_774, %swap3A_775], %swap3A_778 {strides = array<i32>} : memref<1x128x64xf32, #tpu.memory_space<vmem>>, vector<1x16x64xf32>,
    %slice3A_779 = vector.extract_strided_slice %or3A_682 {offsets = [16, 0], sizes = [16, 1152], strides = [1, 1]} : vector<128x1152xi32> to vector<16x1152xi32>
    %broadcast_in_dim3A_780 = vector.shape_cast %slice3A_779 : vector<16x1152xi32> to vector<16x1x1152xi32>
    %slice3A_781 = vector.extract_strided_slice %sub3A_738 {offsets = [16, 0], sizes = [16, 1152], strides = [1, 1]} : vector<128x1152xi32> to vector<16x1152xi32>
    %broadcast_in_dim3A_782 = vector.shape_cast %slice3A_781 : vector<16x1152xi32> to vector<16x1x1152xi32>
    %eq3A_783 = vector.broadcast %broadcast_in_dim3A_782 : vector<16x1x1152xi32> to vector<16x64x1152xi32>
    %eq3A_784 = vector.broadcast %iota3A_739 : vector<1x64x1xi32> to vector<16x64x1152xi32>
    %eq3A_785 = arith.cmpi eq, %eq3A_783, %eq3A_784 : vector<16x64x1152xi32>
    %gt3A_786 = arith.constant 0 : i32
    %gt3A_787 = vector.broadcast %gt3A_786 : i32 to vector<16x1x1152xi32>
    %gt3A_788 = arith.cmpi sgt, %broadcast_in_dim3A_780, %gt3A_787 : vector<16x1x1152xi32>
    %and3A_789 = vector.broadcast %gt3A_788 : vector<16x1x1152xi1> to vector<16x64x1152xi1>
    %and3A_790 = arith.andi %eq3A_785, %and3A_789 : vector<16x64x1152xi1>
    %jit3A_791 = arith.constant 0 : i32
    %broadcast_in_dim3A_792 = vector.shape_cast %iota3A : vector<1x1x1152xi32> to vector<1x1x1152xi32>
    %broadcast_in_dim3A_793 = vector.broadcast %broadcast_in_dim3A_792 : vector<1x1x1152xi32> to vector<16x64x1152xi32>
    %broadcast_in_dim3A_794 = vector.broadcast %jit3A_791 : i32 to vector<16x64x1152xi32>
    %select_n3A_795 = arith.select %and3A_790, %broadcast_in_dim3A_793, %broadcast_in_dim3A_794 : vector<16x64x1152xi1>, vector<16x64x1152xi32>
    %reduce_sum3A_796 = arith.constant dense<0> : vector<16x64xi32>
    %reduce_sum3A_797 = vector.multi_reduction <add>, %select_n3A_795, %reduce_sum3A_796 [2] : vector<16x64x1152xi32> to vector<16x64xi32>
    %swap3A_798 = arith.constant 0 : index
    %swap3A_799 = arith.constant 16 : index
    %swap3A_800 = arith.constant 0 : index
    %swap3A_801 = vector.load %arg9[%swap3A_798, %swap3A_799, %swap3A_800] : memref<1x128x64xi32, #tpu.memory_space<vmem>>, vector<1x16x64xi32>
    %swap3A_802 = vector.shape_cast %swap3A_801 : vector<1x16x64xi32> to vector<16x64xi32>
    %swap3A_803 = vector.shape_cast %reduce_sum3A_797 : vector<16x64xi32> to vector<1x16x64xi32>
    tpu.vector_store %arg9[%swap3A_798, %swap3A_799, %swap3A_800], %swap3A_803 {strides = array<i32>} : memref<1x128x64xi32, #tpu.memory_space<vmem>>, vector<1x16x64xi32>,
    %slice3A_804 = vector.extract_strided_slice %concatenate3A {offsets = [16, 0], sizes = [16, 1152], strides = [1, 1]} : vector<128x1152xf32> to vector<16x1152xf32>
    %broadcast_in_dim3A_805 = vector.shape_cast %slice3A_804 : vector<16x1152xf32> to vector<16x1x1152xf32>
    %jit3A_806 = arith.constant 0.000000e+00 : f32
    %broadcast_in_dim3A_807 = vector.shape_cast %broadcast_in_dim3A_805 : vector<16x1x1152xf32> to vector<16x1x1152xf32>
    %broadcast_in_dim3A_808 = vector.broadcast %broadcast_in_dim3A_807 : vector<16x1x1152xf32> to vector<16x64x1152xf32>
    %broadcast_in_dim3A_809 = vector.broadcast %jit3A_806 : f32 to vector<16x64x1152xf32>
    %select_n3A_810 = arith.select %and3A_790, %broadcast_in_dim3A_808, %broadcast_in_dim3A_809 : vector<16x64x1152xi1>, vector<16x64x1152xf32>
    %reduce_sum3A_811 = arith.constant dense<0.000000e+00> : vector<16x64xf32>
    %reduce_sum3A_812 = vector.multi_reduction <add>, %select_n3A_810, %reduce_sum3A_811 [2] : vector<16x64x1152xf32> to vector<16x64xf32>
    %swap3A_813 = arith.constant 0 : index
    %swap3A_814 = arith.constant 16 : index
    %swap3A_815 = arith.constant 0 : index
    %swap3A_816 = vector.load %arg10[%swap3A_813, %swap3A_814, %swap3A_815] : memref<1x128x64xf32, #tpu.memory_space<vmem>>, vector<1x16x64xf32>
    %swap3A_817 = vector.shape_cast %swap3A_816 : vector<1x16x64xf32> to vector<16x64xf32>
    %swap3A_818 = vector.shape_cast %reduce_sum3A_812 : vector<16x64xf32> to vector<1x16x64xf32>
    tpu.vector_store %arg10[%swap3A_813, %swap3A_814, %swap3A_815], %swap3A_818 {strides = array<i32>} : memref<1x128x64xf32, #tpu.memory_space<vmem>>, vector<1x16x64xf32>,
    %slice3A_819 = vector.extract_strided_slice %or3A_682 {offsets = [32, 0], sizes = [16, 1152], strides = [1, 1]} : vector<128x1152xi32> to vector<16x1152xi32>
    %broadcast_in_dim3A_820 = vector.shape_cast %slice3A_819 : vector<16x1152xi32> to vector<16x1x1152xi32>
    %slice3A_821 = vector.extract_strided_slice %sub3A_738 {offsets = [32, 0], sizes = [16, 1152], strides = [1, 1]} : vector<128x1152xi32> to vector<16x1152xi32>
    %broadcast_in_dim3A_822 = vector.shape_cast %slice3A_821 : vector<16x1152xi32> to vector<16x1x1152xi32>
    %eq3A_823 = vector.broadcast %broadcast_in_dim3A_822 : vector<16x1x1152xi32> to vector<16x64x1152xi32>
    %eq3A_824 = vector.broadcast %iota3A_739 : vector<1x64x1xi32> to vector<16x64x1152xi32>
    %eq3A_825 = arith.cmpi eq, %eq3A_823, %eq3A_824 : vector<16x64x1152xi32>
    %gt3A_826 = arith.constant 0 : i32
    %gt3A_827 = vector.broadcast %gt3A_826 : i32 to vector<16x1x1152xi32>
    %gt3A_828 = arith.cmpi sgt, %broadcast_in_dim3A_820, %gt3A_827 : vector<16x1x1152xi32>
    %and3A_829 = vector.broadcast %gt3A_828 : vector<16x1x1152xi1> to vector<16x64x1152xi1>
    %and3A_830 = arith.andi %eq3A_825, %and3A_829 : vector<16x64x1152xi1>
    %jit3A_831 = arith.constant 0 : i32
    %broadcast_in_dim3A_832 = vector.shape_cast %iota3A : vector<1x1x1152xi32> to vector<1x1x1152xi32>
    %broadcast_in_dim3A_833 = vector.broadcast %broadcast_in_dim3A_832 : vector<1x1x1152xi32> to vector<16x64x1152xi32>
    %broadcast_in_dim3A_834 = vector.broadcast %jit3A_831 : i32 to vector<16x64x1152xi32>
    %select_n3A_835 = arith.select %and3A_830, %broadcast_in_dim3A_833, %broadcast_in_dim3A_834 : vector<16x64x1152xi1>, vector<16x64x1152xi32>
    %reduce_sum3A_836 = arith.constant dense<0> : vector<16x64xi32>
    %reduce_sum3A_837 = vector.multi_reduction <add>, %select_n3A_835, %reduce_sum3A_836 [2] : vector<16x64x1152xi32> to vector<16x64xi32>
    %swap3A_838 = arith.constant 0 : index
    %swap3A_839 = arith.constant 32 : index
    %swap3A_840 = arith.constant 0 : index
    %swap3A_841 = vector.load %arg9[%swap3A_838, %swap3A_839, %swap3A_840] : memref<1x128x64xi32, #tpu.memory_space<vmem>>, vector<1x16x64xi32>
    %swap3A_842 = vector.shape_cast %swap3A_841 : vector<1x16x64xi32> to vector<16x64xi32>
    %swap3A_843 = vector.shape_cast %reduce_sum3A_837 : vector<16x64xi32> to vector<1x16x64xi32>
    tpu.vector_store %arg9[%swap3A_838, %swap3A_839, %swap3A_840], %swap3A_843 {strides = array<i32>} : memref<1x128x64xi32, #tpu.memory_space<vmem>>, vector<1x16x64xi32>,
    %slice3A_844 = vector.extract_strided_slice %concatenate3A {offsets = [32, 0], sizes = [16, 1152], strides = [1, 1]} : vector<128x1152xf32> to vector<16x1152xf32>
    %broadcast_in_dim3A_845 = vector.shape_cast %slice3A_844 : vector<16x1152xf32> to vector<16x1x1152xf32>
    %jit3A_846 = arith.constant 0.000000e+00 : f32
    %broadcast_in_dim3A_847 = vector.shape_cast %broadcast_in_dim3A_845 : vector<16x1x1152xf32> to vector<16x1x1152xf32>
    %broadcast_in_dim3A_848 = vector.broadcast %broadcast_in_dim3A_847 : vector<16x1x1152xf32> to vector<16x64x1152xf32>
    %broadcast_in_dim3A_849 = vector.broadcast %jit3A_846 : f32 to vector<16x64x1152xf32>
    %select_n3A_850 = arith.select %and3A_830, %broadcast_in_dim3A_848, %broadcast_in_dim3A_849 : vector<16x64x1152xi1>, vector<16x64x1152xf32>
    %reduce_sum3A_851 = arith.constant dense<0.000000e+00> : vector<16x64xf32>
    %reduce_sum3A_852 = vector.multi_reduction <add>, %select_n3A_850, %reduce_sum3A_851 [2] : vector<16x64x1152xf32> to vector<16x64xf32>
    %swap3A_853 = arith.constant 0 : index
    %swap3A_854 = arith.constant 32 : index
    %swap3A_855 = arith.constant 0 : index
    %swap3A_856 = vector.load %arg10[%swap3A_853, %swap3A_854, %swap3A_855] : memref<1x128x64xf32, #tpu.memory_space<vmem>>, vector<1x16x64xf32>
    %swap3A_857 = vector.shape_cast %swap3A_856 : vector<1x16x64xf32> to vector<16x64xf32>
    %swap3A_858 = vector.shape_cast %reduce_sum3A_852 : vector<16x64xf32> to vector<1x16x64xf32>
    tpu.vector_store %arg10[%swap3A_853, %swap3A_854, %swap3A_855], %swap3A_858 {strides = array<i32>} : memref<1x128x64xf32, #tpu.memory_space<vmem>>, vector<1x16x64xf32>,
    %slice3A_859 = vector.extract_strided_slice %or3A_682 {offsets = [48, 0], sizes = [16, 1152], strides = [1, 1]} : vector<128x1152xi32> to vector<16x1152xi32>
    %broadcast_in_dim3A_860 = vector.shape_cast %slice3A_859 : vector<16x1152xi32> to vector<16x1x1152xi32>
    %slice3A_861 = vector.extract_strided_slice %sub3A_738 {offsets = [48, 0], sizes = [16, 1152], strides = [1, 1]} : vector<128x1152xi32> to vector<16x1152xi32>
    %broadcast_in_dim3A_862 = vector.shape_cast %slice3A_861 : vector<16x1152xi32> to vector<16x1x1152xi32>
    %eq3A_863 = vector.broadcast %broadcast_in_dim3A_862 : vector<16x1x1152xi32> to vector<16x64x1152xi32>
    %eq3A_864 = vector.broadcast %iota3A_739 : vector<1x64x1xi32> to vector<16x64x1152xi32>
    %eq3A_865 = arith.cmpi eq, %eq3A_863, %eq3A_864 : vector<16x64x1152xi32>
    %gt3A_866 = arith.constant 0 : i32
    %gt3A_867 = vector.broadcast %gt3A_866 : i32 to vector<16x1x1152xi32>
    %gt3A_868 = arith.cmpi sgt, %broadcast_in_dim3A_860, %gt3A_867 : vector<16x1x1152xi32>
    %and3A_869 = vector.broadcast %gt3A_868 : vector<16x1x1152xi1> to vector<16x64x1152xi1>
    %and3A_870 = arith.andi %eq3A_865, %and3A_869 : vector<16x64x1152xi1>
    %jit3A_871 = arith.constant 0 : i32
    %broadcast_in_dim3A_872 = vector.shape_cast %iota3A : vector<1x1x1152xi32> to vector<1x1x1152xi32>
    %broadcast_in_dim3A_873 = vector.broadcast %broadcast_in_dim3A_872 : vector<1x1x1152xi32> to vector<16x64x1152xi32>
    %broadcast_in_dim3A_874 = vector.broadcast %jit3A_871 : i32 to vector<16x64x1152xi32>
    %select_n3A_875 = arith.select %and3A_870, %broadcast_in_dim3A_873, %broadcast_in_dim3A_874 : vector<16x64x1152xi1>, vector<16x64x1152xi32>
    %reduce_sum3A_876 = arith.constant dense<0> : vector<16x64xi32>
    %reduce_sum3A_877 = vector.multi_reduction <add>, %select_n3A_875, %reduce_sum3A_876 [2] : vector<16x64x1152xi32> to vector<16x64xi32>
    %swap3A_878 = arith.constant 0 : index
    %swap3A_879 = arith.constant 48 : index
    %swap3A_880 = arith.constant 0 : index
    %swap3A_881 = vector.load %arg9[%swap3A_878, %swap3A_879, %swap3A_880] : memref<1x128x64xi32, #tpu.memory_space<vmem>>, vector<1x16x64xi32>
    %swap3A_882 = vector.shape_cast %swap3A_881 : vector<1x16x64xi32> to vector<16x64xi32>
    %swap3A_883 = vector.shape_cast %reduce_sum3A_877 : vector<16x64xi32> to vector<1x16x64xi32>
    tpu.vector_store %arg9[%swap3A_878, %swap3A_879, %swap3A_880], %swap3A_883 {strides = array<i32>} : memref<1x128x64xi32, #tpu.memory_space<vmem>>, vector<1x16x64xi32>,
    %slice3A_884 = vector.extract_strided_slice %concatenate3A {offsets = [48, 0], sizes = [16, 1152], strides = [1, 1]} : vector<128x1152xf32> to vector<16x1152xf32>
    %broadcast_in_dim3A_885 = vector.shape_cast %slice3A_884 : vector<16x1152xf32> to vector<16x1x1152xf32>
    %jit3A_886 = arith.constant 0.000000e+00 : f32
    %broadcast_in_dim3A_887 = vector.shape_cast %broadcast_in_dim3A_885 : vector<16x1x1152xf32> to vector<16x1x1152xf32>
    %broadcast_in_dim3A_888 = vector.broadcast %broadcast_in_dim3A_887 : vector<16x1x1152xf32> to vector<16x64x1152xf32>
    %broadcast_in_dim3A_889 = vector.broadcast %jit3A_886 : f32 to vector<16x64x1152xf32>
    %select_n3A_890 = arith.select %and3A_870, %broadcast_in_dim3A_888, %broadcast_in_dim3A_889 : vector<16x64x1152xi1>, vector<16x64x1152xf32>
    %reduce_sum3A_891 = arith.constant dense<0.000000e+00> : vector<16x64xf32>
    %reduce_sum3A_892 = vector.multi_reduction <add>, %select_n3A_890, %reduce_sum3A_891 [2] : vector<16x64x1152xf32> to vector<16x64xf32>
    %swap3A_893 = arith.constant 0 : index
    %swap3A_894 = arith.constant 48 : index
    %swap3A_895 = arith.constant 0 : index
    %swap3A_896 = vector.load %arg10[%swap3A_893, %swap3A_894, %swap3A_895] : memref<1x128x64xf32, #tpu.memory_space<vmem>>, vector<1x16x64xf32>
    %swap3A_897 = vector.shape_cast %swap3A_896 : vector<1x16x64xf32> to vector<16x64xf32>
    %swap3A_898 = vector.shape_cast %reduce_sum3A_892 : vector<16x64xf32> to vector<1x16x64xf32>
    tpu.vector_store %arg10[%swap3A_893, %swap3A_894, %swap3A_895], %swap3A_898 {strides = array<i32>} : memref<1x128x64xf32, #tpu.memory_space<vmem>>, vector<1x16x64xf32>,
    %slice3A_899 = vector.extract_strided_slice %or3A_682 {offsets = [64, 0], sizes = [16, 1152], strides = [1, 1]} : vector<128x1152xi32> to vector<16x1152xi32>
    %broadcast_in_dim3A_900 = vector.shape_cast %slice3A_899 : vector<16x1152xi32> to vector<16x1x1152xi32>
    %slice3A_901 = vector.extract_strided_slice %sub3A_738 {offsets = [64, 0], sizes = [16, 1152], strides = [1, 1]} : vector<128x1152xi32> to vector<16x1152xi32>
    %broadcast_in_dim3A_902 = vector.shape_cast %slice3A_901 : vector<16x1152xi32> to vector<16x1x1152xi32>
    %eq3A_903 = vector.broadcast %broadcast_in_dim3A_902 : vector<16x1x1152xi32> to vector<16x64x1152xi32>
    %eq3A_904 = vector.broadcast %iota3A_739 : vector<1x64x1xi32> to vector<16x64x1152xi32>
    %eq3A_905 = arith.cmpi eq, %eq3A_903, %eq3A_904 : vector<16x64x1152xi32>
    %gt3A_906 = arith.constant 0 : i32
    %gt3A_907 = vector.broadcast %gt3A_906 : i32 to vector<16x1x1152xi32>
    %gt3A_908 = arith.cmpi sgt, %broadcast_in_dim3A_900, %gt3A_907 : vector<16x1x1152xi32>
    %and3A_909 = vector.broadcast %gt3A_908 : vector<16x1x1152xi1> to vector<16x64x1152xi1>
    %and3A_910 = arith.andi %eq3A_905, %and3A_909 : vector<16x64x1152xi1>
    %jit3A_911 = arith.constant 0 : i32
    %broadcast_in_dim3A_912 = vector.shape_cast %iota3A : vector<1x1x1152xi32> to vector<1x1x1152xi32>
    %broadcast_in_dim3A_913 = vector.broadcast %broadcast_in_dim3A_912 : vector<1x1x1152xi32> to vector<16x64x1152xi32>
    %broadcast_in_dim3A_914 = vector.broadcast %jit3A_911 : i32 to vector<16x64x1152xi32>
    %select_n3A_915 = arith.select %and3A_910, %broadcast_in_dim3A_913, %broadcast_in_dim3A_914 : vector<16x64x1152xi1>, vector<16x64x1152xi32>
    %reduce_sum3A_916 = arith.constant dense<0> : vector<16x64xi32>
    %reduce_sum3A_917 = vector.multi_reduction <add>, %select_n3A_915, %reduce_sum3A_916 [2] : vector<16x64x1152xi32> to vector<16x64xi32>
    %swap3A_918 = arith.constant 0 : index
    %swap3A_919 = arith.constant 64 : index
    %swap3A_920 = arith.constant 0 : index
    %swap3A_921 = vector.load %arg9[%swap3A_918, %swap3A_919, %swap3A_920] : memref<1x128x64xi32, #tpu.memory_space<vmem>>, vector<1x16x64xi32>
    %swap3A_922 = vector.shape_cast %swap3A_921 : vector<1x16x64xi32> to vector<16x64xi32>
    %swap3A_923 = vector.shape_cast %reduce_sum3A_917 : vector<16x64xi32> to vector<1x16x64xi32>
    tpu.vector_store %arg9[%swap3A_918, %swap3A_919, %swap3A_920], %swap3A_923 {strides = array<i32>} : memref<1x128x64xi32, #tpu.memory_space<vmem>>, vector<1x16x64xi32>,
    %slice3A_924 = vector.extract_strided_slice %concatenate3A {offsets = [64, 0], sizes = [16, 1152], strides = [1, 1]} : vector<128x1152xf32> to vector<16x1152xf32>
    %broadcast_in_dim3A_925 = vector.shape_cast %slice3A_924 : vector<16x1152xf32> to vector<16x1x1152xf32>
    %jit3A_926 = arith.constant 0.000000e+00 : f32
    %broadcast_in_dim3A_927 = vector.shape_cast %broadcast_in_dim3A_925 : vector<16x1x1152xf32> to vector<16x1x1152xf32>
    %broadcast_in_dim3A_928 = vector.broadcast %broadcast_in_dim3A_927 : vector<16x1x1152xf32> to vector<16x64x1152xf32>
    %broadcast_in_dim3A_929 = vector.broadcast %jit3A_926 : f32 to vector<16x64x1152xf32>
    %select_n3A_930 = arith.select %and3A_910, %broadcast_in_dim3A_928, %broadcast_in_dim3A_929 : vector<16x64x1152xi1>, vector<16x64x1152xf32>
    %reduce_sum3A_931 = arith.constant dense<0.000000e+00> : vector<16x64xf32>
    %reduce_sum3A_932 = vector.multi_reduction <add>, %select_n3A_930, %reduce_sum3A_931 [2] : vector<16x64x1152xf32> to vector<16x64xf32>
    %swap3A_933 = arith.constant 0 : index
    %swap3A_934 = arith.constant 64 : index
    %swap3A_935 = arith.constant 0 : index
    %swap3A_936 = vector.load %arg10[%swap3A_933, %swap3A_934, %swap3A_935] : memref<1x128x64xf32, #tpu.memory_space<vmem>>, vector<1x16x64xf32>
    %swap3A_937 = vector.shape_cast %swap3A_936 : vector<1x16x64xf32> to vector<16x64xf32>
    %swap3A_938 = vector.shape_cast %reduce_sum3A_932 : vector<16x64xf32> to vector<1x16x64xf32>
    tpu.vector_store %arg10[%swap3A_933, %swap3A_934, %swap3A_935], %swap3A_938 {strides = array<i32>} : memref<1x128x64xf32, #tpu.memory_space<vmem>>, vector<1x16x64xf32>,
    %slice3A_939 = vector.extract_strided_slice %or3A_682 {offsets = [80, 0], sizes = [16, 1152], strides = [1, 1]} : vector<128x1152xi32> to vector<16x1152xi32>
    %broadcast_in_dim3A_940 = vector.shape_cast %slice3A_939 : vector<16x1152xi32> to vector<16x1x1152xi32>
    %slice3A_941 = vector.extract_strided_slice %sub3A_738 {offsets = [80, 0], sizes = [16, 1152], strides = [1, 1]} : vector<128x1152xi32> to vector<16x1152xi32>
    %broadcast_in_dim3A_942 = vector.shape_cast %slice3A_941 : vector<16x1152xi32> to vector<16x1x1152xi32>
    %eq3A_943 = vector.broadcast %broadcast_in_dim3A_942 : vector<16x1x1152xi32> to vector<16x64x1152xi32>
    %eq3A_944 = vector.broadcast %iota3A_739 : vector<1x64x1xi32> to vector<16x64x1152xi32>
    %eq3A_945 = arith.cmpi eq, %eq3A_943, %eq3A_944 : vector<16x64x1152xi32>
    %gt3A_946 = arith.constant 0 : i32
    %gt3A_947 = vector.broadcast %gt3A_946 : i32 to vector<16x1x1152xi32>
    %gt3A_948 = arith.cmpi sgt, %broadcast_in_dim3A_940, %gt3A_947 : vector<16x1x1152xi32>
    %and3A_949 = vector.broadcast %gt3A_948 : vector<16x1x1152xi1> to vector<16x64x1152xi1>
    %and3A_950 = arith.andi %eq3A_945, %and3A_949 : vector<16x64x1152xi1>
    %jit3A_951 = arith.constant 0 : i32
    %broadcast_in_dim3A_952 = vector.shape_cast %iota3A : vector<1x1x1152xi32> to vector<1x1x1152xi32>
    %broadcast_in_dim3A_953 = vector.broadcast %broadcast_in_dim3A_952 : vector<1x1x1152xi32> to vector<16x64x1152xi32>
    %broadcast_in_dim3A_954 = vector.broadcast %jit3A_951 : i32 to vector<16x64x1152xi32>
    %select_n3A_955 = arith.select %and3A_950, %broadcast_in_dim3A_953, %broadcast_in_dim3A_954 : vector<16x64x1152xi1>, vector<16x64x1152xi32>
    %reduce_sum3A_956 = arith.constant dense<0> : vector<16x64xi32>
    %reduce_sum3A_957 = vector.multi_reduction <add>, %select_n3A_955, %reduce_sum3A_956 [2] : vector<16x64x1152xi32> to vector<16x64xi32>
    %swap3A_958 = arith.constant 0 : index
    %swap3A_959 = arith.constant 80 : index
    %swap3A_960 = arith.constant 0 : index
    %swap3A_961 = vector.load %arg9[%swap3A_958, %swap3A_959, %swap3A_960] : memref<1x128x64xi32, #tpu.memory_space<vmem>>, vector<1x16x64xi32>
    %swap3A_962 = vector.shape_cast %swap3A_961 : vector<1x16x64xi32> to vector<16x64xi32>
    %swap3A_963 = vector.shape_cast %reduce_sum3A_957 : vector<16x64xi32> to vector<1x16x64xi32>
    tpu.vector_store %arg9[%swap3A_958, %swap3A_959, %swap3A_960], %swap3A_963 {strides = array<i32>} : memref<1x128x64xi32, #tpu.memory_space<vmem>>, vector<1x16x64xi32>,
    %slice3A_964 = vector.extract_strided_slice %concatenate3A {offsets = [80, 0], sizes = [16, 1152], strides = [1, 1]} : vector<128x1152xf32> to vector<16x1152xf32>
    %broadcast_in_dim3A_965 = vector.shape_cast %slice3A_964 : vector<16x1152xf32> to vector<16x1x1152xf32>
    %jit3A_966 = arith.constant 0.000000e+00 : f32
    %broadcast_in_dim3A_967 = vector.shape_cast %broadcast_in_dim3A_965 : vector<16x1x1152xf32> to vector<16x1x1152xf32>
    %broadcast_in_dim3A_968 = vector.broadcast %broadcast_in_dim3A_967 : vector<16x1x1152xf32> to vector<16x64x1152xf32>
    %broadcast_in_dim3A_969 = vector.broadcast %jit3A_966 : f32 to vector<16x64x1152xf32>
    %select_n3A_970 = arith.select %and3A_950, %broadcast_in_dim3A_968, %broadcast_in_dim3A_969 : vector<16x64x1152xi1>, vector<16x64x1152xf32>
    %reduce_sum3A_971 = arith.constant dense<0.000000e+00> : vector<16x64xf32>
    %reduce_sum3A_972 = vector.multi_reduction <add>, %select_n3A_970, %reduce_sum3A_971 [2] : vector<16x64x1152xf32> to vector<16x64xf32>
    %swap3A_973 = arith.constant 0 : index
    %swap3A_974 = arith.constant 80 : index
    %swap3A_975 = arith.constant 0 : index
    %swap3A_976 = vector.load %arg10[%swap3A_973, %swap3A_974, %swap3A_975] : memref<1x128x64xf32, #tpu.memory_space<vmem>>, vector<1x16x64xf32>
    %swap3A_977 = vector.shape_cast %swap3A_976 : vector<1x16x64xf32> to vector<16x64xf32>
    %swap3A_978 = vector.shape_cast %reduce_sum3A_972 : vector<16x64xf32> to vector<1x16x64xf32>
    tpu.vector_store %arg10[%swap3A_973, %swap3A_974, %swap3A_975], %swap3A_978 {strides = array<i32>} : memref<1x128x64xf32, #tpu.memory_space<vmem>>, vector<1x16x64xf32>,
    %slice3A_979 = vector.extract_strided_slice %or3A_682 {offsets = [96, 0], sizes = [16, 1152], strides = [1, 1]} : vector<128x1152xi32> to vector<16x1152xi32>
    %broadcast_in_dim3A_980 = vector.shape_cast %slice3A_979 : vector<16x1152xi32> to vector<16x1x1152xi32>
    %slice3A_981 = vector.extract_strided_slice %sub3A_738 {offsets = [96, 0], sizes = [16, 1152], strides = [1, 1]} : vector<128x1152xi32> to vector<16x1152xi32>
    %broadcast_in_dim3A_982 = vector.shape_cast %slice3A_981 : vector<16x1152xi32> to vector<16x1x1152xi32>
    %eq3A_983 = vector.broadcast %broadcast_in_dim3A_982 : vector<16x1x1152xi32> to vector<16x64x1152xi32>
    %eq3A_984 = vector.broadcast %iota3A_739 : vector<1x64x1xi32> to vector<16x64x1152xi32>
    %eq3A_985 = arith.cmpi eq, %eq3A_983, %eq3A_984 : vector<16x64x1152xi32>
    %gt3A_986 = arith.constant 0 : i32
    %gt3A_987 = vector.broadcast %gt3A_986 : i32 to vector<16x1x1152xi32>
    %gt3A_988 = arith.cmpi sgt, %broadcast_in_dim3A_980, %gt3A_987 : vector<16x1x1152xi32>
    %and3A_989 = vector.broadcast %gt3A_988 : vector<16x1x1152xi1> to vector<16x64x1152xi1>
    %and3A_990 = arith.andi %eq3A_985, %and3A_989 : vector<16x64x1152xi1>
    %jit3A_991 = arith.constant 0 : i32
    %broadcast_in_dim3A_992 = vector.shape_cast %iota3A : vector<1x1x1152xi32> to vector<1x1x1152xi32>
    %broadcast_in_dim3A_993 = vector.broadcast %broadcast_in_dim3A_992 : vector<1x1x1152xi32> to vector<16x64x1152xi32>
    %broadcast_in_dim3A_994 = vector.broadcast %jit3A_991 : i32 to vector<16x64x1152xi32>
    %select_n3A_995 = arith.select %and3A_990, %broadcast_in_dim3A_993, %broadcast_in_dim3A_994 : vector<16x64x1152xi1>, vector<16x64x1152xi32>
    %reduce_sum3A_996 = arith.constant dense<0> : vector<16x64xi32>
    %reduce_sum3A_997 = vector.multi_reduction <add>, %select_n3A_995, %reduce_sum3A_996 [2] : vector<16x64x1152xi32> to vector<16x64xi32>
    %swap3A_998 = arith.constant 0 : index
    %swap3A_999 = arith.constant 96 : index
    %swap3A_1000 = arith.constant 0 : index
    %swap3A_1001 = vector.load %arg9[%swap3A_998, %swap3A_999, %swap3A_1000] : memref<1x128x64xi32, #tpu.memory_space<vmem>>, vector<1x16x64xi32>
    %swap3A_1002 = vector.shape_cast %swap3A_1001 : vector<1x16x64xi32> to vector<16x64xi32>
    %swap3A_1003 = vector.shape_cast %reduce_sum3A_997 : vector<16x64xi32> to vector<1x16x64xi32>
    tpu.vector_store %arg9[%swap3A_998, %swap3A_999, %swap3A_1000], %swap3A_1003 {strides = array<i32>} : memref<1x128x64xi32, #tpu.memory_space<vmem>>, vector<1x16x64xi32>,
    %slice3A_1004 = vector.extract_strided_slice %concatenate3A {offsets = [96, 0], sizes = [16, 1152], strides = [1, 1]} : vector<128x1152xf32> to vector<16x1152xf32>
    %broadcast_in_dim3A_1005 = vector.shape_cast %slice3A_1004 : vector<16x1152xf32> to vector<16x1x1152xf32>
    %jit3A_1006 = arith.constant 0.000000e+00 : f32
    %broadcast_in_dim3A_1007 = vector.shape_cast %broadcast_in_dim3A_1005 : vector<16x1x1152xf32> to vector<16x1x1152xf32>
    %broadcast_in_dim3A_1008 = vector.broadcast %broadcast_in_dim3A_1007 : vector<16x1x1152xf32> to vector<16x64x1152xf32>
    %broadcast_in_dim3A_1009 = vector.broadcast %jit3A_1006 : f32 to vector<16x64x1152xf32>
    %select_n3A_1010 = arith.select %and3A_990, %broadcast_in_dim3A_1008, %broadcast_in_dim3A_1009 : vector<16x64x1152xi1>, vector<16x64x1152xf32>
    %reduce_sum3A_1011 = arith.constant dense<0.000000e+00> : vector<16x64xf32>
    %reduce_sum3A_1012 = vector.multi_reduction <add>, %select_n3A_1010, %reduce_sum3A_1011 [2] : vector<16x64x1152xf32> to vector<16x64xf32>
    %swap3A_1013 = arith.constant 0 : index
    %swap3A_1014 = arith.constant 96 : index
    %swap3A_1015 = arith.constant 0 : index
    %swap3A_1016 = vector.load %arg10[%swap3A_1013, %swap3A_1014, %swap3A_1015] : memref<1x128x64xf32, #tpu.memory_space<vmem>>, vector<1x16x64xf32>
    %swap3A_1017 = vector.shape_cast %swap3A_1016 : vector<1x16x64xf32> to vector<16x64xf32>
    %swap3A_1018 = vector.shape_cast %reduce_sum3A_1012 : vector<16x64xf32> to vector<1x16x64xf32>
    tpu.vector_store %arg10[%swap3A_1013, %swap3A_1014, %swap3A_1015], %swap3A_1018 {strides = array<i32>} : memref<1x128x64xf32, #tpu.memory_space<vmem>>, vector<1x16x64xf32>,
    %slice3A_1019 = vector.extract_strided_slice %or3A_682 {offsets = [112, 0], sizes = [16, 1152], strides = [1, 1]} : vector<128x1152xi32> to vector<16x1152xi32>
    %broadcast_in_dim3A_1020 = vector.shape_cast %slice3A_1019 : vector<16x1152xi32> to vector<16x1x1152xi32>
    %slice3A_1021 = vector.extract_strided_slice %sub3A_738 {offsets = [112, 0], sizes = [16, 1152], strides = [1, 1]} : vector<128x1152xi32> to vector<16x1152xi32>
    %broadcast_in_dim3A_1022 = vector.shape_cast %slice3A_1021 : vector<16x1152xi32> to vector<16x1x1152xi32>
    %eq3A_1023 = vector.broadcast %broadcast_in_dim3A_1022 : vector<16x1x1152xi32> to vector<16x64x1152xi32>
    %eq3A_1024 = vector.broadcast %iota3A_739 : vector<1x64x1xi32> to vector<16x64x1152xi32>
    %eq3A_1025 = arith.cmpi eq, %eq3A_1023, %eq3A_1024 : vector<16x64x1152xi32>
    %gt3A_1026 = arith.constant 0 : i32
    %gt3A_1027 = vector.broadcast %gt3A_1026 : i32 to vector<16x1x1152xi32>
    %gt3A_1028 = arith.cmpi sgt, %broadcast_in_dim3A_1020, %gt3A_1027 : vector<16x1x1152xi32>
    %and3A_1029 = vector.broadcast %gt3A_1028 : vector<16x1x1152xi1> to vector<16x64x1152xi1>
    %and3A_1030 = arith.andi %eq3A_1025, %and3A_1029 : vector<16x64x1152xi1>
    %jit3A_1031 = arith.constant 0 : i32
    %broadcast_in_dim3A_1032 = vector.shape_cast %iota3A : vector<1x1x1152xi32> to vector<1x1x1152xi32>
    %broadcast_in_dim3A_1033 = vector.broadcast %broadcast_in_dim3A_1032 : vector<1x1x1152xi32> to vector<16x64x1152xi32>
    %broadcast_in_dim3A_1034 = vector.broadcast %jit3A_1031 : i32 to vector<16x64x1152xi32>
    %select_n3A_1035 = arith.select %and3A_1030, %broadcast_in_dim3A_1033, %broadcast_in_dim3A_1034 : vector<16x64x1152xi1>, vector<16x64x1152xi32>
    %reduce_sum3A_1036 = arith.constant dense<0> : vector<16x64xi32>
    %reduce_sum3A_1037 = vector.multi_reduction <add>, %select_n3A_1035, %reduce_sum3A_1036 [2] : vector<16x64x1152xi32> to vector<16x64xi32>
    %swap3A_1038 = arith.constant 0 : index
    %swap3A_1039 = arith.constant 112 : index
    %swap3A_1040 = arith.constant 0 : index
    %swap3A_1041 = vector.load %arg9[%swap3A_1038, %swap3A_1039, %swap3A_1040] : memref<1x128x64xi32, #tpu.memory_space<vmem>>, vector<1x16x64xi32>
    %swap3A_1042 = vector.shape_cast %swap3A_1041 : vector<1x16x64xi32> to vector<16x64xi32>
    %swap3A_1043 = vector.shape_cast %reduce_sum3A_1037 : vector<16x64xi32> to vector<1x16x64xi32>
    tpu.vector_store %arg9[%swap3A_1038, %swap3A_1039, %swap3A_1040], %swap3A_1043 {strides = array<i32>} : memref<1x128x64xi32, #tpu.memory_space<vmem>>, vector<1x16x64xi32>,
    %slice3A_1044 = vector.extract_strided_slice %concatenate3A {offsets = [112, 0], sizes = [16, 1152], strides = [1, 1]} : vector<128x1152xf32> to vector<16x1152xf32>
    %broadcast_in_dim3A_1045 = vector.shape_cast %slice3A_1044 : vector<16x1152xf32> to vector<16x1x1152xf32>
    %jit3A_1046 = arith.constant 0.000000e+00 : f32
    %broadcast_in_dim3A_1047 = vector.shape_cast %broadcast_in_dim3A_1045 : vector<16x1x1152xf32> to vector<16x1x1152xf32>
    %broadcast_in_dim3A_1048 = vector.broadcast %broadcast_in_dim3A_1047 : vector<16x1x1152xf32> to vector<16x64x1152xf32>
    %broadcast_in_dim3A_1049 = vector.broadcast %jit3A_1046 : f32 to vector<16x64x1152xf32>
    %select_n3A_1050 = arith.select %and3A_1030, %broadcast_in_dim3A_1048, %broadcast_in_dim3A_1049 : vector<16x64x1152xi1>, vector<16x64x1152xf32>
    %reduce_sum3A_1051 = arith.constant dense<0.000000e+00> : vector<16x64xf32>
    %reduce_sum3A_1052 = vector.multi_reduction <add>, %select_n3A_1050, %reduce_sum3A_1051 [2] : vector<16x64x1152xf32> to vector<16x64xf32>
    %swap3A_1053 = arith.constant 0 : index
    %swap3A_1054 = arith.constant 112 : index
    %swap3A_1055 = arith.constant 0 : index
    %swap3A_1056 = vector.load %arg10[%swap3A_1053, %swap3A_1054, %swap3A_1055] : memref<1x128x64xf32, #tpu.memory_space<vmem>>, vector<1x16x64xf32>
    %swap3A_1057 = vector.shape_cast %swap3A_1056 : vector<1x16x64xf32> to vector<16x64xf32>
    %swap3A_1058 = vector.shape_cast %reduce_sum3A_1052 : vector<16x64xf32> to vector<1x16x64xf32>
    tpu.vector_store %arg10[%swap3A_1053, %swap3A_1054, %swap3A_1055], %swap3A_1058 {strides = array<i32>} : memref<1x128x64xf32, #tpu.memory_space<vmem>>, vector<1x16x64xf32>,
    return
  }
  func.func @transform_0(%arg0: i32) -> (i32, i32, i32) {
    %c0_i32 = arith.constant 0 : i32
    %c0_i32_0 = arith.constant 0 : i32
    %c0_i32_1 = arith.constant 0 : i32
    return %arg0, %c0_i32, %c0_i32_0 : i32, i32, i32
  }
  func.func @transform_1(%arg0: i32) -> (i32, i32, i32) {
    %c0_i32 = arith.constant 0 : i32
    %c0_i32_0 = arith.constant 0 : i32
    %c0_i32_1 = arith.constant 0 : i32
    return %arg0, %c0_i32, %c0_i32_0 : i32, i32, i32
  }
  func.func @transform_2(%arg0: i32) -> (i32, i32) {
    %c0_i32 = arith.constant 0 : i32
    %c0_i32_0 = arith.constant 0 : i32
    %c0_i32_1 = arith.constant 0 : i32
    return %c0_i32, %c0_i32_0 : i32, i32
  }
  func.func @transform_3(%arg0: i32) -> (i32, i32) {
    %c0_i32 = arith.constant 0 : i32
    %c0_i32_0 = arith.constant 0 : i32
    %c0_i32_1 = arith.constant 0 : i32
    return %c0_i32, %c0_i32_0 : i32, i32
  }
  func.func @transform_4(%arg0: i32) -> (i32, i32) {
    %c0_i32 = arith.constant 0 : i32
    %c0_i32_0 = arith.constant 0 : i32
    %c0_i32_1 = arith.constant 0 : i32
    return %c0_i32, %c0_i32_0 : i32, i32
  }
  func.func @transform_5(%arg0: i32) -> (i32, i32) {
    %c0_i32 = arith.constant 0 : i32
    %c0_i32_0 = arith.constant 0 : i32
    %c0_i32_1 = arith.constant 0 : i32
    return %c0_i32, %c0_i32_0 : i32, i32
  }
  func.func @transform_6(%arg0: i32) -> (i32, i32, i32) {
    %c0_i32 = arith.constant 0 : i32
    %c0_i32_0 = arith.constant 0 : i32
    %c0_i32_1 = arith.constant 0 : i32
    return %arg0, %c0_i32, %c0_i32_0 : i32, i32, i32
  }
  func.func @transform_7(%arg0: i32) -> (i32, i32, i32) {
    %c0_i32 = arith.constant 0 : i32
    %c0_i32_0 = arith.constant 0 : i32
    %c0_i32_1 = arith.constant 0 : i32
    return %arg0, %c0_i32, %c0_i32_0 : i32, i32, i32
  }
  func.func @transform_8(%arg0: i32) -> (i32, i32, i32) {
    %c0_i32 = arith.constant 0 : i32
    %c0_i32_0 = arith.constant 0 : i32
    %c0_i32_1 = arith.constant 0 : i32
    return %arg0, %c0_i32, %c0_i32_0 : i32, i32, i32
  }
  func.func @transform_9(%arg0: i32) -> (i32, i32, i32) {
    %c0_i32 = arith.constant 0 : i32
    %c0_i32_0 = arith.constant 0 : i32
    %c0_i32_1 = arith.constant 0 : i32
    return %arg0, %c0_i32, %c0_i32_0 : i32, i32, i32
  }
}

</mosaic_0001>

<sc_bundles>
// kernel: kernel.14.cloned.1.call-start
scs
__scs_entry_jumppad:
0x0: {  	(pc) =	sbr.rel $0x88, $3  }
0x1: {  	(tag) =	ssettag $0x0;
	lr =	simm.s32 $0x1  }
0x2: {  	[smem:$0x3F95] =	sst lr;
	_ =	strace $0xD0000000  }
0x3: {  	_ = 	snop  }
0x4: {  	_ = 	snop  }
0x5: {  	_ = 	snop  }
0x6: {  	_ = 	snop  }
0x7: {  	_ = 	snop  }
__scs_overlays_trampoline_lowered:
0x8: {  	[smem:$0x3FA4] =	sst s0  }
0x9: {  	[smem:$0x3FA5] =	sst s1  }
0xa: {  	[smem:$0x3FA6] =	sst s2  }
0xb: {  	[smem:$0x3FA7] =	sst s3  }
0xc: {  	[smem:$0x3FA8] =	sst s4  }
0xd: {  	[smem:$0x3FA9] =	sst s5  }
0xe: {  	[smem:$0x3FAA] =	sst s6  }
0xf: {  	[smem:$0x3FAB] =	sst s7  }
0x10: {  	[smem:$0x3FAC] =	sst s8  }
0x11: {  	[smem:$0x3FAD] =	sst s9;
	s0 =	simm.s32 @!p0 $0x0  }
0x12: {  	s1 =	sld [smem:$0x3F93];
	s0 =	simm.s32 @p0 $0x1  }
0x13: {  	[smem:$0x3FAE] =	sst s0;
	s0 =	simm.s32 @!p1 $0x0  }
0x14: {  	s2 =	sld [smem:$0x3F92];
	s0 =	simm.s32 @p1 $0x1  }
0x15: {  	[smem:$0x3FAF] =	sst s0;
	s0 =	simm.s32 @!p2 $0x0  }
0x16: {  	s3 =	sld [smem:$0x3FDB];
	s0 =	simm.s32 @p2 $0x1  }
0x17: {  	s4 =	simm.s32 $0x1BF5;
	[smem:$0x3FB1] =	sst s0  }
0x18: {  	s0 =	sld [smem:$0x3F94];
	_ =	swait.ge [sflag:s4], $0x0  }
0x19: {  	s7 =	sld [smem:$0x3F95]  }
0x1a: {  	s8 =	sadd.s32 $0xFFFFE003, lr  }
0x1b: {  	s9 =	sadd.s32 $0xFFFFFEF7, lr;
	s5 =	simm.s32 $0xFFFFFFFF;
	p2 =	slt.u32 s8, $0xFFFFF086  }
0x1c: {  	p1 =	slt.u32 s9, $0xF7A;
	s5 =	simm.s32 @!p2 $0x0  }
0x1d: {  	s5 =	simm.s32 @p1 $0x1;
	p0 =	seq.s32 s7, s2  }
0x1e: {  	s7 =	smul.u32 @!p0 $0xF7A, s2;
	p2 =	seq.s32 @!p0 s5, $0x0  }
0x1f: {  	s9 =	smul.u32 $0xF7A, s1;
	s8 =	simm.s32 @!p0 $0x1BF5;
	p2 =	por !p2, p0  }
0x20: {  	[sflag:s8] =	ssyncset.s32 @!p0 $0xFFFFF086;
	s6 =	sadd.s32 @!p0 s3, s7;
	s7 =	simm.s32 @!p0 $0x108  }
0x21: {  	s3 =	sadd.s32 s3, s9;
	s6 =	sadd.s32 @!p0 $0x88, s6;
	s7 =	simm.s32 @p2 $0x1082  }
0x22: {  	[simem:s7], [sflag:s8] =	dma.local @!p0 [hbm:s6], $0xF7A  }
0x23: {  	s9 =	sor.u32 $0xD0000000, s2;
	s6 =	simm.s32 $0x108;
	_ =	swait.ge @!p0 [sflag:s8], $0x0  }
0x24: {  	s3 =	sadd.s32 $0x88, s3;
	s6 =	simm.s32 @!p1 $0x1082;
	[sflag:s4] =	ssyncset.s32 $0xFFFFF086  }
0x25: {  	[simem:s6], [sflag:s4] =	dma.local [hbm:s3], $0xF7A  }
0x26: {  	[smem:$0x3F95] =	sst s1;
	(tag) =	ssettag s2;
	_ =	strace s9  }
0x27: {  	s1 =	sld [smem:$0x3FA5]  }
0x28: {  	s2 =	sld [smem:$0x3FA6]  }
0x29: {  	s4 =	sld [smem:$0x3FA8]  }
0x2a: {  	p0 =	seq.s32 s5, $0x0;
	s5 =	sld [smem:$0x3FA9]  }
0x2b: {  	s6 =	sld [smem:$0x3FAA]  }
0x2c: {  	s7 =	sld [smem:$0x3FAB]  }
0x2d: {  	s3 =	simm.s32 $0x108;
	s8 =	sld [smem:$0x3FAC]  }
0x2e: {  	s3 =	simm.s32 @!p0 $0x1082;
	s9 =	sld [smem:$0x3FAD]  }
0x2f: {  	lr =	sadd.s32 s0, s3;
	s0 =	sld [smem:$0x3FA4]  }
0x30: {  	s3 =	sld [smem:$0x3FA7]  }
0x31: {  	[smem:$0x3FB0] =	sst s10  }
0x32: {  	s10 =	sld [smem:$0x3FAE];
	_ =	sdelay $0x3  }
0x33: {  	p0 =	seq.s32 s10, $0x1;
	s10 =	sld [smem:$0x3FB0];
	_ =	sdelay $0x3  }
0x34: {  	[smem:$0x3FB0] =	sst s10  }
0x35: {  	s10 =	sld [smem:$0x3FAF];
	_ =	sdelay $0x3  }
0x36: {  	p1 =	seq.s32 s10, $0x1;
	s10 =	sld [smem:$0x3FB0];
	_ =	sdelay $0x3  }
0x37: {  	[smem:$0x3FB0] =	sst s10  }
0x38: {  	s10 =	sld [smem:$0x3FB1]  }
0x39: {  	_ = 	snop;
	(pc) =	sbr.ind lr, $3  }
0x3a: {  	_ = 	snop  }
0x3b: {  	_ = 	snop  }
0x3c: {  	p2 =	seq.s32 s10, $0x1;
	s10 =	sld [smem:$0x3FB0]  }
0x3d: {  	_ =	shalt  }
0x3e: {  	_ =	shalt  }
0x3f: {  	_ =	shalt  }
0x40: {  	_ =	shalt  }
0x41: {  	_ =	shalt  }
0x42: {  	_ =	shalt  }
0x43: {  	_ =	shalt  }
0x44: {  	_ =	shalt  }
0x45: {  	_ =	shalt  }
0x46: {  	_ =	shalt  }
0x47: {  	_ =	shalt  }
0x48: {  	_ =	shalt  }
0x49: {  	_ =	shalt  }
0x4a: {  	_ =	shalt  }
0x4b: {  	_ =	shalt  }
0x4c: {  	_ =	shalt  }
0x4d: {  	_ =	shalt  }
0x4e: {  	_ =	shalt  }
0x4f: {  	_ =	shalt  }
0x50: {  	_ =	shalt  }
0x51: {  	_ =	shalt  }
0x52: {  	_ =	shalt  }
0x53: {  	_ =	shalt  }
0x54: {  	_ =	shalt  }
0x55: {  	_ =	shalt  }
0x56: {  	_ =	shalt  }
0x57: {  	_ =	shalt  }
0x58: {  	_ =	shalt  }
0x59: {  	_ =	shalt  }
0x5a: {  	_ =	shalt  }
0x5b: {  	_ =	shalt  }
0x5c: {  	_ =	shalt  }
0x5d: {  	_ =	shalt  }
0x5e: {  	_ =	shalt  }
0x5f: {  	_ =	shalt  }
0x60: {  	_ =	shalt  }
0x61: {  	_ =	shalt  }
0x62: {  	_ =	shalt  }
0x63: {  	_ =	shalt  }
0x64: {  	_ =	shalt  }
0x65: {  	_ =	shalt  }
0x66: {  	_ =	shalt  }
0x67: {  	_ =	shalt  }
0x68: {  	_ =	shalt  }
0x69: {  	_ =	shalt  }
0x6a: {  	_ =	shalt  }
0x6b: {  	_ =	shalt  }
0x6c: {  	_ =	shalt  }
0x6d: {  	_ =	shalt  }
0x6e: {  	_ =	shalt  }
0x6f: {  	_ =	shalt  }
0x70: {  	_ =	shalt  }
0x71: {  	_ =	shalt  }
0x72: {  	_ =	shalt  }
0x73: {  	_ =	shalt  }
0x74: {  	_ =	shalt  }
0x75: {  	_ =	shalt  }
0x76: {  	_ =	shalt  }
0x77: {  	_ =	shalt  }
0x78: {  	_ =	shalt  }
0x79: {  	_ =	shalt  }
0x7a: {  	_ =	shalt  }
0x7b: {  	_ =	shalt  }
0x7c: {  	_ =	shalt  }
0x7d: {  	_ =	shalt  }
0x7e: {  	_ =	shalt  }
0x7f: {  	_ =	shalt  }
0x80: {  	_ =	shalt  }
0x81: {  	_ =	shalt  }
0x82: {  	_ =	shalt  }
0x83: {  	_ =	shalt  }
0x84: {  	_ =	shalt  }
0x85: {  	_ =	shalt  }
0x86: {  	_ =	shalt  }
0x87: {  	_ =	shalt  }
.Lfunc_end0:
.L_simem_size_0:
called_computation_lowered:
.L_overlay_start_0:
0x88: {  	s2 =	sld [smem:$0x3FD9]  }
0x89: {  	s3 =	sld [smem:$0x3FFE];
	_ =	sdelay $0x1  }
0x8a: {  	s1 =	srdreg.scid  }
0x8b: {  	s0 =	sand.u32 $0x1, s1  }
0x8c: {  	s17 =	sshll.u32 s0, $0xA;
	s2 =	sadd.s32 s3, s2  }
0x8d: {  	s2 =	sadd.s32 s2, s17  }
0x8e: {  	[smem:$0x3FBC] =	sst s2  }
0x8f: {  	_ = 	snop  }
0x90: {  	(tm) =	ssettm $0x1  }
0x91: {  	s18 =	sld [smem:$0x3FFB];
	_ =	sdelay $0x3  }
0x92: {  	_ =	strace s18  }
0x93: {  	s2 =	sld [smem:$0x3FFC];
	_ =	sdelay $0x3  }
0x94: {  	_ =	strace s2  }
0x95: {  	s2 =	sld [smem:$0x3FFD];
	_ =	sdelay $0x3  }
0x96: {  	_ =	strace s2  }
0x97: {  	_ =	strace $0x8FFFFFFF  }
0x98: {  	s19 =	sld [smem:$0x3FDB];
	_ =	sdelay $0x1  }
0x99: {  	s20 =	simm.s32 $_scs_section_size  }
0x9a: {  	s4 =	simm.s32 $_size__tile_overlayer_lowered;
	s5 =	simm.s32 $_tile_overlayer_lowered  }
0x9b: {  	s6 =	simm.s32 $0x1BFF;
	s21 =	sshll.u32 s5, $0x1;
	s3 =	sadd.s32 s20, s19  }
0x9c: {  	s22 =	simm.s32 $0x0;
	s4 =	sshll.u32 s4, $0x1;
	s5 =	sadd.s32 s21, s3  }
0x9d: {  	[timem:s22], [sflag:s6] =	dma.local [hbm:s5], s4  }
0x9e: {  	_ =	swait.ge [sflag:s6], s4  }
0x9f: {  	s4 =	ssub.s32 $0x0, s4;
	[sflag:s6] =	ssyncset.done $0x0  }
0xa0: {  	[sflag:s6] =	ssyncadd.s32 s4;
	_ =	sdelay $0x1  }
0xa1: {  	s23 =	simm.s32 $0x1B8B  }
0xa2: {  	_ =	swait.ge [sflag:s23], $0x1  }
0xa3: {  	[sflag:s23] =	ssyncset.done $0x0  }
0xa4: {  	[sflag:s23] =	ssyncadd.s32 $0xFFFFFFFF  }
0xa5: {  	s4 =	sld [smem:$0x0]  }
0xa6: {  	s5 =	sand.u32 $0xFFFFFFFE, s1  }
0xa7: {  	p0 =	sne.s32 s1, s5  }
0xa8: {  	s5 =	sshll.u32 @p0 s5, $0xE  }
0xa9: {  	s5 =	sadd.s32 @p0 $0x11B8D, s5;
	s6 =	sshll.u32 @p0 s4, $0x11  }
0xaa: {  	s5 =	sor.u32 @p0 s6, s5  }
0xab: {  	[sflag:s5] =	ssyncadd.remote.s32 @p0 $0x1;
	_ =	sdelay $0x1  }
0xac: {  	s5 =	simm.s32 @p0 $0x1B8D  }
0xad: {  	_ =	swait.eq @p0 [sflag:s5], $0x1  }
0xae: {  	[sflag:s5] =	ssyncadd.s32 @p0 $0xFFFFFFFF  }
0xaf: {  	s6 =	sshll.u32 @!p0 s1, $0xE  }
0xb0: {  	s6 =	sor.u32 @!p0 $0x4000, s6;
	s5 =	simm.s32 @!p0 $0x1B8D  }
0xb1: {  	s4 =	sshll.u32 @!p0 s4, $0x11;
	s6 =	sadd.s32 @!p0 $0x11B8D, s6;
	_ =	swait.eq @!p0 [sflag:s5], $0x1  }
0xb2: {  	s4 =	sor.u32 @!p0 s4, s6;
	[sflag:s5] =	ssyncadd.s32 @!p0 $0xFFFFFFFF  }
0xb3: {  	s25 =	simm.s32 $0x1B8E;
	s24 =	sld [smem:$0x3FFE];
	[sflag:s4] =	ssyncadd.remote.s32 @!p0 $0x1  }
0xb4: {  	s26 =	simm.s32 $execute0_lowered;
	[smem:$0x3FD2] =	sst s25  }
0xb5: {  	s5 =	sshll.u32 s26, $0x1;
	_ =	strace $0x8000004F;
	[dreg:$0x1] =	wrdreg $0xFFFFFFFF  }
0xb6: {  	s28 =	simm.s32 $_size_execute0_lowered;
	s3 =	sadd.s32 s3, s5;
	[dreg:$0x0] =	wrdreg $0x0  }
0xb7: {  	s5 =	sshll.u32 s28, $0x1;
	[dreg:$0x2] =	wrdreg s3  }
0xb8: {  	[dreg:$0x3] =	wrdreg s5  }
0xb9: {  	[dreg:$0x4] =	wrdreg $0xC0  }
0xba: {  	_ =	task [dreg:s22], $0x5FFFF  }
0xbb: {  	[dreg:$0x1] =	wrdreg $0xFFFFFFFF  }
0xbc: {  	[dreg:$0x0] =	wrdreg $0x60  }
0xbd: {  	[dreg:$0x2] =	wrdreg s24  }
0xbe: {  	[dreg:$0x3] =	wrdreg $0x9  }
0xbf: {  	_ =	task.clear_ibuf [dreg:s22], $0x4FFFF;
	_ =	strace $0x9000004F  }
0xc0: {  	s29 =	simm.s32 $0x9;
	_ =	strace $0x80000051  }
0xc1: {  	_ =	swait.ge [sflag:s29], $0x1  }
0xc2: {  	[sflag:s29] =	ssyncadd.s32 $0xFFFFFFFF  }
0xc3: {  	_ =	strace $0x90000051  }
0xc4: {  	_ =	sfence  }
0xc5: {  	s30 =	sld [smem:$0x0];
	_ =	sdelay $0x2  }
0xc6: {  	s31 =	sshll.u32 s1, $0xD;
	s1 =	sshrl.u32 s1, $0x2  }
0xc7: {  	s4 =	sand.u32 $0x4000, s31;
	s1 =	sadd.s32 s1, s30  }
0xc8: {  	s0 =	sor.u32 s4, s0;
	s1 =	sshll.u32 s1, $0x11  }
0xc9: {  	s0 =	sor.u32 s1, s0  }
0xca: {  	s0 =	sadd.s32 $0x8F2B, s0  }
0xcb: {  	[sflag:s0] =	ssyncadd.remote.s32 $0x1  }
0xcc: {  	_ =	sfence.sel $0xFFFF  }
0xcd: {  	[dreg:$0x0] =	wrdreg $0xFFFFFFFF;
	(pc) =	sbr.abs _section_cstart, $3  }
0xce: {  	[dreg:$0x1] =	wrdreg $0xFFFFFFFF  }
0xcf: {  	_ =	task.clear_ibuf [dreg:s22], $0x2FFFF;
	_ =	strace $0x9FFFFFFF  }
0xd0: {  	(tm) =	ssettm $0x7FFFFFFF  }
0xd1: {  	_ =	shalt  }
tec
execute0_lowered:
.L_overlay_start_1:
0x0: {  	(tag) =	ssettag $0x1  }
0x1: {  	s0 =	rddreg [dreg:$0x0]  }
0x2: {  	s1 =	srdreg.scid;
	s3 =	stileid.u32  }
0x3: {  	s2 =	simm.s32 $0x0;
	s9 =	simm.s32 $0x2;
	s10 =	simm.s32 $0x100  }
0x4: {  	s31 =	simm.s32 $0x4500;
	s8 =	simm.s32 $0x5D00;
	s11 =	simm.s32 $0x6100  }
0x5: {  	s12 =	simm.s32 $0x6900;
	s13 =	simm.s32 $0x6D00;
	s14 =	simm.s32 $0x7500  }
0x6: {  	s15 =	simm.s32 $0x7900;
	s16 =	simm.s32 $0x8100;
	s17 =	simm.s32 $0x8500  }
0x7: {  	s20 =	simm.s32 $0x8D00;
	s21 =	simm.s32 $0x9100;
	s22 =	simm.s32 $0x9900  }
0x8: {  	s23 =	simm.s32 $0x9D00;
	s24 =	simm.s32 $0xA500;
	s25 =	simm.s32 $0xA900  }
0x9: {  	s26 =	simm.s32 $0xB100;
	s28 =	simm.s32 $0xB500;
	s29 =	simm.s32 $0xBD00  }
0xa: {  	s1 =	sand.u32 $0x1, s1;
	s3 =	sshll.u32 s3, $0x9;
	[smem:$0x7FF] =	sst s2  }
0xb: {  	s5 =	sadd.s32 $0x15A800, s0;
	s4 =	sshll.u32 s1, $0x8;
	s1 =	ssub.s32 $0x2, s1  }
0xc: {  	_ =	strace $0x80000050;
	s3 =	sor.u32 s4, s3;
	s7 =	sshrl.u32 s1, $0x1  }
0xd: {  	s4 =	sshrl.u32 s3, $0x3;
	s1 =	ssub.s32 s1, s7;
	s7 =	sadd.s32 $0x14CD00, s0  }
0xe: {  	v2 =	vlaneseq.u32;
	s6 =	sadd.s32 s4, s0;
	s4 =	sadd.s32 $0x14CC00, s0;
	s30 =	smax.u32 s1, $0x1  }
0xf: {  	vm0 =	vmmov $0xffff;
	vm1 =	vmmov $0xff;
	v1 =	vshrl.u32 v2, $0x3;
	s0 =	simm.s32 $0x0;
	s6 =	sadd.s32 $0x15A400, s6;
	[dreg:$0x3] =	wrdreg s30  }
0x10: {  	v0 =	vand.u32 $0x7, v2;
	v2 =	vor.u32 $0x8, v2;
	v1 =	vmul.u32 $0x8, v1;
	s1 =	simm.s32 $0x5100;
	[dreg:$0x2] =	wrdreg s6;
	s6 =	simm.s32 $0x5500  }
.LBB2_1:
0x11: {  	[dreg:$0x4] =	wrdreg s0  }
0x12: {  	s18 =	rddreg [dreg:$0x2]  }
0x13: {  	[tilespmem:s2], [sflag:$0x2] =	stream.linear.gather [hbm4b:s18+s2], $0x100, $0x38;
	[tilespmem:$0xC100] =	vst v63  }
0x14: {  	_ =	swait.ge [sflag:s9], $0x100  }
0x15: {  	p0 =	por $0x1, $0x1;
	[sflag:s9] =	ssyncset.done $0x0  }
0x16: {  	s0 =	simm.s32 $0x4900;
	s18 =	simm.s32 $0x0;
	[sflag:s9] =	ssyncadd.s32 $0xFFFFFF00  }
.LBB2_2:
0x17: {  	s18 =	sshll.u32 s18, $0x7  }
0x18: {  	s19 =	sand.u32 $0x3FFFFF80, s18  }
0x19: {  	v3 =	vld [tilespmem:s19+$0x0];
	_ =	sdelay $0x4  }
0x1a: {  	v4 =	vshrl.u32 v3, $0x3  }
0x1b: {  	v4 =	vmul.u32 $0x18, v4  }
0x1c: {  	v3 =	vand.u32 $0x7, v3  }
0x1d: {  	v3 =	vor.u32 v3, v4  }
0x1e: {  	v4 =	vperm.xlane v3, v0;
	_ =	sdelay $0x1  }
0x1f: {  	v4 =	vadd.s32 v1, v4;
	_ =	sdelay $0x1  }
0x20: {  	v3 =	vperm.xlane v3, v2;
	_ =	sdelay $0x1  }
0x21: {  	v3 =	vadd.s32 v1, v3  }
0x22: {  	[tilespmem:s10], [sflag:$0x1] =	stream.indirect_vreg.gather [hbm4b:s4+s2], $0x80, v4, vm0, $0xb8;
	[tilespmem:$0xC100] =	vst v63  }
0x23: {  	s30 =	simm.s32 $0x900  }
0x24: {  	[tilespmem:s30], [sflag:$0x1] =	stream.indirect_vreg.gather [hbm4b:s7+s2], $0x80, v4, vm1, $0xb8;
	[tilespmem:$0xC100] =	vst v63  }
0x25: {  	s30 =	simm.s32 $0xD00  }
0x26: {  	[tilespmem:s30], [sflag:$0x1] =	stream.indirect_vreg.gather [hbm4b:s4+s2], $0x80, v3, vm0, $0xb8;
	[tilespmem:$0xC100] =	vst v63  }
0x27: {  	s30 =	simm.s32 $0x1500  }
0x28: {  	[tilespmem:s30], [sflag:$0x1] =	stream.indirect_vreg.gather [hbm4b:s7+s2], $0x80, v3, vm1, $0xb8;
	[tilespmem:$0xC100] =	vst v63  }
0x29: {  	v3 =	vld [tilespmem:s19+$0x10];
	_ =	sdelay $0x4  }
0x2a: {  	v57 =	vshrl.u32 v3, $0x3  }
0x2b: {  	v4 =	vmul.u32 $0x18, v57  }
0x2c: {  	v3 =	vand.u32 $0x7, v3  }
0x2d: {  	v3 =	vor.u32 v3, v4  }
0x2e: {  	v4 =	vperm.xlane v3, v0;
	_ =	sdelay $0x1  }
0x2f: {  	v4 =	vadd.s32 v1, v4;
	_ =	sdelay $0x1  }
0x30: {  	v3 =	vperm.xlane v3, v2;
	_ =	sdelay $0x1  }
0x31: {  	s30 =	simm.s32 $0x1900;
	v3 =	vadd.s32 v1, v3  }
0x32: {  	[tilespmem:s30], [sflag:$0x1] =	stream.indirect_vreg.gather [hbm4b:s4+s2], $0x80, v4, vm0, $0xb8;
	[tilespmem:$0xC100] =	vst v63  }
0x33: {  	s30 =	simm.s32 $0x2100  }
0x34: {  	[tilespmem:s30], [sflag:$0x1] =	stream.indirect_vreg.gather [hbm4b:s7+s2], $0x80, v4, vm1, $0xb8;
	[tilespmem:$0xC100] =	vst v63  }
0x35: {  	s30 =	simm.s32 $0x2500  }
0x36: {  	[tilespmem:s30], [sflag:$0x1] =	stream.indirect_vreg.gather [hbm4b:s4+s2], $0x80, v3, vm0, $0xb8;
	[tilespmem:$0xC100] =	vst v63  }
0x37: {  	s30 =	simm.s32 $0x2D00  }
0x38: {  	[tilespmem:s30], [sflag:$0x1] =	stream.indirect_vreg.gather [hbm4b:s7+s2], $0x80, v3, vm1, $0xb8;
	[tilespmem:$0xC100] =	vst v63  }
0x39: {  	v3 =	vld [tilespmem:s19+$0x20];
	_ =	sdelay $0x4  }
0x3a: {  	v58 =	vshrl.u32 v3, $0x3  }
0x3b: {  	v4 =	vmul.u32 $0x18, v58  }
0x3c: {  	v3 =	vand.u32 $0x7, v3  }
0x3d: {  	v3 =	vor.u32 v3, v4  }
0x3e: {  	v4 =	vperm.xlane v3, v0;
	_ =	sdelay $0x1  }
0x3f: {  	v4 =	vadd.s32 v1, v4;
	_ =	sdelay $0x1  }
0x40: {  	v3 =	vperm.xlane v3, v2;
	_ =	sdelay $0x1  }
0x41: {  	s30 =	simm.s32 $0x3100;
	v3 =	vadd.s32 v1, v3  }
0x42: {  	[tilespmem:s30], [sflag:$0x1] =	stream.indirect_vreg.gather [hbm4b:s4+s2], $0x80, v4, vm0, $0xb8;
	[tilespmem:$0xC100] =	vst v63  }
0x43: {  	s30 =	simm.s32 $0x3900  }
0x44: {  	[tilespmem:s30], [sflag:$0x1] =	stream.indirect_vreg.gather [hbm4b:s7+s2], $0x80, v4, vm1, $0xb8;
	[tilespmem:$0xC100] =	vst v63  }
0x45: {  	s30 =	simm.s32 $0x3D00  }
0x46: {  	[tilespmem:s30], [sflag:$0x1] =	stream.indirect_vreg.gather [hbm4b:s4+s2], $0x80, v3, vm0, $0xb8;
	[tilespmem:$0xC100] =	vst v63  }
0x47: {  	_ = 	snop  }
0x48: {  	[tilespmem:s31], [sflag:$0x1] =	stream.indirect_vreg.gather [hbm4b:s7+s2], $0x80, v3, vm1, $0xb8;
	[tilespmem:$0xC100] =	vst v63  }
0x49: {  	v3 =	vld [tilespmem:s19+$0x30];
	_ =	sdelay $0x4  }
0x4a: {  	v59 =	vshrl.u32 v3, $0x3  }
0x4b: {  	v4 =	vmul.u32 $0x18, v59  }
0x4c: {  	v3 =	vand.u32 $0x7, v3  }
0x4d: {  	v3 =	vor.u32 v3, v4  }
0x4e: {  	v4 =	vperm.xlane v3, v0;
	_ =	sdelay $0x1  }
0x4f: {  	v4 =	vadd.s32 v1, v4;
	_ =	sdelay $0x1  }
0x50: {  	v3 =	vperm.xlane v3, v2;
	_ =	sdelay $0x1  }
0x51: {  	v3 =	vadd.s32 v1, v3  }
0x52: {  	[tilespmem:s0], [sflag:$0x1] =	stream.indirect_vreg.gather [hbm4b:s4+s2], $0x80, v4, vm0, $0xb8;
	[tilespmem:$0xC100] =	vst v63  }
0x53: {  	_ = 	snop  }
0x54: {  	[tilespmem:s1], [sflag:$0x1] =	stream.indirect_vreg.gather [hbm4b:s7+s2], $0x80, v4, vm1, $0xb8;
	[tilespmem:$0xC100] =	vst v63  }
0x55: {  	_ = 	snop  }
0x56: {  	[tilespmem:s6], [sflag:$0x1] =	stream.indirect_vreg.gather [hbm4b:s4+s2], $0x80, v3, vm0, $0xb8;
	[tilespmem:$0xC100] =	vst v63  }
0x57: {  	_ = 	snop  }
0x58: {  	[tilespmem:s8], [sflag:$0x1] =	stream.indirect_vreg.gather [hbm4b:s7+s2], $0x80, v3, vm1, $0xb8;
	[tilespmem:$0xC100] =	vst v63  }
0x59: {  	v3 =	vld [tilespmem:s19+$0x40];
	_ =	sdelay $0x4  }
0x5a: {  	v60 =	vshrl.u32 v3, $0x3  }
0x5b: {  	v4 =	vmul.u32 $0x18, v60  }
0x5c: {  	v3 =	vand.u32 $0x7, v3  }
0x5d: {  	v3 =	vor.u32 v3, v4  }
0x5e: {  	v4 =	vperm.xlane v3, v0;
	_ =	sdelay $0x1  }
0x5f: {  	v4 =	vadd.s32 v1, v4;
	_ =	sdelay $0x1  }
0x60: {  	v3 =	vperm.xlane v3, v2;
	_ =	sdelay $0x1  }
0x61: {  	v3 =	vadd.s32 v1, v3  }
0x62: {  	[tilespmem:s11], [sflag:$0x1] =	stream.indirect_vreg.gather [hbm4b:s4+s2], $0x80, v4, vm0, $0xb8;
	[tilespmem:$0xC100] =	vst v63  }
0x63: {  	_ = 	snop  }
0x64: {  	[tilespmem:s12], [sflag:$0x1] =	stream.indirect_vreg.gather [hbm4b:s7+s2], $0x80, v4, vm1, $0xb8;
	[tilespmem:$0xC100] =	vst v63  }
0x65: {  	_ = 	snop  }
0x66: {  	[tilespmem:s13], [sflag:$0x1] =	stream.indirect_vreg.gather [hbm4b:s4+s2], $0x80, v3, vm0, $0xb8;
	[tilespmem:$0xC100] =	vst v63  }
0x67: {  	_ = 	snop  }
0x68: {  	[tilespmem:s14], [sflag:$0x1] =	stream.indirect_vreg.gather [hbm4b:s7+s2], $0x80, v3, vm1, $0xb8;
	[tilespmem:$0xC100] =	vst v63  }
0x69: {  	v3 =	vld [tilespmem:s19+$0x50];
	_ =	sdelay $0x4  }
0x6a: {  	v61 =	vshrl.u32 v3, $0x3  }
0x6b: {  	v4 =	vmul.u32 $0x18, v61  }
0x6c: {  	v3 =	vand.u32 $0x7, v3  }
0x6d: {  	v3 =	vor.u32 v3, v4  }
0x6e: {  	v4 =	vperm.xlane v3, v0;
	_ =	sdelay $0x1  }
0x6f: {  	v4 =	vadd.s32 v1, v4;
	_ =	sdelay $0x1  }
0x70: {  	v3 =	vperm.xlane v3, v2;
	_ =	sdelay $0x1  }
0x71: {  	v3 =	vadd.s32 v1, v3  }
0x72: {  	[tilespmem:s15], [sflag:$0x1] =	stream.indirect_vreg.gather [hbm4b:s4+s2], $0x80, v4, vm0, $0xb8;
	[tilespmem:$0xC100] =	vst v63  }
0x73: {  	_ = 	snop  }
0x74: {  	[tilespmem:s16], [sflag:$0x1] =	stream.indirect_vreg.gather [hbm4b:s7+s2], $0x80, v4, vm1, $0xb8;
	[tilespmem:$0xC100] =	vst v63  }
0x75: {  	_ = 	snop  }
0x76: {  	[tilespmem:s17], [sflag:$0x1] =	stream.indirect_vreg.gather [hbm4b:s4+s2], $0x80, v3, vm0, $0xb8;
	[tilespmem:$0xC100] =	vst v63  }
0x77: {  	_ = 	snop  }
0x78: {  	[tilespmem:s20], [sflag:$0x1] =	stream.indirect_vreg.gather [hbm4b:s7+s2], $0x80, v3, vm1, $0xb8;
	[tilespmem:$0xC100] =	vst v63  }
0x79: {  	v3 =	vld [tilespmem:s19+$0x60];
	_ =	sdelay $0x4  }
0x7a: {  	v62 =	vshrl.u32 v3, $0x3  }
0x7b: {  	v4 =	vmul.u32 $0x18, v62  }
0x7c: {  	v3 =	vand.u32 $0x7, v3  }
0x7d: {  	v3 =	vor.u32 v3, v4  }
0x7e: {  	v4 =	vperm.xlane v3, v0;
	_ =	sdelay $0x1  }
0x7f: {  	v4 =	vadd.s32 v1, v4;
	_ =	sdelay $0x1  }
0x80: {  	v3 =	vperm.xlane v3, v2;
	_ =	sdelay $0x1  }
0x81: {  	v3 =	vadd.s32 v1, v3  }
0x82: {  	[tilespmem:s21], [sflag:$0x1] =	stream.indirect_vreg.gather [hbm4b:s4+s2], $0x80, v4, vm0, $0xb8;
	[tilespmem:$0xC100] =	vst v63  }
0x83: {  	_ = 	snop  }
0x84: {  	[tilespmem:s22], [sflag:$0x1] =	stream.indirect_vreg.gather [hbm4b:s7+s2], $0x80, v4, vm1, $0xb8;
	[tilespmem:$0xC100] =	vst v63  }
0x85: {  	_ = 	snop  }
0x86: {  	[tilespmem:s23], [sflag:$0x1] =	stream.indirect_vreg.gather [hbm4b:s4+s2], $0x80, v3, vm0, $0xb8;
	[tilespmem:$0xC100] =	vst v63  }
0x87: {  	_ = 	snop  }
0x88: {  	[tilespmem:s24], [sflag:$0x1] =	stream.indirect_vreg.gather [hbm4b:s7+s2], $0x80, v3, vm1, $0xb8;
	[tilespmem:$0xC100] =	vst v63  }
0x89: {  	v3 =	vld [tilespmem:s19+$0x70];
	_ =	sdelay $0x4  }
0x8a: {  	v63 =	vshrl.u32 v3, $0x3  }
0x8b: {  	v4 =	vmul.u32 $0x18, v63  }
0x8c: {  	v3 =	vand.u32 $0x7, v3  }
0x8d: {  	v3 =	vor.u32 v3, v4  }
0x8e: {  	v4 =	vperm.xlane v3, v0;
	_ =	sdelay $0x1  }
0x8f: {  	v4 =	vadd.s32 v1, v4;
	_ =	sdelay $0x1  }
0x90: {  	v3 =	vperm.xlane v3, v2;
	_ =	sdelay $0x1  }
0x91: {  	v3 =	vadd.s32 v1, v3  }
0x92: {  	[tilespmem:s25], [sflag:$0x1] =	stream.indirect_vreg.gather [hbm4b:s4+s2], $0x80, v4, vm0, $0xb8;
	[tilespmem:$0xC100] =	vst v63  }
0x93: {  	_ = 	snop  }
0x94: {  	[tilespmem:s26], [sflag:$0x1] =	stream.indirect_vreg.gather [hbm4b:s7+s2], $0x80, v4, vm1, $0xb8;
	[tilespmem:$0xC100] =	vst v63  }
0x95: {  	s30 =	sor.u32 s3, s18  }
0x96: {  	[tilespmem:s28], [sflag:$0x1] =	stream.indirect_vreg.gather [hbm4b:s4+s2], $0x80, v3, vm0, $0xb8;
	[tilespmem:$0xC100] =	vst v63  }
0x97: {  	s18 =	simm.s32 $0x1;
	s19 =	sshrl.u32 s30, $0x3  }
0x98: {  	[tilespmem:s29], [sflag:$0x1] =	stream.indirect_vreg.gather [hbm4b:s7+s2], $0x80, v3, vm1, $0xb8;
	[tilespmem:$0xC100] =	vst v63  }
0x99: {  	s19 =	smul.u32 $0x180, s19;
	_ =	swait.ge [sflag:s18], $0xC000  }
0x9a: {  	p1 =	por p0, p0;
	[sflag:s18] =	ssyncset.done $0x0  }
.Ltmp0:
0x9b: {  	s19 =	sadd.s32 s5, s19;
	[sflag:s18] =	ssyncadd.s32 $0xFFFF4000;
	(pc) =	sbr.rel @p1 .LBB2_2-.Ltmp0, $4  }
0x9c: {  	[hbm4b:s19+s2] =	stream.linear.scatter [tilespmem:s10], [sflag:$0x2], $0xC000, $0x38;
	[tilespmem:$0xC100] =	vst v63  }
0x9d: {  	_ =	swait.ge [sflag:s9], $0xC000  }
0x9e: {  	[sflag:s9] =	ssyncset.done $0x0  }
0x9f: {  	p0 =	por $0x0, $0x0;
	[sflag:s9] =	ssyncadd.s32 $0xFFFF4000  }
0xa0: {  	s0 =	rddreg [dreg:$0x4]  }
0xa1: {  	s18 =	rddreg [dreg:$0x3];
	s0 =	sadd.s32 $0x1, s0  }
0xa2: {  	p0 =	sne.s32 s0, s18  }
.Ltmp1:
0xa3: {  	_ = 	snop;
	(pc) =	sbr.rel @p0 .LBB2_1-.Ltmp1, $1  }
0xa4: {  	_ =	sdelay $0x3  }
0xa5: {  	_ =	sfence.sel $0x180000  }
0xa6: {  	[bflag:$0x0] =	sbarrier.arrive $0xFFFF  }
0xa7: {  	_ =	strace $0x90000050  }
0xa8: {  	s0 =	stileid.u32;
	[bflag:$0x2] =	sbarrier.arrive $0xFFFF  }
0xa9: {  	p0 =	sne.s32 s0, $0x0;
	s0 =	rddreg [dreg:$0x1]  }
0xaa: {  	s0 =	sadd.s32 @!p0 $0x100000, s0  }
0xab: {  	[sflag:s0] =	ssyncadd.tile.s32 @!p0 $0x1;
	_ =	shalt  }
.Lfunc_end2:
_tile_overlayer_lowered:
.L_overlay_start_2:
0xac: {  	(tag) =	ssettag $0x2  }
0xad: {  	s0 =	rddreg [dreg:$0x0];
	s2 =	stileid.u32  }
0xae: {  	s1 =	rddreg [dreg:$0x1];
	p0 =	sne.s32 s2, $0x0  }
0xaf: {  	s3 =	rddreg [dreg:$0x2];
	[bflag:$0x3] =	sbarrier.arrive $0xFFFF;
	s2 =	simm.s32 @!p0 $0x1C02  }
0xb0: {  	[timem:s3], [sflag:s2] =	dma.local @!p0 [hbm:s0], s1  }
0xb1: {  	s0 =	simm.s32 @!p0 $0x2  }
0xb2: {  	_ =	swait.ge @!p0 [sflag:s0], s1  }
0xb3: {  	s1 =	ssub.s32 @!p0 $0x0, s1;
	[sflag:s0] =	ssyncset.done @!p0 $0x0  }
0xb4: {  	[sflag:s0] =	ssyncadd.s32 @!p0 s1  }
0xb5: {  	[bflag:$0x3] =	sbarrier.arrive $0xFFFF  }
0xb6: {  	_ =	shalt  }

// kernel: kernel.17.cloned.1.call-start
scs
__scs_entry_jumppad:
0x0: {  	(pc) =	sbr.rel $0x88, $3  }
0x1: {  	(tag) =	ssettag $0x0;
	lr =	simm.s32 $0x1  }
0x2: {  	[smem:$0x3F95] =	sst lr;
	_ =	strace $0xD0000000  }
0x3: {  	_ = 	snop  }
0x4: {  	_ = 	snop  }
0x5: {  	_ = 	snop  }
0x6: {  	_ = 	snop  }
0x7: {  	_ = 	snop  }
__scs_overlays_trampoline_lowered:
0x8: {  	[smem:$0x3FA4] =	sst s0  }
0x9: {  	[smem:$0x3FA5] =	sst s1  }
0xa: {  	[smem:$0x3FA6] =	sst s2  }
0xb: {  	[smem:$0x3FA7] =	sst s3  }
0xc: {  	[smem:$0x3FA8] =	sst s4  }
0xd: {  	[smem:$0x3FA9] =	sst s5  }
0xe: {  	[smem:$0x3FAA] =	sst s6  }
0xf: {  	[smem:$0x3FAB] =	sst s7  }
0x10: {  	[smem:$0x3FAC] =	sst s8  }
0x11: {  	[smem:$0x3FAD] =	sst s9;
	s0 =	simm.s32 @!p0 $0x0  }
0x12: {  	s1 =	sld [smem:$0x3F93];
	s0 =	simm.s32 @p0 $0x1  }
0x13: {  	[smem:$0x3FAE] =	sst s0;
	s0 =	simm.s32 @!p1 $0x0  }
0x14: {  	s2 =	sld [smem:$0x3F92];
	s0 =	simm.s32 @p1 $0x1  }
0x15: {  	[smem:$0x3FAF] =	sst s0;
	s0 =	simm.s32 @!p2 $0x0  }
0x16: {  	s3 =	sld [smem:$0x3FDB];
	s0 =	simm.s32 @p2 $0x1  }
0x17: {  	s4 =	simm.s32 $0x1BF5;
	[smem:$0x3FB1] =	sst s0  }
0x18: {  	s0 =	sld [smem:$0x3F94];
	_ =	swait.ge [sflag:s4], $0x0  }
0x19: {  	s7 =	sld [smem:$0x3F95]  }
0x1a: {  	s8 =	sadd.s32 $0xFFFFE003, lr  }
0x1b: {  	s9 =	sadd.s32 $0xFFFFFEF7, lr;
	s5 =	simm.s32 $0xFFFFFFFF;
	p2 =	slt.u32 s8, $0xFFFFF086  }
0x1c: {  	p1 =	slt.u32 s9, $0xF7A;
	s5 =	simm.s32 @!p2 $0x0  }
0x1d: {  	s5 =	simm.s32 @p1 $0x1;
	p0 =	seq.s32 s7, s2  }
0x1e: {  	s7 =	smul.u32 @!p0 $0xF7A, s2;
	p2 =	seq.s32 @!p0 s5, $0x0  }
0x1f: {  	s9 =	smul.u32 $0xF7A, s1;
	s8 =	simm.s32 @!p0 $0x1BF5;
	p2 =	por !p2, p0  }
0x20: {  	[sflag:s8] =	ssyncset.s32 @!p0 $0xFFFFF086;
	s6 =	sadd.s32 @!p0 s3, s7;
	s7 =	simm.s32 @!p0 $0x108  }
0x21: {  	s3 =	sadd.s32 s3, s9;
	s6 =	sadd.s32 @!p0 $0x88, s6;
	s7 =	simm.s32 @p2 $0x1082  }
0x22: {  	[simem:s7], [sflag:s8] =	dma.local @!p0 [hbm:s6], $0xF7A  }
0x23: {  	s9 =	sor.u32 $0xD0000000, s2;
	s6 =	simm.s32 $0x108;
	_ =	swait.ge @!p0 [sflag:s8], $0x0  }
0x24: {  	s3 =	sadd.s32 $0x88, s3;
	s6 =	simm.s32 @!p1 $0x1082;
	[sflag:s4] =	ssyncset.s32 $0xFFFFF086  }
0x25: {  	[simem:s6], [sflag:s4] =	dma.local [hbm:s3], $0xF7A  }
0x26: {  	[smem:$0x3F95] =	sst s1;
	(tag) =	ssettag s2;
	_ =	strace s9  }
0x27: {  	s1 =	sld [smem:$0x3FA5]  }
0x28: {  	s2 =	sld [smem:$0x3FA6]  }
0x29: {  	s4 =	sld [smem:$0x3FA8]  }
0x2a: {  	p0 =	seq.s32 s5, $0x0;
	s5 =	sld [smem:$0x3FA9]  }
0x2b: {  	s6 =	sld [smem:$0x3FAA]  }
0x2c: {  	s7 =	sld [smem:$0x3FAB]  }
0x2d: {  	s3 =	simm.s32 $0x108;
	s8 =	sld [smem:$0x3FAC]  }
0x2e: {  	s3 =	simm.s32 @!p0 $0x1082;
	s9 =	sld [smem:$0x3FAD]  }
0x2f: {  	lr =	sadd.s32 s0, s3;
	s0 =	sld [smem:$0x3FA4]  }
0x30: {  	s3 =	sld [smem:$0x3FA7]  }
0x31: {  	[smem:$0x3FB0] =	sst s10  }
0x32: {  	s10 =	sld [smem:$0x3FAE];
	_ =	sdelay $0x3  }
0x33: {  	p0 =	seq.s32 s10, $0x1;
	s10 =	sld [smem:$0x3FB0];
	_ =	sdelay $0x3  }
0x34: {  	[smem:$0x3FB0] =	sst s10  }
0x35: {  	s10 =	sld [smem:$0x3FAF];
	_ =	sdelay $0x3  }
0x36: {  	p1 =	seq.s32 s10, $0x1;
	s10 =	sld [smem:$0x3FB0];
	_ =	sdelay $0x3  }
0x37: {  	[smem:$0x3FB0] =	sst s10  }
0x38: {  	s10 =	sld [smem:$0x3FB1]  }
0x39: {  	_ = 	snop;
	(pc) =	sbr.ind lr, $3  }
0x3a: {  	_ = 	snop  }
0x3b: {  	_ = 	snop  }
0x3c: {  	p2 =	seq.s32 s10, $0x1;
	s10 =	sld [smem:$0x3FB0]  }
0x3d: {  	_ =	shalt  }
0x3e: {  	_ =	shalt  }
0x3f: {  	_ =	shalt  }
0x40: {  	_ =	shalt  }
0x41: {  	_ =	shalt  }
0x42: {  	_ =	shalt  }
0x43: {  	_ =	shalt  }
0x44: {  	_ =	shalt  }
0x45: {  	_ =	shalt  }
0x46: {  	_ =	shalt  }
0x47: {  	_ =	shalt  }
0x48: {  	_ =	shalt  }
0x49: {  	_ =	shalt  }
0x4a: {  	_ =	shalt  }
0x4b: {  	_ =	shalt  }
0x4c: {  	_ =	shalt  }
0x4d: {  	_ =	shalt  }
0x4e: {  	_ =	shalt  }
0x4f: {  	_ =	shalt  }
0x50: {  	_ =	shalt  }
0x51: {  	_ =	shalt  }
0x52: {  	_ =	shalt  }
0x53: {  	_ =	shalt  }
0x54: {  	_ =	shalt  }
0x55: {  	_ =	shalt  }
0x56: {  	_ =	shalt  }
0x57: {  	_ =	shalt  }
0x58: {  	_ =	shalt  }
0x59: {  	_ =	shalt  }
0x5a: {  	_ =	shalt  }
0x5b: {  	_ =	shalt  }
0x5c: {  	_ =	shalt  }
0x5d: {  	_ =	shalt  }
0x5e: {  	_ =	shalt  }
0x5f: {  	_ =	shalt  }
0x60: {  	_ =	shalt  }
0x61: {  	_ =	shalt  }
0x62: {  	_ =	shalt  }
0x63: {  	_ =	shalt  }
0x64: {  	_ =	shalt  }
0x65: {  	_ =	shalt  }
0x66: {  	_ =	shalt  }
0x67: {  	_ =	shalt  }
0x68: {  	_ =	shalt  }
0x69: {  	_ =	shalt  }
0x6a: {  	_ =	shalt  }
0x6b: {  	_ =	shalt  }
0x6c: {  	_ =	shalt  }
0x6d: {  	_ =	shalt  }
0x6e: {  	_ =	shalt  }
0x6f: {  	_ =	shalt  }
0x70: {  	_ =	shalt  }
0x71: {  	_ =	shalt  }
0x72: {  	_ =	shalt  }
0x73: {  	_ =	shalt  }
0x74: {  	_ =	shalt  }
0x75: {  	_ =	shalt  }
0x76: {  	_ =	shalt  }
0x77: {  	_ =	shalt  }
0x78: {  	_ =	shalt  }
0x79: {  	_ =	shalt  }
0x7a: {  	_ =	shalt  }
0x7b: {  	_ =	shalt  }
0x7c: {  	_ =	shalt  }
0x7d: {  	_ =	shalt  }
0x7e: {  	_ =	shalt  }
0x7f: {  	_ =	shalt  }
0x80: {  	_ =	shalt  }
0x81: {  	_ =	shalt  }
0x82: {  	_ =	shalt  }
0x83: {  	_ =	shalt  }
0x84: {  	_ =	shalt  }
0x85: {  	_ =	shalt  }
0x86: {  	_ =	shalt  }
0x87: {  	_ =	shalt  }
.Lfunc_end0:
.L_simem_size_0:
called_computation.1_lowered:
.L_overlay_start_0:
0x88: {  	s2 =	sld [smem:$0x3FD9]  }
0x89: {  	s3 =	sld [smem:$0x3FFE];
	_ =	sdelay $0x1  }
0x8a: {  	s1 =	srdreg.scid  }
0x8b: {  	s0 =	sand.u32 $0x1, s1  }
0x8c: {  	s16 =	sshll.u32 s0, $0xA;
	s2 =	sadd.s32 s3, s2  }
0x8d: {  	s2 =	sadd.s32 s2, s16  }
0x8e: {  	[smem:$0x3FBC] =	sst s2  }
0x8f: {  	_ = 	snop  }
0x90: {  	(tm) =	ssettm $0x1  }
0x91: {  	s17 =	sld [smem:$0x3FFB];
	_ =	sdelay $0x3  }
0x92: {  	_ =	strace s17  }
0x93: {  	s2 =	sld [smem:$0x3FFC];
	_ =	sdelay $0x3  }
0x94: {  	_ =	strace s2  }
0x95: {  	s2 =	sld [smem:$0x3FFD];
	_ =	sdelay $0x3  }
0x96: {  	_ =	strace s2  }
0x97: {  	_ =	strace $0x8FFFFFFF  }
0x98: {  	s18 =	sld [smem:$0x3FDB];
	_ =	sdelay $0x1  }
0x99: {  	s19 =	simm.s32 $_scs_section_size  }
0x9a: {  	s4 =	simm.s32 $_size__tile_overlayer_lowered;
	s5 =	simm.s32 $_tile_overlayer_lowered  }
0x9b: {  	s22 =	simm.s32 $0x1BFF;
	s21 =	sshll.u32 s5, $0x1;
	s2 =	sadd.s32 s19, s18  }
0x9c: {  	s6 =	simm.s32 $0x0;
	s20 =	sshll.u32 s4, $0x1;
	s4 =	sadd.s32 s21, s2  }
0x9d: {  	[timem:s6], [sflag:s22] =	dma.local [hbm:s4], s20  }
0x9e: {  	_ =	swait.ge [sflag:s22], s20  }
0x9f: {  	s3 =	ssub.s32 $0x0, s20;
	[sflag:s22] =	ssyncset.done $0x0  }
0xa0: {  	[sflag:s22] =	ssyncadd.s32 s3;
	_ =	sdelay $0x1  }
0xa1: {  	s23 =	simm.s32 $0x1B8B  }
0xa2: {  	_ =	swait.ge [sflag:s23], $0x1  }
0xa3: {  	[sflag:s23] =	ssyncset.done $0x0  }
0xa4: {  	s25 =	simm.s32 $0x1B8E;
	s24 =	sld [smem:$0x3FFE];
	[sflag:s23] =	ssyncadd.s32 $0xFFFFFFFF  }
0xa5: {  	s26 =	simm.s32 $execute0_lowered;
	[smem:$0x3FD2] =	sst s25  }
0xa6: {  	s4 =	sshll.u32 s26, $0x1;
	_ =	strace $0x80000046;
	[dreg:$0x1] =	wrdreg $0xFFFFFFFF  }
0xa7: {  	s28 =	simm.s32 $_size_execute0_lowered;
	s2 =	sadd.s32 s2, s4;
	[dreg:$0x0] =	wrdreg $0x0  }
0xa8: {  	s4 =	sshll.u32 s28, $0x1;
	[dreg:$0x2] =	wrdreg s2  }
0xa9: {  	[dreg:$0x3] =	wrdreg s4  }
0xaa: {  	[dreg:$0x4] =	wrdreg $0xC0  }
0xab: {  	_ =	task [dreg:s6], $0x5FFFF  }
0xac: {  	[dreg:$0x1] =	wrdreg $0xFFFFFFFF  }
0xad: {  	[dreg:$0x0] =	wrdreg $0x60  }
0xae: {  	[dreg:$0x2] =	wrdreg s24  }
0xaf: {  	[dreg:$0x3] =	wrdreg $0xA  }
0xb0: {  	_ =	task.clear_ibuf [dreg:s6], $0x4FFFF;
	_ =	strace $0x90000046  }
0xb1: {  	s29 =	simm.s32 $0xA;
	_ =	strace $0x80000048  }
0xb2: {  	_ =	swait.ge [sflag:s29], $0x1  }
0xb3: {  	[sflag:s29] =	ssyncadd.s32 $0xFFFFFFFF  }
0xb4: {  	_ =	strace $0x90000048  }
0xb5: {  	_ =	sfence  }
0xb6: {  	s30 =	sld [smem:$0x0];
	_ =	sdelay $0x2  }
0xb7: {  	s31 =	sshll.u32 s1, $0xD;
	s1 =	sshrl.u32 s1, $0x2  }
0xb8: {  	s3 =	sand.u32 $0x4000, s31;
	s1 =	sadd.s32 s1, s30  }
0xb9: {  	s0 =	sor.u32 s3, s0;
	s1 =	sshll.u32 s1, $0x11  }
0xba: {  	s0 =	sor.u32 s1, s0  }
0xbb: {  	s0 =	sadd.s32 $0x8F2B, s0  }
0xbc: {  	[sflag:s0] =	ssyncadd.remote.s32 $0x1  }
0xbd: {  	_ =	sfence.sel $0xFFFF  }
0xbe: {  	[dreg:$0x0] =	wrdreg $0xFFFFFFFF;
	(pc) =	sbr.abs _section_cstart, $3  }
0xbf: {  	[dreg:$0x1] =	wrdreg $0xFFFFFFFF  }
0xc0: {  	_ =	task.clear_ibuf [dreg:s6], $0x2FFFF;
	_ =	strace $0x9FFFFFFF  }
0xc1: {  	(tm) =	ssettm $0x7FFFFFFF  }
tec
execute0_lowered:
.L_overlay_start_1:
0x0: {  	(tag) =	ssettag $0x1  }
0x1: {  	s0 =	rddreg [dreg:$0x0]  }
0x2: {  	s1 =	srdreg.scid;
	s3 =	stileid.u32  }
0x3: {  	s2 =	simm.s32 $0x0;
	s9 =	simm.s32 $0x2;
	s10 =	simm.s32 $0x100  }
0x4: {  	s31 =	simm.s32 $0x4500;
	s8 =	simm.s32 $0x5D00;
	s11 =	simm.s32 $0x6100  }
0x5: {  	s12 =	simm.s32 $0x6900;
	s13 =	simm.s32 $0x6D00;
	s14 =	simm.s32 $0x7500  }
0x6: {  	s15 =	simm.s32 $0x7900;
	s16 =	simm.s32 $0x8100;
	s17 =	simm.s32 $0x8500  }
0x7: {  	s20 =	simm.s32 $0x8D00;
	s21 =	simm.s32 $0x9100;
	s22 =	simm.s32 $0x9900  }
0x8: {  	s23 =	simm.s32 $0x9D00;
	s24 =	simm.s32 $0xA500;
	s25 =	simm.s32 $0xA900  }
0x9: {  	s26 =	simm.s32 $0xB100;
	s28 =	simm.s32 $0xB500;
	s29 =	simm.s32 $0xBD00  }
0xa: {  	s1 =	sand.u32 $0x1, s1;
	s3 =	sshll.u32 s3, $0x9;
	[smem:$0x7FF] =	sst s2  }
0xb: {  	s5 =	sadd.s32 $0x11800, s0;
	s4 =	sshll.u32 s1, $0x8;
	s1 =	ssub.s32 $0x2, s1  }
0xc: {  	_ =	strace $0x80000047;
	s3 =	sor.u32 s4, s3;
	s7 =	sshrl.u32 s1, $0x1  }
0xd: {  	s4 =	sshrl.u32 s3, $0x3;
	s1 =	ssub.s32 s1, s7;
	s7 =	sadd.s32 $0x3D00, s0  }
0xe: {  	v2 =	vlaneseq.u32;
	s6 =	sadd.s32 s4, s0;
	s4 =	sadd.s32 $0x3C00, s0;
	s30 =	smax.u32 s1, $0x1  }
0xf: {  	vm0 =	vmmov $0xffff;
	vm1 =	vmmov $0xff;
	v1 =	vshrl.u32 v2, $0x3;
	s0 =	simm.s32 $0x0;
	s6 =	sadd.s32 $0x11400, s6;
	[dreg:$0x3] =	wrdreg s30  }
0x10: {  	v0 =	vand.u32 $0x7, v2;
	v2 =	vor.u32 $0x8, v2;
	v1 =	vmul.u32 $0x8, v1;
	s1 =	simm.s32 $0x5100;
	[dreg:$0x2] =	wrdreg s6;
	s6 =	simm.s32 $0x5500  }
.LBB2_1:
0x11: {  	[dreg:$0x4] =	wrdreg s0  }
0x12: {  	s18 =	rddreg [dreg:$0x2]  }
0x13: {  	[tilespmem:s2], [sflag:$0x2] =	stream.linear.gather [hbm4b:s18+s2], $0x100, $0x38;
	[tilespmem:$0xC100] =	vst v63  }
0x14: {  	_ =	swait.ge [sflag:s9], $0x100  }
0x15: {  	p0 =	por $0x1, $0x1;
	[sflag:s9] =	ssyncset.done $0x0  }
0x16: {  	s0 =	simm.s32 $0x4900;
	s18 =	simm.s32 $0x0;
	[sflag:s9] =	ssyncadd.s32 $0xFFFFFF00  }
.LBB2_2:
0x17: {  	s18 =	sshll.u32 s18, $0x7  }
0x18: {  	s19 =	sand.u32 $0x3FFFFF80, s18  }
0x19: {  	v3 =	vld [tilespmem:s19+$0x0];
	_ =	sdelay $0x4  }
0x1a: {  	v4 =	vshrl.u32 v3, $0x3  }
0x1b: {  	v4 =	vmul.u32 $0x18, v4  }
0x1c: {  	v3 =	vand.u32 $0x7, v3  }
0x1d: {  	v3 =	vor.u32 v3, v4  }
0x1e: {  	v4 =	vperm.xlane v3, v0;
	_ =	sdelay $0x1  }
0x1f: {  	v4 =	vadd.s32 v1, v4;
	_ =	sdelay $0x1  }
0x20: {  	v3 =	vperm.xlane v3, v2;
	_ =	sdelay $0x1  }
0x21: {  	v3 =	vadd.s32 v1, v3  }
0x22: {  	[tilespmem:s10], [sflag:$0x1] =	stream.indirect_vreg.gather [hbm4b:s4+s2], $0x80, v4, vm0, $0xb8;
	[tilespmem:$0xC100] =	vst v63  }
0x23: {  	s30 =	simm.s32 $0x900  }
0x24: {  	[tilespmem:s30], [sflag:$0x1] =	stream.indirect_vreg.gather [hbm4b:s7+s2], $0x80, v4, vm1, $0xb8;
	[tilespmem:$0xC100] =	vst v63  }
0x25: {  	s30 =	simm.s32 $0xD00  }
0x26: {  	[tilespmem:s30], [sflag:$0x1] =	stream.indirect_vreg.gather [hbm4b:s4+s2], $0x80, v3, vm0, $0xb8;
	[tilespmem:$0xC100] =	vst v63  }
0x27: {  	s30 =	simm.s32 $0x1500  }
0x28: {  	[tilespmem:s30], [sflag:$0x1] =	stream.indirect_vreg.gather [hbm4b:s7+s2], $0x80, v3, vm1, $0xb8;
	[tilespmem:$0xC100] =	vst v63  }
0x29: {  	v3 =	vld [tilespmem:s19+$0x10];
	_ =	sdelay $0x4  }
0x2a: {  	v57 =	vshrl.u32 v3, $0x3  }
0x2b: {  	v4 =	vmul.u32 $0x18, v57  }
0x2c: {  	v3 =	vand.u32 $0x7, v3  }
0x2d: {  	v3 =	vor.u32 v3, v4  }
0x2e: {  	v4 =	vperm.xlane v3, v0;
	_ =	sdelay $0x1  }
0x2f: {  	v4 =	vadd.s32 v1, v4;
	_ =	sdelay $0x1  }
0x30: {  	v3 =	vperm.xlane v3, v2;
	_ =	sdelay $0x1  }
0x31: {  	s30 =	simm.s32 $0x1900;
	v3 =	vadd.s32 v1, v3  }
0x32: {  	[tilespmem:s30], [sflag:$0x1] =	stream.indirect_vreg.gather [hbm4b:s4+s2], $0x80, v4, vm0, $0xb8;
	[tilespmem:$0xC100] =	vst v63  }
0x33: {  	s30 =	simm.s32 $0x2100  }
0x34: {  	[tilespmem:s30], [sflag:$0x1] =	stream.indirect_vreg.gather [hbm4b:s7+s2], $0x80, v4, vm1, $0xb8;
	[tilespmem:$0xC100] =	vst v63  }
0x35: {  	s30 =	simm.s32 $0x2500  }
0x36: {  	[tilespmem:s30], [sflag:$0x1] =	stream.indirect_vreg.gather [hbm4b:s4+s2], $0x80, v3, vm0, $0xb8;
	[tilespmem:$0xC100] =	vst v63  }
0x37: {  	s30 =	simm.s32 $0x2D00  }
0x38: {  	[tilespmem:s30], [sflag:$0x1] =	stream.indirect_vreg.gather [hbm4b:s7+s2], $0x80, v3, vm1, $0xb8;
	[tilespmem:$0xC100] =	vst v63  }
0x39: {  	v3 =	vld [tilespmem:s19+$0x20];
	_ =	sdelay $0x4  }
0x3a: {  	v58 =	vshrl.u32 v3, $0x3  }
0x3b: {  	v4 =	vmul.u32 $0x18, v58  }
0x3c: {  	v3 =	vand.u32 $0x7, v3  }
0x3d: {  	v3 =	vor.u32 v3, v4  }
0x3e: {  	v4 =	vperm.xlane v3, v0;
	_ =	sdelay $0x1  }
0x3f: {  	v4 =	vadd.s32 v1, v4;
	_ =	sdelay $0x1  }
0x40: {  	v3 =	vperm.xlane v3, v2;
	_ =	sdelay $0x1  }
0x41: {  	s30 =	simm.s32 $0x3100;
	v3 =	vadd.s32 v1, v3  }
0x42: {  	[tilespmem:s30], [sflag:$0x1] =	stream.indirect_vreg.gather [hbm4b:s4+s2], $0x80, v4, vm0, $0xb8;
	[tilespmem:$0xC100] =	vst v63  }
0x43: {  	s30 =	simm.s32 $0x3900  }
0x44: {  	[tilespmem:s30], [sflag:$0x1] =	stream.indirect_vreg.gather [hbm4b:s7+s2], $0x80, v4, vm1, $0xb8;
	[tilespmem:$0xC100] =	vst v63  }
0x45: {  	s30 =	simm.s32 $0x3D00  }
0x46: {  	[tilespmem:s30], [sflag:$0x1] =	stream.indirect_vreg.gather [hbm4b:s4+s2], $0x80, v3, vm0, $0xb8;
	[tilespmem:$0xC100] =	vst v63  }
0x47: {  	_ = 	snop  }
0x48: {  	[tilespmem:s31], [sflag:$0x1] =	stream.indirect_vreg.gather [hbm4b:s7+s2], $0x80, v3, vm1, $0xb8;
	[tilespmem:$0xC100] =	vst v63  }
0x49: {  	v3 =	vld [tilespmem:s19+$0x30];
	_ =	sdelay $0x4  }
0x4a: {  	v59 =	vshrl.u32 v3, $0x3  }
0x4b: {  	v4 =	vmul.u32 $0x18, v59  }
0x4c: {  	v3 =	vand.u32 $0x7, v3  }
0x4d: {  	v3 =	vor.u32 v3, v4  }
0x4e: {  	v4 =	vperm.xlane v3, v0;
	_ =	sdelay $0x1  }
0x4f: {  	v4 =	vadd.s32 v1, v4;
	_ =	sdelay $0x1  }
0x50: {  	v3 =	vperm.xlane v3, v2;
	_ =	sdelay $0x1  }
0x51: {  	v3 =	vadd.s32 v1, v3  }
0x52: {  	[tilespmem:s0], [sflag:$0x1] =	stream.indirect_vreg.gather [hbm4b:s4+s2], $0x80, v4, vm0, $0xb8;
	[tilespmem:$0xC100] =	vst v63  }
0x53: {  	_ = 	snop  }
0x54: {  	[tilespmem:s1], [sflag:$0x1] =	stream.indirect_vreg.gather [hbm4b:s7+s2], $0x80, v4, vm1, $0xb8;
	[tilespmem:$0xC100] =	vst v63  }
0x55: {  	_ = 	snop  }
0x56: {  	[tilespmem:s6], [sflag:$0x1] =	stream.indirect_vreg.gather [hbm4b:s4+s2], $0x80, v3, vm0, $0xb8;
	[tilespmem:$0xC100] =	vst v63  }
0x57: {  	_ = 	snop  }
0x58: {  	[tilespmem:s8], [sflag:$0x1] =	stream.indirect_vreg.gather [hbm4b:s7+s2], $0x80, v3, vm1, $0xb8;
	[tilespmem:$0xC100] =	vst v63  }
0x59: {  	v3 =	vld [tilespmem:s19+$0x40];
	_ =	sdelay $0x4  }
0x5a: {  	v60 =	vshrl.u32 v3, $0x3  }
0x5b: {  	v4 =	vmul.u32 $0x18, v60  }
0x5c: {  	v3 =	vand.u32 $0x7, v3  }
0x5d: {  	v3 =	vor.u32 v3, v4  }
0x5e: {  	v4 =	vperm.xlane v3, v0;
	_ =	sdelay $0x1  }
0x5f: {  	v4 =	vadd.s32 v1, v4;
	_ =	sdelay $0x1  }
0x60: {  	v3 =	vperm.xlane v3, v2;
	_ =	sdelay $0x1  }
0x61: {  	v3 =	vadd.s32 v1, v3  }
0x62: {  	[tilespmem:s11], [sflag:$0x1] =	stream.indirect_vreg.gather [hbm4b:s4+s2], $0x80, v4, vm0, $0xb8;
	[tilespmem:$0xC100] =	vst v63  }
0x63: {  	_ = 	snop  }
0x64: {  	[tilespmem:s12], [sflag:$0x1] =	stream.indirect_vreg.gather [hbm4b:s7+s2], $0x80, v4, vm1, $0xb8;
	[tilespmem:$0xC100] =	vst v63  }
0x65: {  	_ = 	snop  }
0x66: {  	[tilespmem:s13], [sflag:$0x1] =	stream.indirect_vreg.gather [hbm4b:s4+s2], $0x80, v3, vm0, $0xb8;
	[tilespmem:$0xC100] =	vst v63  }
0x67: {  	_ = 	snop  }
0x68: {  	[tilespmem:s14], [sflag:$0x1] =	stream.indirect_vreg.gather [hbm4b:s7+s2], $0x80, v3, vm1, $0xb8;
	[tilespmem:$0xC100] =	vst v63  }
0x69: {  	v3 =	vld [tilespmem:s19+$0x50];
	_ =	sdelay $0x4  }
0x6a: {  	v61 =	vshrl.u32 v3, $0x3  }
0x6b: {  	v4 =	vmul.u32 $0x18, v61  }
0x6c: {  	v3 =	vand.u32 $0x7, v3  }
0x6d: {  	v3 =	vor.u32 v3, v4  }
0x6e: {  	v4 =	vperm.xlane v3, v0;
	_ =	sdelay $0x1  }
0x6f: {  	v4 =	vadd.s32 v1, v4;
	_ =	sdelay $0x1  }
0x70: {  	v3 =	vperm.xlane v3, v2;
	_ =	sdelay $0x1  }
0x71: {  	v3 =	vadd.s32 v1, v3  }
0x72: {  	[tilespmem:s15], [sflag:$0x1] =	stream.indirect_vreg.gather [hbm4b:s4+s2], $0x80, v4, vm0, $0xb8;
	[tilespmem:$0xC100] =	vst v63  }
0x73: {  	_ = 	snop  }
0x74: {  	[tilespmem:s16], [sflag:$0x1] =	stream.indirect_vreg.gather [hbm4b:s7+s2], $0x80, v4, vm1, $0xb8;
	[tilespmem:$0xC100] =	vst v63  }
0x75: {  	_ = 	snop  }
0x76: {  	[tilespmem:s17], [sflag:$0x1] =	stream.indirect_vreg.gather [hbm4b:s4+s2], $0x80, v3, vm0, $0xb8;
	[tilespmem:$0xC100] =	vst v63  }
0x77: {  	_ = 	snop  }
0x78: {  	[tilespmem:s20], [sflag:$0x1] =	stream.indirect_vreg.gather [hbm4b:s7+s2], $0x80, v3, vm1, $0xb8;
	[tilespmem:$0xC100] =	vst v63  }
0x79: {  	v3 =	vld [tilespmem:s19+$0x60];
	_ =	sdelay $0x4  }
0x7a: {  	v62 =	vshrl.u32 v3, $0x3  }
0x7b: {  	v4 =	vmul.u32 $0x18, v62  }
0x7c: {  	v3 =	vand.u32 $0x7, v3  }
0x7d: {  	v3 =	vor.u32 v3, v4  }
0x7e: {  	v4 =	vperm.xlane v3, v0;
	_ =	sdelay $0x1  }
0x7f: {  	v4 =	vadd.s32 v1, v4;
	_ =	sdelay $0x1  }
0x80: {  	v3 =	vperm.xlane v3, v2;
	_ =	sdelay $0x1  }
0x81: {  	v3 =	vadd.s32 v1, v3  }
0x82: {  	[tilespmem:s21], [sflag:$0x1] =	stream.indirect_vreg.gather [hbm4b:s4+s2], $0x80, v4, vm0, $0xb8;
	[tilespmem:$0xC100] =	vst v63  }
0x83: {  	_ = 	snop  }
0x84: {  	[tilespmem:s22], [sflag:$0x1] =	stream.indirect_vreg.gather [hbm4b:s7+s2], $0x80, v4, vm1, $0xb8;
	[tilespmem:$0xC100] =	vst v63  }
0x85: {  	_ = 	snop  }
0x86: {  	[tilespmem:s23], [sflag:$0x1] =	stream.indirect_vreg.gather [hbm4b:s4+s2], $0x80, v3, vm0, $0xb8;
	[tilespmem:$0xC100] =	vst v63  }
0x87: {  	_ = 	snop  }
0x88: {  	[tilespmem:s24], [sflag:$0x1] =	stream.indirect_vreg.gather [hbm4b:s7+s2], $0x80, v3, vm1, $0xb8;
	[tilespmem:$0xC100] =	vst v63  }
0x89: {  	v3 =	vld [tilespmem:s19+$0x70];
	_ =	sdelay $0x4  }
0x8a: {  	v63 =	vshrl.u32 v3, $0x3  }
0x8b: {  	v4 =	vmul.u32 $0x18, v63  }
0x8c: {  	v3 =	vand.u32 $0x7, v3  }
0x8d: {  	v3 =	vor.u32 v3, v4  }
0x8e: {  	v4 =	vperm.xlane v3, v0;
	_ =	sdelay $0x1  }
0x8f: {  	v4 =	vadd.s32 v1, v4;
	_ =	sdelay $0x1  }
0x90: {  	v3 =	vperm.xlane v3, v2;
	_ =	sdelay $0x1  }
0x91: {  	v3 =	vadd.s32 v1, v3  }
0x92: {  	[tilespmem:s25], [sflag:$0x1] =	stream.indirect_vreg.gather [hbm4b:s4+s2], $0x80, v4, vm0, $0xb8;
	[tilespmem:$0xC100] =	vst v63  }
0x93: {  	_ = 	snop  }
0x94: {  	[tilespmem:s26], [sflag:$0x1] =	stream.indirect_vreg.gather [hbm4b:s7+s2], $0x80, v4, vm1, $0xb8;
	[tilespmem:$0xC100] =	vst v63  }
0x95: {  	s30 =	sor.u32 s3, s18  }
0x96: {  	[tilespmem:s28], [sflag:$0x1] =	stream.indirect_vreg.gather [hbm4b:s4+s2], $0x80, v3, vm0, $0xb8;
	[tilespmem:$0xC100] =	vst v63  }
0x97: {  	s18 =	simm.s32 $0x1;
	s19 =	sshrl.u32 s30, $0x3  }
0x98: {  	[tilespmem:s29], [sflag:$0x1] =	stream.indirect_vreg.gather [hbm4b:s7+s2], $0x80, v3, vm1, $0xb8;
	[tilespmem:$0xC100] =	vst v63  }
0x99: {  	s19 =	smul.u32 $0x180, s19;
	_ =	swait.ge [sflag:s18], $0xC000  }
0x9a: {  	p1 =	por p0, p0;
	[sflag:s18] =	ssyncset.done $0x0  }
.Ltmp0:
0x9b: {  	s19 =	sadd.s32 s5, s19;
	[sflag:s18] =	ssyncadd.s32 $0xFFFF4000;
	(pc) =	sbr.rel @p1 .LBB2_2-.Ltmp0, $4  }
0x9c: {  	[hbm4b:s19+s2] =	stream.linear.scatter [tilespmem:s10], [sflag:$0x2], $0xC000, $0x38;
	[tilespmem:$0xC100] =	vst v63  }
0x9d: {  	_ =	swait.ge [sflag:s9], $0xC000  }
0x9e: {  	[sflag:s9] =	ssyncset.done $0x0  }
0x9f: {  	p0 =	por $0x0, $0x0;
	[sflag:s9] =	ssyncadd.s32 $0xFFFF4000  }
0xa0: {  	s0 =	rddreg [dreg:$0x4]  }
0xa1: {  	s18 =	rddreg [dreg:$0x3];
	s0 =	sadd.s32 $0x1, s0  }
0xa2: {  	p0 =	sne.s32 s0, s18  }
.Ltmp1:
0xa3: {  	_ = 	snop;
	(pc) =	sbr.rel @p0 .LBB2_1-.Ltmp1, $1  }
0xa4: {  	_ =	sdelay $0x3  }
0xa5: {  	_ =	sfence.sel $0x180000  }
0xa6: {  	[bflag:$0x0] =	sbarrier.arrive $0xFFFF  }
0xa7: {  	_ =	strace $0x90000047  }
0xa8: {  	s0 =	stileid.u32;
	[bflag:$0x2] =	sbarrier.arrive $0xFFFF  }
0xa9: {  	p0 =	sne.s32 s0, $0x0;
	s0 =	rddreg [dreg:$0x1]  }
0xaa: {  	s0 =	sadd.s32 @!p0 $0x100000, s0  }
0xab: {  	[sflag:s0] =	ssyncadd.tile.s32 @!p0 $0x1;
	_ =	shalt  }
.Lfunc_end2:
_tile_overlayer_lowered:
.L_overlay_start_2:
0xac: {  	(tag) =	ssettag $0x2  }
0xad: {  	s0 =	rddreg [dreg:$0x0];
	s2 =	stileid.u32  }
0xae: {  	s1 =	rddreg [dreg:$0x1];
	p0 =	sne.s32 s2, $0x0  }
0xaf: {  	s3 =	rddreg [dreg:$0x2];
	[bflag:$0x3] =	sbarrier.arrive $0xFFFF;
	s2 =	simm.s32 @!p0 $0x1C02  }
0xb0: {  	[timem:s3], [sflag:s2] =	dma.local @!p0 [hbm:s0], s1  }
0xb1: {  	s0 =	simm.s32 @!p0 $0x2  }
0xb2: {  	_ =	swait.ge @!p0 [sflag:s0], s1  }
0xb3: {  	s1 =	ssub.s32 @!p0 $0x0, s1;
	[sflag:s0] =	ssyncset.done @!p0 $0x0  }
0xb4: {  	[sflag:s0] =	ssyncadd.s32 @!p0 s1  }
0xb5: {  	[bflag:$0x3] =	sbarrier.arrive $0xFFFF  }
0xb6: {  	_ =	shalt  }

// kernel: kernel.20.cloned.1.call-start
scs
__scs_entry_jumppad:
0x0: {  	(pc) =	sbr.rel $0x88, $3  }
0x1: {  	(tag) =	ssettag $0x0;
	lr =	simm.s32 $0x1  }
0x2: {  	[smem:$0x3F95] =	sst lr;
	_ =	strace $0xD0000000  }
0x3: {  	_ = 	snop  }
0x4: {  	_ = 	snop  }
0x5: {  	_ = 	snop  }
0x6: {  	_ = 	snop  }
0x7: {  	_ = 	snop  }
__scs_overlays_trampoline_lowered:
0x8: {  	[smem:$0x3FA4] =	sst s0  }
0x9: {  	[smem:$0x3FA5] =	sst s1  }
0xa: {  	[smem:$0x3FA6] =	sst s2  }
0xb: {  	[smem:$0x3FA7] =	sst s3  }
0xc: {  	[smem:$0x3FA8] =	sst s4  }
0xd: {  	[smem:$0x3FA9] =	sst s5  }
0xe: {  	[smem:$0x3FAA] =	sst s6  }
0xf: {  	[smem:$0x3FAB] =	sst s7  }
0x10: {  	[smem:$0x3FAC] =	sst s8  }
0x11: {  	[smem:$0x3FAD] =	sst s9;
	s0 =	simm.s32 @!p0 $0x0  }
0x12: {  	s1 =	sld [smem:$0x3F93];
	s0 =	simm.s32 @p0 $0x1  }
0x13: {  	[smem:$0x3FAE] =	sst s0;
	s0 =	simm.s32 @!p1 $0x0  }
0x14: {  	s2 =	sld [smem:$0x3F92];
	s0 =	simm.s32 @p1 $0x1  }
0x15: {  	[smem:$0x3FAF] =	sst s0;
	s0 =	simm.s32 @!p2 $0x0  }
0x16: {  	s3 =	sld [smem:$0x3FDB];
	s0 =	simm.s32 @p2 $0x1  }
0x17: {  	s4 =	simm.s32 $0x1BF5;
	[smem:$0x3FB1] =	sst s0  }
0x18: {  	s0 =	sld [smem:$0x3F94];
	_ =	swait.ge [sflag:s4], $0x0  }
0x19: {  	s7 =	sld [smem:$0x3F95]  }
0x1a: {  	s8 =	sadd.s32 $0xFFFFE003, lr  }
0x1b: {  	s9 =	sadd.s32 $0xFFFFFEF7, lr;
	s5 =	simm.s32 $0xFFFFFFFF;
	p2 =	slt.u32 s8, $0xFFFFF086  }
0x1c: {  	p1 =	slt.u32 s9, $0xF7A;
	s5 =	simm.s32 @!p2 $0x0  }
0x1d: {  	s5 =	simm.s32 @p1 $0x1;
	p0 =	seq.s32 s7, s2  }
0x1e: {  	s7 =	smul.u32 @!p0 $0xF7A, s2;
	p2 =	seq.s32 @!p0 s5, $0x0  }
0x1f: {  	s9 =	smul.u32 $0xF7A, s1;
	s8 =	simm.s32 @!p0 $0x1BF5;
	p2 =	por !p2, p0  }
0x20: {  	[sflag:s8] =	ssyncset.s32 @!p0 $0xFFFFF086;
	s6 =	sadd.s32 @!p0 s3, s7;
	s7 =	simm.s32 @!p0 $0x108  }
0x21: {  	s3 =	sadd.s32 s3, s9;
	s6 =	sadd.s32 @!p0 $0x88, s6;
	s7 =	simm.s32 @p2 $0x1082  }
0x22: {  	[simem:s7], [sflag:s8] =	dma.local @!p0 [hbm:s6], $0xF7A  }
0x23: {  	s9 =	sor.u32 $0xD0000000, s2;
	s6 =	simm.s32 $0x108;
	_ =	swait.ge @!p0 [sflag:s8], $0x0  }
0x24: {  	s3 =	sadd.s32 $0x88, s3;
	s6 =	simm.s32 @!p1 $0x1082;
	[sflag:s4] =	ssyncset.s32 $0xFFFFF086  }
0x25: {  	[simem:s6], [sflag:s4] =	dma.local [hbm:s3], $0xF7A  }
0x26: {  	[smem:$0x3F95] =	sst s1;
	(tag) =	ssettag s2;
	_ =	strace s9  }
0x27: {  	s1 =	sld [smem:$0x3FA5]  }
0x28: {  	s2 =	sld [smem:$0x3FA6]  }
0x29: {  	s4 =	sld [smem:$0x3FA8]  }
0x2a: {  	p0 =	seq.s32 s5, $0x0;
	s5 =	sld [smem:$0x3FA9]  }
0x2b: {  	s6 =	sld [smem:$0x3FAA]  }
0x2c: {  	s7 =	sld [smem:$0x3FAB]  }
0x2d: {  	s3 =	simm.s32 $0x108;
	s8 =	sld [smem:$0x3FAC]  }
0x2e: {  	s3 =	simm.s32 @!p0 $0x1082;
	s9 =	sld [smem:$0x3FAD]  }
0x2f: {  	lr =	sadd.s32 s0, s3;
	s0 =	sld [smem:$0x3FA4]  }
0x30: {  	s3 =	sld [smem:$0x3FA7]  }
0x31: {  	[smem:$0x3FB0] =	sst s10  }
0x32: {  	s10 =	sld [smem:$0x3FAE];
	_ =	sdelay $0x3  }
0x33: {  	p0 =	seq.s32 s10, $0x1;
	s10 =	sld [smem:$0x3FB0];
	_ =	sdelay $0x3  }
0x34: {  	[smem:$0x3FB0] =	sst s10  }
0x35: {  	s10 =	sld [smem:$0x3FAF];
	_ =	sdelay $0x3  }
0x36: {  	p1 =	seq.s32 s10, $0x1;
	s10 =	sld [smem:$0x3FB0];
	_ =	sdelay $0x3  }
0x37: {  	[smem:$0x3FB0] =	sst s10  }
0x38: {  	s10 =	sld [smem:$0x3FB1]  }
0x39: {  	_ = 	snop;
	(pc) =	sbr.ind lr, $3  }
0x3a: {  	_ = 	snop  }
0x3b: {  	_ = 	snop  }
0x3c: {  	p2 =	seq.s32 s10, $0x1;
	s10 =	sld [smem:$0x3FB0]  }
0x3d: {  	_ =	shalt  }
0x3e: {  	_ =	shalt  }
0x3f: {  	_ =	shalt  }
0x40: {  	_ =	shalt  }
0x41: {  	_ =	shalt  }
0x42: {  	_ =	shalt  }
0x43: {  	_ =	shalt  }
0x44: {  	_ =	shalt  }
0x45: {  	_ =	shalt  }
0x46: {  	_ =	shalt  }
0x47: {  	_ =	shalt  }
0x48: {  	_ =	shalt  }
0x49: {  	_ =	shalt  }
0x4a: {  	_ =	shalt  }
0x4b: {  	_ =	shalt  }
0x4c: {  	_ =	shalt  }
0x4d: {  	_ =	shalt  }
0x4e: {  	_ =	shalt  }
0x4f: {  	_ =	shalt  }
0x50: {  	_ =	shalt  }
0x51: {  	_ =	shalt  }
0x52: {  	_ =	shalt  }
0x53: {  	_ =	shalt  }
0x54: {  	_ =	shalt  }
0x55: {  	_ =	shalt  }
0x56: {  	_ =	shalt  }
0x57: {  	_ =	shalt  }
0x58: {  	_ =	shalt  }
0x59: {  	_ =	shalt  }
0x5a: {  	_ =	shalt  }
0x5b: {  	_ =	shalt  }
0x5c: {  	_ =	shalt  }
0x5d: {  	_ =	shalt  }
0x5e: {  	_ =	shalt  }
0x5f: {  	_ =	shalt  }
0x60: {  	_ =	shalt  }
0x61: {  	_ =	shalt  }
0x62: {  	_ =	shalt  }
0x63: {  	_ =	shalt  }
0x64: {  	_ =	shalt  }
0x65: {  	_ =	shalt  }
0x66: {  	_ =	shalt  }
0x67: {  	_ =	shalt  }
0x68: {  	_ =	shalt  }
0x69: {  	_ =	shalt  }
0x6a: {  	_ =	shalt  }
0x6b: {  	_ =	shalt  }
0x6c: {  	_ =	shalt  }
0x6d: {  	_ =	shalt  }
0x6e: {  	_ =	shalt  }
0x6f: {  	_ =	shalt  }
0x70: {  	_ =	shalt  }
0x71: {  	_ =	shalt  }
0x72: {  	_ =	shalt  }
0x73: {  	_ =	shalt  }
0x74: {  	_ =	shalt  }
0x75: {  	_ =	shalt  }
0x76: {  	_ =	shalt  }
0x77: {  	_ =	shalt  }
0x78: {  	_ =	shalt  }
0x79: {  	_ =	shalt  }
0x7a: {  	_ =	shalt  }
0x7b: {  	_ =	shalt  }
0x7c: {  	_ =	shalt  }
0x7d: {  	_ =	shalt  }
0x7e: {  	_ =	shalt  }
0x7f: {  	_ =	shalt  }
0x80: {  	_ =	shalt  }
0x81: {  	_ =	shalt  }
0x82: {  	_ =	shalt  }
0x83: {  	_ =	shalt  }
0x84: {  	_ =	shalt  }
0x85: {  	_ =	shalt  }
0x86: {  	_ =	shalt  }
0x87: {  	_ =	shalt  }
.Lfunc_end0:
.L_simem_size_0:
called_computation.2_lowered:
.L_overlay_start_0:
0x88: {  	s2 =	sld [smem:$0x3FD9]  }
0x89: {  	s3 =	sld [smem:$0x3FFE];
	_ =	sdelay $0x1  }
0x8a: {  	s1 =	srdreg.scid  }
0x8b: {  	s0 =	sand.u32 $0x1, s1  }
0x8c: {  	s17 =	sshll.u32 s0, $0xA;
	s2 =	sadd.s32 s3, s2  }
0x8d: {  	s2 =	sadd.s32 s2, s17  }
0x8e: {  	[smem:$0x3FBC] =	sst s2  }
0x8f: {  	_ = 	snop  }
0x90: {  	(tm) =	ssettm $0x1  }
0x91: {  	s18 =	sld [smem:$0x3FFB];
	_ =	sdelay $0x3  }
0x92: {  	_ =	strace s18  }
0x93: {  	s2 =	sld [smem:$0x3FFC];
	_ =	sdelay $0x3  }
0x94: {  	_ =	strace s2  }
0x95: {  	s2 =	sld [smem:$0x3FFD];
	_ =	sdelay $0x3  }
0x96: {  	_ =	strace s2  }
0x97: {  	_ =	strace $0x8FFFFFFF  }
0x98: {  	s19 =	sld [smem:$0x3FDB];
	_ =	sdelay $0x1  }
0x99: {  	s20 =	simm.s32 $_scs_section_size  }
0x9a: {  	s4 =	simm.s32 $_size__tile_overlayer_lowered;
	s5 =	simm.s32 $_tile_overlayer_lowered  }
0x9b: {  	s6 =	simm.s32 $0x1BFF;
	s21 =	sshll.u32 s5, $0x1;
	s3 =	sadd.s32 s20, s19  }
0x9c: {  	s22 =	simm.s32 $0x0;
	s4 =	sshll.u32 s4, $0x1;
	s5 =	sadd.s32 s21, s3  }
0x9d: {  	[timem:s22], [sflag:s6] =	dma.local [hbm:s5], s4  }
0x9e: {  	_ =	swait.ge [sflag:s6], s4  }
0x9f: {  	s4 =	ssub.s32 $0x0, s4;
	[sflag:s6] =	ssyncset.done $0x0  }
0xa0: {  	[sflag:s6] =	ssyncadd.s32 s4;
	_ =	sdelay $0x1  }
0xa1: {  	s23 =	simm.s32 $0x1B8B  }
0xa2: {  	_ =	swait.ge [sflag:s23], $0x1  }
0xa3: {  	[sflag:s23] =	ssyncset.done $0x0  }
0xa4: {  	[sflag:s23] =	ssyncadd.s32 $0xFFFFFFFF  }
0xa5: {  	s4 =	sld [smem:$0x0]  }
0xa6: {  	s5 =	sand.u32 $0xFFFFFFFE, s1  }
0xa7: {  	p0 =	sne.s32 s1, s5  }
0xa8: {  	s5 =	sshll.u32 @p0 s5, $0xE  }
0xa9: {  	s5 =	sadd.s32 @p0 $0x11B8D, s5;
	s6 =	sshll.u32 @p0 s4, $0x11  }
0xaa: {  	s5 =	sor.u32 @p0 s6, s5  }
0xab: {  	[sflag:s5] =	ssyncadd.remote.s32 @p0 $0x1;
	_ =	sdelay $0x1  }
0xac: {  	s5 =	simm.s32 @p0 $0x1B8D  }
0xad: {  	_ =	swait.eq @p0 [sflag:s5], $0x1  }
0xae: {  	[sflag:s5] =	ssyncadd.s32 @p0 $0xFFFFFFFF  }
0xaf: {  	s6 =	sshll.u32 @!p0 s1, $0xE  }
0xb0: {  	s6 =	sor.u32 @!p0 $0x4000, s6;
	s5 =	simm.s32 @!p0 $0x1B8D  }
0xb1: {  	s4 =	sshll.u32 @!p0 s4, $0x11;
	s6 =	sadd.s32 @!p0 $0x11B8D, s6;
	_ =	swait.eq @!p0 [sflag:s5], $0x1  }
0xb2: {  	s4 =	sor.u32 @!p0 s4, s6;
	[sflag:s5] =	ssyncadd.s32 @!p0 $0xFFFFFFFF  }
0xb3: {  	s25 =	simm.s32 $0x1B8E;
	s24 =	sld [smem:$0x3FFE];
	[sflag:s4] =	ssyncadd.remote.s32 @!p0 $0x1  }
0xb4: {  	s26 =	simm.s32 $execute0_lowered;
	[smem:$0x3FD2] =	sst s25  }
0xb5: {  	s5 =	sshll.u32 s26, $0x1;
	_ =	strace $0x80000049;
	[dreg:$0x1] =	wrdreg $0xFFFFFFFF  }
0xb6: {  	s28 =	simm.s32 $_size_execute0_lowered;
	s3 =	sadd.s32 s3, s5;
	[dreg:$0x0] =	wrdreg $0x0  }
0xb7: {  	s5 =	sshll.u32 s28, $0x1;
	[dreg:$0x2] =	wrdreg s3  }
0xb8: {  	[dreg:$0x3] =	wrdreg s5  }
0xb9: {  	[dreg:$0x4] =	wrdreg $0xC0  }
0xba: {  	_ =	task [dreg:s22], $0x5FFFF  }
0xbb: {  	[dreg:$0x1] =	wrdreg $0xFFFFFFFF  }
0xbc: {  	[dreg:$0x0] =	wrdreg $0x60  }
0xbd: {  	[dreg:$0x2] =	wrdreg s24  }
0xbe: {  	[dreg:$0x3] =	wrdreg $0xB  }
0xbf: {  	_ =	task.clear_ibuf [dreg:s22], $0x4FFFF;
	_ =	strace $0x90000049  }
0xc0: {  	s29 =	simm.s32 $0xB;
	_ =	strace $0x8000004B  }
0xc1: {  	_ =	swait.ge [sflag:s29], $0x1  }
0xc2: {  	[sflag:s29] =	ssyncadd.s32 $0xFFFFFFFF  }
0xc3: {  	_ =	strace $0x9000004B  }
0xc4: {  	_ =	sfence  }
0xc5: {  	s30 =	sld [smem:$0x0];
	_ =	sdelay $0x2  }
0xc6: {  	s31 =	sshll.u32 s1, $0xD;
	s1 =	sshrl.u32 s1, $0x2  }
0xc7: {  	s4 =	sand.u32 $0x4000, s31;
	s1 =	sadd.s32 s1, s30  }
0xc8: {  	s0 =	sor.u32 s4, s0;
	s1 =	sshll.u32 s1, $0x11  }
0xc9: {  	s0 =	sor.u32 s1, s0  }
0xca: {  	s0 =	sadd.s32 $0x8F2B, s0  }
0xcb: {  	[sflag:s0] =	ssyncadd.remote.s32 $0x1  }
0xcc: {  	_ =	sfence.sel $0xFFFF  }
0xcd: {  	[dreg:$0x0] =	wrdreg $0xFFFFFFFF;
	(pc) =	sbr.abs _section_cstart, $3  }
0xce: {  	[dreg:$0x1] =	wrdreg $0xFFFFFFFF  }
0xcf: {  	_ =	task.clear_ibuf [dreg:s22], $0x2FFFF;
	_ =	strace $0x9FFFFFFF  }
0xd0: {  	(tm) =	ssettm $0x7FFFFFFF  }
0xd1: {  	_ =	shalt  }
tec
execute0_lowered:
.L_overlay_start_1:
0x0: {  	(tag) =	ssettag $0x1  }
0x1: {  	s0 =	rddreg [dreg:$0x0]  }
0x2: {  	s1 =	srdreg.scid;
	s3 =	stileid.u32  }
0x3: {  	s2 =	simm.s32 $0x0;
	s9 =	simm.s32 $0x2;
	s10 =	simm.s32 $0x100  }
0x4: {  	s31 =	simm.s32 $0x4500;
	s8 =	simm.s32 $0x5D00;
	s11 =	simm.s32 $0x6100  }
0x5: {  	s12 =	simm.s32 $0x6900;
	s13 =	simm.s32 $0x6D00;
	s14 =	simm.s32 $0x7500  }
0x6: {  	s15 =	simm.s32 $0x7900;
	s16 =	simm.s32 $0x8100;
	s17 =	simm.s32 $0x8500  }
0x7: {  	s20 =	simm.s32 $0x8D00;
	s21 =	simm.s32 $0x9100;
	s22 =	simm.s32 $0x9900  }
0x8: {  	s23 =	simm.s32 $0x9D00;
	s24 =	simm.s32 $0xA500;
	s25 =	simm.s32 $0xA900  }
0x9: {  	s26 =	simm.s32 $0xB100;
	s28 =	simm.s32 $0xB500;
	s29 =	simm.s32 $0xBD00  }
0xa: {  	s1 =	sand.u32 $0x1, s1;
	s3 =	sshll.u32 s3, $0x9;
	[smem:$0x7FF] =	sst s2  }
0xb: {  	s5 =	sadd.s32 $0x7F400, s0;
	s4 =	sshll.u32 s1, $0x8;
	s1 =	ssub.s32 $0x2, s1  }
0xc: {  	_ =	strace $0x8000004A;
	s3 =	sor.u32 s4, s3;
	s7 =	sshrl.u32 s1, $0x1  }
0xd: {  	s4 =	sshrl.u32 s3, $0x3;
	s1 =	ssub.s32 s1, s7;
	s7 =	sadd.s32 $0x71900, s0  }
0xe: {  	v2 =	vlaneseq.u32;
	s6 =	sadd.s32 s4, s0;
	s4 =	sadd.s32 $0x71800, s0;
	s30 =	smax.u32 s1, $0x1  }
0xf: {  	vm0 =	vmmov $0xffff;
	vm1 =	vmmov $0xff;
	v1 =	vshrl.u32 v2, $0x3;
	s0 =	simm.s32 $0x0;
	s6 =	sadd.s32 $0x7F000, s6;
	[dreg:$0x3] =	wrdreg s30  }
0x10: {  	v0 =	vand.u32 $0x7, v2;
	v2 =	vor.u32 $0x8, v2;
	v1 =	vmul.u32 $0x8, v1;
	s1 =	simm.s32 $0x5100;
	[dreg:$0x2] =	wrdreg s6;
	s6 =	simm.s32 $0x5500  }
.LBB2_1:
0x11: {  	[dreg:$0x4] =	wrdreg s0  }
0x12: {  	s18 =	rddreg [dreg:$0x2]  }
0x13: {  	[tilespmem:s2], [sflag:$0x2] =	stream.linear.gather [hbm4b:s18+s2], $0x100, $0x38;
	[tilespmem:$0xC100] =	vst v63  }
0x14: {  	_ =	swait.ge [sflag:s9], $0x100  }
0x15: {  	p0 =	por $0x1, $0x1;
	[sflag:s9] =	ssyncset.done $0x0  }
0x16: {  	s0 =	simm.s32 $0x4900;
	s18 =	simm.s32 $0x0;
	[sflag:s9] =	ssyncadd.s32 $0xFFFFFF00  }
.LBB2_2:
0x17: {  	s18 =	sshll.u32 s18, $0x7  }
0x18: {  	s19 =	sand.u32 $0x3FFFFF80, s18  }
0x19: {  	v3 =	vld [tilespmem:s19+$0x0];
	_ =	sdelay $0x4  }
0x1a: {  	v4 =	vshrl.u32 v3, $0x3  }
0x1b: {  	v4 =	vmul.u32 $0x18, v4  }
0x1c: {  	v3 =	vand.u32 $0x7, v3  }
0x1d: {  	v3 =	vor.u32 v3, v4  }
0x1e: {  	v4 =	vperm.xlane v3, v0;
	_ =	sdelay $0x1  }
0x1f: {  	v4 =	vadd.s32 v1, v4;
	_ =	sdelay $0x1  }
0x20: {  	v3 =	vperm.xlane v3, v2;
	_ =	sdelay $0x1  }
0x21: {  	v3 =	vadd.s32 v1, v3  }
0x22: {  	[tilespmem:s10], [sflag:$0x1] =	stream.indirect_vreg.gather [hbm4b:s4+s2], $0x80, v4, vm0, $0xb8;
	[tilespmem:$0xC100] =	vst v63  }
0x23: {  	s30 =	simm.s32 $0x900  }
0x24: {  	[tilespmem:s30], [sflag:$0x1] =	stream.indirect_vreg.gather [hbm4b:s7+s2], $0x80, v4, vm1, $0xb8;
	[tilespmem:$0xC100] =	vst v63  }
0x25: {  	s30 =	simm.s32 $0xD00  }
0x26: {  	[tilespmem:s30], [sflag:$0x1] =	stream.indirect_vreg.gather [hbm4b:s4+s2], $0x80, v3, vm0, $0xb8;
	[tilespmem:$0xC100] =	vst v63  }
0x27: {  	s30 =	simm.s32 $0x1500  }
0x28: {  	[tilespmem:s30], [sflag:$0x1] =	stream.indirect_vreg.gather [hbm4b:s7+s2], $0x80, v3, vm1, $0xb8;
	[tilespmem:$0xC100] =	vst v63  }
0x29: {  	v3 =	vld [tilespmem:s19+$0x10];
	_ =	sdelay $0x4  }
0x2a: {  	v57 =	vshrl.u32 v3, $0x3  }
0x2b: {  	v4 =	vmul.u32 $0x18, v57  }
0x2c: {  	v3 =	vand.u32 $0x7, v3  }
0x2d: {  	v3 =	vor.u32 v3, v4  }
0x2e: {  	v4 =	vperm.xlane v3, v0;
	_ =	sdelay $0x1  }
0x2f: {  	v4 =	vadd.s32 v1, v4;
	_ =	sdelay $0x1  }
0x30: {  	v3 =	vperm.xlane v3, v2;
	_ =	sdelay $0x1  }
0x31: {  	s30 =	simm.s32 $0x1900;
	v3 =	vadd.s32 v1, v3  }
0x32: {  	[tilespmem:s30], [sflag:$0x1] =	stream.indirect_vreg.gather [hbm4b:s4+s2], $0x80, v4, vm0, $0xb8;
	[tilespmem:$0xC100] =	vst v63  }
0x33: {  	s30 =	simm.s32 $0x2100  }
0x34: {  	[tilespmem:s30], [sflag:$0x1] =	stream.indirect_vreg.gather [hbm4b:s7+s2], $0x80, v4, vm1, $0xb8;
	[tilespmem:$0xC100] =	vst v63  }
0x35: {  	s30 =	simm.s32 $0x2500  }
0x36: {  	[tilespmem:s30], [sflag:$0x1] =	stream.indirect_vreg.gather [hbm4b:s4+s2], $0x80, v3, vm0, $0xb8;
	[tilespmem:$0xC100] =	vst v63  }
0x37: {  	s30 =	simm.s32 $0x2D00  }
0x38: {  	[tilespmem:s30], [sflag:$0x1] =	stream.indirect_vreg.gather [hbm4b:s7+s2], $0x80, v3, vm1, $0xb8;
	[tilespmem:$0xC100] =	vst v63  }
0x39: {  	v3 =	vld [tilespmem:s19+$0x20];
	_ =	sdelay $0x4  }
0x3a: {  	v58 =	vshrl.u32 v3, $0x3  }
0x3b: {  	v4 =	vmul.u32 $0x18, v58  }
0x3c: {  	v3 =	vand.u32 $0x7, v3  }
0x3d: {  	v3 =	vor.u32 v3, v4  }
0x3e: {  	v4 =	vperm.xlane v3, v0;
	_ =	sdelay $0x1  }
0x3f: {  	v4 =	vadd.s32 v1, v4;
	_ =	sdelay $0x1  }
0x40: {  	v3 =	vperm.xlane v3, v2;
	_ =	sdelay $0x1  }
0x41: {  	s30 =	simm.s32 $0x3100;
	v3 =	vadd.s32 v1, v3  }
0x42: {  	[tilespmem:s30], [sflag:$0x1] =	stream.indirect_vreg.gather [hbm4b:s4+s2], $0x80, v4, vm0, $0xb8;
	[tilespmem:$0xC100] =	vst v63  }
0x43: {  	s30 =	simm.s32 $0x3900  }
0x44: {  	[tilespmem:s30], [sflag:$0x1] =	stream.indirect_vreg.gather [hbm4b:s7+s2], $0x80, v4, vm1, $0xb8;
	[tilespmem:$0xC100] =	vst v63  }
0x45: {  	s30 =	simm.s32 $0x3D00  }
0x46: {  	[tilespmem:s30], [sflag:$0x1] =	stream.indirect_vreg.gather [hbm4b:s4+s2], $0x80, v3, vm0, $0xb8;
	[tilespmem:$0xC100] =	vst v63  }
0x47: {  	_ = 	snop  }
0x48: {  	[tilespmem:s31], [sflag:$0x1] =	stream.indirect_vreg.gather [hbm4b:s7+s2], $0x80, v3, vm1, $0xb8;
	[tilespmem:$0xC100] =	vst v63  }
0x49: {  	v3 =	vld [tilespmem:s19+$0x30];
	_ =	sdelay $0x4  }
0x4a: {  	v59 =	vshrl.u32 v3, $0x3  }
0x4b: {  	v4 =	vmul.u32 $0x18, v59  }
0x4c: {  	v3 =	vand.u32 $0x7, v3  }
0x4d: {  	v3 =	vor.u32 v3, v4  }
0x4e: {  	v4 =	vperm.xlane v3, v0;
	_ =	sdelay $0x1  }
0x4f: {  	v4 =	vadd.s32 v1, v4;
	_ =	sdelay $0x1  }
0x50: {  	v3 =	vperm.xlane v3, v2;
	_ =	sdelay $0x1  }
0x51: {  	v3 =	vadd.s32 v1, v3  }
0x52: {  	[tilespmem:s0], [sflag:$0x1] =	stream.indirect_vreg.gather [hbm4b:s4+s2], $0x80, v4, vm0, $0xb8;
	[tilespmem:$0xC100] =	vst v63  }
0x53: {  	_ = 	snop  }
0x54: {  	[tilespmem:s1], [sflag:$0x1] =	stream.indirect_vreg.gather [hbm4b:s7+s2], $0x80, v4, vm1, $0xb8;
	[tilespmem:$0xC100] =	vst v63  }
0x55: {  	_ = 	snop  }
0x56: {  	[tilespmem:s6], [sflag:$0x1] =	stream.indirect_vreg.gather [hbm4b:s4+s2], $0x80, v3, vm0, $0xb8;
	[tilespmem:$0xC100] =	vst v63  }
0x57: {  	_ = 	snop  }
0x58: {  	[tilespmem:s8], [sflag:$0x1] =	stream.indirect_vreg.gather [hbm4b:s7+s2], $0x80, v3, vm1, $0xb8;
	[tilespmem:$0xC100] =	vst v63  }
0x59: {  	v3 =	vld [tilespmem:s19+$0x40];
	_ =	sdelay $0x4  }
0x5a: {  	v60 =	vshrl.u32 v3, $0x3  }
0x5b: {  	v4 =	vmul.u32 $0x18, v60  }
0x5c: {  	v3 =	vand.u32 $0x7, v3  }
0x5d: {  	v3 =	vor.u32 v3, v4  }
0x5e: {  	v4 =	vperm.xlane v3, v0;
	_ =	sdelay $0x1  }
0x5f: {  	v4 =	vadd.s32 v1, v4;
	_ =	sdelay $0x1  }
0x60: {  	v3 =	vperm.xlane v3, v2;
	_ =	sdelay $0x1  }
0x61: {  	v3 =	vadd.s32 v1, v3  }
0x62: {  	[tilespmem:s11], [sflag:$0x1] =	stream.indirect_vreg.gather [hbm4b:s4+s2], $0x80, v4, vm0, $0xb8;
	[tilespmem:$0xC100] =	vst v63  }
0x63: {  	_ = 	snop  }
0x64: {  	[tilespmem:s12], [sflag:$0x1] =	stream.indirect_vreg.gather [hbm4b:s7+s2], $0x80, v4, vm1, $0xb8;
	[tilespmem:$0xC100] =	vst v63  }
0x65: {  	_ = 	snop  }
0x66: {  	[tilespmem:s13], [sflag:$0x1] =	stream.indirect_vreg.gather [hbm4b:s4+s2], $0x80, v3, vm0, $0xb8;
	[tilespmem:$0xC100] =	vst v63  }
0x67: {  	_ = 	snop  }
0x68: {  	[tilespmem:s14], [sflag:$0x1] =	stream.indirect_vreg.gather [hbm4b:s7+s2], $0x80, v3, vm1, $0xb8;
	[tilespmem:$0xC100] =	vst v63  }
0x69: {  	v3 =	vld [tilespmem:s19+$0x50];
	_ =	sdelay $0x4  }
0x6a: {  	v61 =	vshrl.u32 v3, $0x3  }
0x6b: {  	v4 =	vmul.u32 $0x18, v61  }
0x6c: {  	v3 =	vand.u32 $0x7, v3  }
0x6d: {  	v3 =	vor.u32 v3, v4  }
0x6e: {  	v4 =	vperm.xlane v3, v0;
	_ =	sdelay $0x1  }
0x6f: {  	v4 =	vadd.s32 v1, v4;
	_ =	sdelay $0x1  }
0x70: {  	v3 =	vperm.xlane v3, v2;
	_ =	sdelay $0x1  }
0x71: {  	v3 =	vadd.s32 v1, v3  }
0x72: {  	[tilespmem:s15], [sflag:$0x1] =	stream.indirect_vreg.gather [hbm4b:s4+s2], $0x80, v4, vm0, $0xb8;
	[tilespmem:$0xC100] =	vst v63  }
0x73: {  	_ = 	snop  }
0x74: {  	[tilespmem:s16], [sflag:$0x1] =	stream.indirect_vreg.gather [hbm4b:s7+s2], $0x80, v4, vm1, $0xb8;
	[tilespmem:$0xC100] =	vst v63  }
0x75: {  	_ = 	snop  }
0x76: {  	[tilespmem:s17], [sflag:$0x1] =	stream.indirect_vreg.gather [hbm4b:s4+s2], $0x80, v3, vm0, $0xb8;
	[tilespmem:$0xC100] =	vst v63  }
0x77: {  	_ = 	snop  }
0x78: {  	[tilespmem:s20], [sflag:$0x1] =	stream.indirect_vreg.gather [hbm4b:s7+s2], $0x80, v3, vm1, $0xb8;
	[tilespmem:$0xC100] =	vst v63  }
0x79: {  	v3 =	vld [tilespmem:s19+$0x60];
	_ =	sdelay $0x4  }
0x7a: {  	v62 =	vshrl.u32 v3, $0x3  }
0x7b: {  	v4 =	vmul.u32 $0x18, v62  }
0x7c: {  	v3 =	vand.u32 $0x7, v3  }
0x7d: {  	v3 =	vor.u32 v3, v4  }
0x7e: {  	v4 =	vperm.xlane v3, v0;
	_ =	sdelay $0x1  }
0x7f: {  	v4 =	vadd.s32 v1, v4;
	_ =	sdelay $0x1  }
0x80: {  	v3 =	vperm.xlane v3, v2;
	_ =	sdelay $0x1  }
0x81: {  	v3 =	vadd.s32 v1, v3  }
0x82: {  	[tilespmem:s21], [sflag:$0x1] =	stream.indirect_vreg.gather [hbm4b:s4+s2], $0x80, v4, vm0, $0xb8;
	[tilespmem:$0xC100] =	vst v63  }
0x83: {  	_ = 	snop  }
0x84: {  	[tilespmem:s22], [sflag:$0x1] =	stream.indirect_vreg.gather [hbm4b:s7+s2], $0x80, v4, vm1, $0xb8;
	[tilespmem:$0xC100] =	vst v63  }
0x85: {  	_ = 	snop  }
0x86: {  	[tilespmem:s23], [sflag:$0x1] =	stream.indirect_vreg.gather [hbm4b:s4+s2], $0x80, v3, vm0, $0xb8;
	[tilespmem:$0xC100] =	vst v63  }
0x87: {  	_ = 	snop  }
0x88: {  	[tilespmem:s24], [sflag:$0x1] =	stream.indirect_vreg.gather [hbm4b:s7+s2], $0x80, v3, vm1, $0xb8;
	[tilespmem:$0xC100] =	vst v63  }
0x89: {  	v3 =	vld [tilespmem:s19+$0x70];
	_ =	sdelay $0x4  }
0x8a: {  	v63 =	vshrl.u32 v3, $0x3  }
0x8b: {  	v4 =	vmul.u32 $0x18, v63  }
0x8c: {  	v3 =	vand.u32 $0x7, v3  }
0x8d: {  	v3 =	vor.u32 v3, v4  }
0x8e: {  	v4 =	vperm.xlane v3, v0;
	_ =	sdelay $0x1  }
0x8f: {  	v4 =	vadd.s32 v1, v4;
	_ =	sdelay $0x1  }
0x90: {  	v3 =	vperm.xlane v3, v2;
	_ =	sdelay $0x1  }
0x91: {  	v3 =	vadd.s32 v1, v3  }
0x92: {  	[tilespmem:s25], [sflag:$0x1] =	stream.indirect_vreg.gather [hbm4b:s4+s2], $0x80, v4, vm0, $0xb8;
	[tilespmem:$0xC100] =	vst v63  }
0x93: {  	_ = 	snop  }
0x94: {  	[tilespmem:s26], [sflag:$0x1] =	stream.indirect_vreg.gather [hbm4b:s7+s2], $0x80, v4, vm1, $0xb8;
	[tilespmem:$0xC100] =	vst v63  }
0x95: {  	s30 =	sor.u32 s3, s18  }
0x96: {  	[tilespmem:s28], [sflag:$0x1] =	stream.indirect_vreg.gather [hbm4b:s4+s2], $0x80, v3, vm0, $0xb8;
	[tilespmem:$0xC100] =	vst v63  }
0x97: {  	s18 =	simm.s32 $0x1;
	s19 =	sshrl.u32 s30, $0x3  }
0x98: {  	[tilespmem:s29], [sflag:$0x1] =	stream.indirect_vreg.gather [hbm4b:s7+s2], $0x80, v3, vm1, $0xb8;
	[tilespmem:$0xC100] =	vst v63  }
0x99: {  	s19 =	smul.u32 $0x180, s19;
	_ =	swait.ge [sflag:s18], $0xC000  }
0x9a: {  	p1 =	por p0, p0;
	[sflag:s18] =	ssyncset.done $0x0  }
.Ltmp0:
0x9b: {  	s19 =	sadd.s32 s5, s19;
	[sflag:s18] =	ssyncadd.s32 $0xFFFF4000;
	(pc) =	sbr.rel @p1 .LBB2_2-.Ltmp0, $4  }
0x9c: {  	[hbm4b:s19+s2] =	stream.linear.scatter [tilespmem:s10], [sflag:$0x2], $0xC000, $0x38;
	[tilespmem:$0xC100] =	vst v63  }
0x9d: {  	_ =	swait.ge [sflag:s9], $0xC000  }
0x9e: {  	[sflag:s9] =	ssyncset.done $0x0  }
0x9f: {  	p0 =	por $0x0, $0x0;
	[sflag:s9] =	ssyncadd.s32 $0xFFFF4000  }
0xa0: {  	s0 =	rddreg [dreg:$0x4]  }
0xa1: {  	s18 =	rddreg [dreg:$0x3];
	s0 =	sadd.s32 $0x1, s0  }
0xa2: {  	p0 =	sne.s32 s0, s18  }
.Ltmp1:
0xa3: {  	_ = 	snop;
	(pc) =	sbr.rel @p0 .LBB2_1-.Ltmp1, $1  }
0xa4: {  	_ =	sdelay $0x3  }
0xa5: {  	_ =	sfence.sel $0x180000  }
0xa6: {  	[bflag:$0x0] =	sbarrier.arrive $0xFFFF  }
0xa7: {  	_ =	strace $0x9000004A  }
0xa8: {  	s0 =	stileid.u32;
	[bflag:$0x2] =	sbarrier.arrive $0xFFFF  }
0xa9: {  	p0 =	sne.s32 s0, $0x0;
	s0 =	rddreg [dreg:$0x1]  }
0xaa: {  	s0 =	sadd.s32 @!p0 $0x100000, s0  }
0xab: {  	[sflag:s0] =	ssyncadd.tile.s32 @!p0 $0x1;
	_ =	shalt  }
.Lfunc_end2:
_tile_overlayer_lowered:
.L_overlay_start_2:
0xac: {  	(tag) =	ssettag $0x2  }
0xad: {  	s0 =	rddreg [dreg:$0x0];
	s2 =	stileid.u32  }
0xae: {  	s1 =	rddreg [dreg:$0x1];
	p0 =	sne.s32 s2, $0x0  }
0xaf: {  	s3 =	rddreg [dreg:$0x2];
	[bflag:$0x3] =	sbarrier.arrive $0xFFFF;
	s2 =	simm.s32 @!p0 $0x1C02  }
0xb0: {  	[timem:s3], [sflag:s2] =	dma.local @!p0 [hbm:s0], s1  }
0xb1: {  	s0 =	simm.s32 @!p0 $0x2  }
0xb2: {  	_ =	swait.ge @!p0 [sflag:s0], s1  }
0xb3: {  	s1 =	ssub.s32 @!p0 $0x0, s1;
	[sflag:s0] =	ssyncset.done @!p0 $0x0  }
0xb4: {  	[sflag:s0] =	ssyncadd.s32 @!p0 s1  }
0xb5: {  	[bflag:$0x3] =	sbarrier.arrive $0xFFFF  }
0xb6: {  	_ =	shalt  }

// kernel: kernel.23.cloned.1.call-start
scs
__scs_entry_jumppad:
0x0: {  	(pc) =	sbr.rel $0x88, $3  }
0x1: {  	(tag) =	ssettag $0x0;
	lr =	simm.s32 $0x1  }
0x2: {  	[smem:$0x3F95] =	sst lr;
	_ =	strace $0xD0000000  }
0x3: {  	_ = 	snop  }
0x4: {  	_ = 	snop  }
0x5: {  	_ = 	snop  }
0x6: {  	_ = 	snop  }
0x7: {  	_ = 	snop  }
__scs_overlays_trampoline_lowered:
0x8: {  	[smem:$0x3FA4] =	sst s0  }
0x9: {  	[smem:$0x3FA5] =	sst s1  }
0xa: {  	[smem:$0x3FA6] =	sst s2  }
0xb: {  	[smem:$0x3FA7] =	sst s3  }
0xc: {  	[smem:$0x3FA8] =	sst s4  }
0xd: {  	[smem:$0x3FA9] =	sst s5  }
0xe: {  	[smem:$0x3FAA] =	sst s6  }
0xf: {  	[smem:$0x3FAB] =	sst s7  }
0x10: {  	[smem:$0x3FAC] =	sst s8  }
0x11: {  	[smem:$0x3FAD] =	sst s9;
	s0 =	simm.s32 @!p0 $0x0  }
0x12: {  	s1 =	sld [smem:$0x3F93];
	s0 =	simm.s32 @p0 $0x1  }
0x13: {  	[smem:$0x3FAE] =	sst s0;
	s0 =	simm.s32 @!p1 $0x0  }
0x14: {  	s2 =	sld [smem:$0x3F92];
	s0 =	simm.s32 @p1 $0x1  }
0x15: {  	[smem:$0x3FAF] =	sst s0;
	s0 =	simm.s32 @!p2 $0x0  }
0x16: {  	s3 =	sld [smem:$0x3FDB];
	s0 =	simm.s32 @p2 $0x1  }
0x17: {  	s4 =	simm.s32 $0x1BF5;
	[smem:$0x3FB1] =	sst s0  }
0x18: {  	s0 =	sld [smem:$0x3F94];
	_ =	swait.ge [sflag:s4], $0x0  }
0x19: {  	s7 =	sld [smem:$0x3F95]  }
0x1a: {  	s8 =	sadd.s32 $0xFFFFE003, lr  }
0x1b: {  	s9 =	sadd.s32 $0xFFFFFEF7, lr;
	s5 =	simm.s32 $0xFFFFFFFF;
	p2 =	slt.u32 s8, $0xFFFFF086  }
0x1c: {  	p1 =	slt.u32 s9, $0xF7A;
	s5 =	simm.s32 @!p2 $0x0  }
0x1d: {  	s5 =	simm.s32 @p1 $0x1;
	p0 =	seq.s32 s7, s2  }
0x1e: {  	s7 =	smul.u32 @!p0 $0xF7A, s2;
	p2 =	seq.s32 @!p0 s5, $0x0  }
0x1f: {  	s9 =	smul.u32 $0xF7A, s1;
	s8 =	simm.s32 @!p0 $0x1BF5;
	p2 =	por !p2, p0  }
0x20: {  	[sflag:s8] =	ssyncset.s32 @!p0 $0xFFFFF086;
	s6 =	sadd.s32 @!p0 s3, s7;
	s7 =	simm.s32 @!p0 $0x108  }
0x21: {  	s3 =	sadd.s32 s3, s9;
	s6 =	sadd.s32 @!p0 $0x88, s6;
	s7 =	simm.s32 @p2 $0x1082  }
0x22: {  	[simem:s7], [sflag:s8] =	dma.local @!p0 [hbm:s6], $0xF7A  }
0x23: {  	s9 =	sor.u32 $0xD0000000, s2;
	s6 =	simm.s32 $0x108;
	_ =	swait.ge @!p0 [sflag:s8], $0x0  }
0x24: {  	s3 =	sadd.s32 $0x88, s3;
	s6 =	simm.s32 @!p1 $0x1082;
	[sflag:s4] =	ssyncset.s32 $0xFFFFF086  }
0x25: {  	[simem:s6], [sflag:s4] =	dma.local [hbm:s3], $0xF7A  }
0x26: {  	[smem:$0x3F95] =	sst s1;
	(tag) =	ssettag s2;
	_ =	strace s9  }
0x27: {  	s1 =	sld [smem:$0x3FA5]  }
0x28: {  	s2 =	sld [smem:$0x3FA6]  }
0x29: {  	s4 =	sld [smem:$0x3FA8]  }
0x2a: {  	p0 =	seq.s32 s5, $0x0;
	s5 =	sld [smem:$0x3FA9]  }
0x2b: {  	s6 =	sld [smem:$0x3FAA]  }
0x2c: {  	s7 =	sld [smem:$0x3FAB]  }
0x2d: {  	s3 =	simm.s32 $0x108;
	s8 =	sld [smem:$0x3FAC]  }
0x2e: {  	s3 =	simm.s32 @!p0 $0x1082;
	s9 =	sld [smem:$0x3FAD]  }
0x2f: {  	lr =	sadd.s32 s0, s3;
	s0 =	sld [smem:$0x3FA4]  }
0x30: {  	s3 =	sld [smem:$0x3FA7]  }
0x31: {  	[smem:$0x3FB0] =	sst s10  }
0x32: {  	s10 =	sld [smem:$0x3FAE];
	_ =	sdelay $0x3  }
0x33: {  	p0 =	seq.s32 s10, $0x1;
	s10 =	sld [smem:$0x3FB0];
	_ =	sdelay $0x3  }
0x34: {  	[smem:$0x3FB0] =	sst s10  }
0x35: {  	s10 =	sld [smem:$0x3FAF];
	_ =	sdelay $0x3  }
0x36: {  	p1 =	seq.s32 s10, $0x1;
	s10 =	sld [smem:$0x3FB0];
	_ =	sdelay $0x3  }
0x37: {  	[smem:$0x3FB0] =	sst s10  }
0x38: {  	s10 =	sld [smem:$0x3FB1]  }
0x39: {  	_ = 	snop;
	(pc) =	sbr.ind lr, $3  }
0x3a: {  	_ = 	snop  }
0x3b: {  	_ = 	snop  }
0x3c: {  	p2 =	seq.s32 s10, $0x1;
	s10 =	sld [smem:$0x3FB0]  }
0x3d: {  	_ =	shalt  }
0x3e: {  	_ =	shalt  }
0x3f: {  	_ =	shalt  }
0x40: {  	_ =	shalt  }
0x41: {  	_ =	shalt  }
0x42: {  	_ =	shalt  }
0x43: {  	_ =	shalt  }
0x44: {  	_ =	shalt  }
0x45: {  	_ =	shalt  }
0x46: {  	_ =	shalt  }
0x47: {  	_ =	shalt  }
0x48: {  	_ =	shalt  }
0x49: {  	_ =	shalt  }
0x4a: {  	_ =	shalt  }
0x4b: {  	_ =	shalt  }
0x4c: {  	_ =	shalt  }
0x4d: {  	_ =	shalt  }
0x4e: {  	_ =	shalt  }
0x4f: {  	_ =	shalt  }
0x50: {  	_ =	shalt  }
0x51: {  	_ =	shalt  }
0x52: {  	_ =	shalt  }
0x53: {  	_ =	shalt  }
0x54: {  	_ =	shalt  }
0x55: {  	_ =	shalt  }
0x56: {  	_ =	shalt  }
0x57: {  	_ =	shalt  }
0x58: {  	_ =	shalt  }
0x59: {  	_ =	shalt  }
0x5a: {  	_ =	shalt  }
0x5b: {  	_ =	shalt  }
0x5c: {  	_ =	shalt  }
0x5d: {  	_ =	shalt  }
0x5e: {  	_ =	shalt  }
0x5f: {  	_ =	shalt  }
0x60: {  	_ =	shalt  }
0x61: {  	_ =	shalt  }
0x62: {  	_ =	shalt  }
0x63: {  	_ =	shalt  }
0x64: {  	_ =	shalt  }
0x65: {  	_ =	shalt  }
0x66: {  	_ =	shalt  }
0x67: {  	_ =	shalt  }
0x68: {  	_ =	shalt  }
0x69: {  	_ =	shalt  }
0x6a: {  	_ =	shalt  }
0x6b: {  	_ =	shalt  }
0x6c: {  	_ =	shalt  }
0x6d: {  	_ =	shalt  }
0x6e: {  	_ =	shalt  }
0x6f: {  	_ =	shalt  }
0x70: {  	_ =	shalt  }
0x71: {  	_ =	shalt  }
0x72: {  	_ =	shalt  }
0x73: {  	_ =	shalt  }
0x74: {  	_ =	shalt  }
0x75: {  	_ =	shalt  }
0x76: {  	_ =	shalt  }
0x77: {  	_ =	shalt  }
0x78: {  	_ =	shalt  }
0x79: {  	_ =	shalt  }
0x7a: {  	_ =	shalt  }
0x7b: {  	_ =	shalt  }
0x7c: {  	_ =	shalt  }
0x7d: {  	_ =	shalt  }
0x7e: {  	_ =	shalt  }
0x7f: {  	_ =	shalt  }
0x80: {  	_ =	shalt  }
0x81: {  	_ =	shalt  }
0x82: {  	_ =	shalt  }
0x83: {  	_ =	shalt  }
0x84: {  	_ =	shalt  }
0x85: {  	_ =	shalt  }
0x86: {  	_ =	shalt  }
0x87: {  	_ =	shalt  }
.Lfunc_end0:
.L_simem_size_0:
called_computation.3_lowered:
.L_overlay_start_0:
0x88: {  	s2 =	sld [smem:$0x3FD9]  }
0x89: {  	s3 =	sld [smem:$0x3FFE];
	_ =	sdelay $0x1  }
0x8a: {  	s1 =	srdreg.scid  }
0x8b: {  	s0 =	sand.u32 $0x1, s1  }
0x8c: {  	s17 =	sshll.u32 s0, $0xA;
	s2 =	sadd.s32 s3, s2  }
0x8d: {  	s2 =	sadd.s32 s2, s17  }
0x8e: {  	[smem:$0x3FBC] =	sst s2  }
0x8f: {  	_ = 	snop  }
0x90: {  	s18 =	sld [smem:$0x3FD0];
	(tm) =	ssettm $0x1  }
0x91: {  	s19 =	sld [smem:$0x3FFB];
	_ =	sdelay $0x3  }
0x92: {  	_ =	strace s19  }
0x93: {  	s2 =	sld [smem:$0x3FFC];
	_ =	sdelay $0x3  }
0x94: {  	_ =	strace s2  }
0x95: {  	s2 =	sld [smem:$0x3FFD];
	_ =	sdelay $0x3  }
0x96: {  	_ =	strace s2  }
0x97: {  	_ =	strace $0x8FFFFFFF  }
0x98: {  	s20 =	sld [smem:$0x3FDB];
	_ =	sdelay $0x1  }
0x99: {  	s4 =	simm.s32 $_scs_section_size  }
0x9a: {  	s5 =	simm.s32 $_size__tile_overlayer_lowered;
	s6 =	simm.s32 $_tile_overlayer_lowered  }
0x9b: {  	s7 =	simm.s32 $0x1BFF;
	s21 =	sshll.u32 s6, $0x1;
	s4 =	sadd.s32 s4, s20  }
0x9c: {  	s22 =	simm.s32 $0x0;
	s5 =	sshll.u32 s5, $0x1;
	s6 =	sadd.s32 s21, s4  }
0x9d: {  	[timem:s22], [sflag:s7] =	dma.local [hbm:s6], s5  }
0x9e: {  	_ =	swait.ge [sflag:s7], s5  }
0x9f: {  	s5 =	ssub.s32 $0x0, s5;
	[sflag:s7] =	ssyncset.done $0x0  }
0xa0: {  	[sflag:s7] =	ssyncadd.s32 s5;
	_ =	sdelay $0x1  }
0xa1: {  	s23 =	simm.s32 $0x1B8B  }
0xa2: {  	_ =	swait.ge [sflag:s23], $0x1  }
0xa3: {  	[sflag:s23] =	ssyncset.done $0x0  }
0xa4: {  	[sflag:s23] =	ssyncadd.s32 $0xFFFFFFFF  }
0xa5: {  	s5 =	sld [smem:$0x0]  }
0xa6: {  	s6 =	sand.u32 $0xFFFFFFFE, s1  }
0xa7: {  	p0 =	sne.s32 s1, s6  }
0xa8: {  	s6 =	sshll.u32 @p0 s6, $0xE  }
0xa9: {  	s6 =	sadd.s32 @p0 $0x11B8D, s6;
	s7 =	sshll.u32 @p0 s5, $0x11  }
0xaa: {  	s6 =	sor.u32 @p0 s7, s6  }
0xab: {  	[sflag:s6] =	ssyncadd.remote.s32 @p0 $0x1;
	_ =	sdelay $0x1  }
0xac: {  	s6 =	simm.s32 @p0 $0x1B8D  }
0xad: {  	_ =	swait.eq @p0 [sflag:s6], $0x1  }
0xae: {  	[sflag:s6] =	ssyncadd.s32 @p0 $0xFFFFFFFF  }
0xaf: {  	s7 =	sshll.u32 @!p0 s1, $0xE  }
0xb0: {  	s7 =	sor.u32 @!p0 $0x4000, s7;
	s6 =	simm.s32 @!p0 $0x1B8D  }
0xb1: {  	s5 =	sshll.u32 @!p0 s5, $0x11;
	s7 =	sadd.s32 @!p0 $0x11B8D, s7;
	_ =	swait.eq @!p0 [sflag:s6], $0x1  }
0xb2: {  	s5 =	sor.u32 @!p0 s5, s7;
	[sflag:s6] =	ssyncadd.s32 @!p0 $0xFFFFFFFF  }
0xb3: {  	s25 =	simm.s32 $0x1B8E;
	s24 =	sld [smem:$0x3FFE];
	[sflag:s5] =	ssyncadd.remote.s32 @!p0 $0x1  }
0xb4: {  	s26 =	simm.s32 $execute0_lowered;
	[smem:$0x3FD2] =	sst s25  }
0xb5: {  	s6 =	sshll.u32 s26, $0x1;
	_ =	strace $0x8000004C;
	[dreg:$0x1] =	wrdreg $0xFFFFFFFF  }
0xb6: {  	s28 =	simm.s32 $_size_execute0_lowered;
	s4 =	sadd.s32 s4, s6;
	[dreg:$0x0] =	wrdreg $0x0  }
0xb7: {  	s6 =	sshll.u32 s28, $0x1;
	[dreg:$0x2] =	wrdreg s4  }
0xb8: {  	[dreg:$0x3] =	wrdreg s6  }
0xb9: {  	[dreg:$0x4] =	wrdreg $0xC0  }
0xba: {  	_ =	task [dreg:s22], $0x5FFFF  }
0xbb: {  	[dreg:$0x1] =	wrdreg $0xFFFFFFFF  }
0xbc: {  	[dreg:$0x0] =	wrdreg $0x60  }
0xbd: {  	[dreg:$0x2] =	wrdreg s18  }
0xbe: {  	[dreg:$0x3] =	wrdreg s24  }
0xbf: {  	[dreg:$0x4] =	wrdreg $0xC  }
0xc0: {  	_ =	task.clear_ibuf [dreg:s22], $0x5FFFF;
	_ =	strace $0x9000004C  }
0xc1: {  	s29 =	simm.s32 $0xC;
	_ =	strace $0x8000004E  }
0xc2: {  	_ =	swait.ge [sflag:s29], $0x1  }
0xc3: {  	[sflag:s29] =	ssyncadd.s32 $0xFFFFFFFF  }
0xc4: {  	_ =	strace $0x9000004E  }
0xc5: {  	_ =	sfence  }
0xc6: {  	s30 =	sld [smem:$0x0];
	_ =	sdelay $0x2  }
0xc7: {  	s31 =	sshll.u32 s1, $0xD;
	s1 =	sshrl.u32 s1, $0x2  }
0xc8: {  	s4 =	sand.u32 $0x4000, s31;
	s1 =	sadd.s32 s1, s30  }
0xc9: {  	s0 =	sor.u32 s4, s0;
	s1 =	sshll.u32 s1, $0x11  }
0xca: {  	s0 =	sor.u32 s1, s0  }
0xcb: {  	s0 =	sadd.s32 $0x8F2B, s0  }
0xcc: {  	[sflag:s0] =	ssyncadd.remote.s32 $0x1  }
0xcd: {  	_ =	sfence.sel $0xFFFF  }
0xce: {  	[dreg:$0x0] =	wrdreg $0xFFFFFFFF;
	(pc) =	sbr.abs _section_cstart, $3  }
0xcf: {  	[dreg:$0x1] =	wrdreg $0xFFFFFFFF  }
0xd0: {  	_ =	task.clear_ibuf [dreg:s22], $0x2FFFF;
	_ =	strace $0x9FFFFFFF  }
0xd1: {  	(tm) =	ssettm $0x7FFFFFFF  }
tec
execute0_lowered:
.L_overlay_start_1:
0x0: {  	(tag) =	ssettag $0x1  }
0x1: {  	s0 =	rddreg [dreg:$0x0]  }
0x2: {  	s1 =	rddreg [dreg:$0x1];
	s3 =	srdreg.scid  }
0x3: {  	s2 =	simm.s32 $0x0;
	s4 =	stileid.u32;
	s9 =	simm.s32 $0x2  }
0x4: {  	s10 =	simm.s32 $0x100;
	s31 =	simm.s32 $0x4500;
	s11 =	simm.s32 $0x6100  }
0x5: {  	s12 =	simm.s32 $0x6900;
	s13 =	simm.s32 $0x6D00;
	s14 =	simm.s32 $0x7500  }
0x6: {  	s15 =	simm.s32 $0x7900;
	s16 =	simm.s32 $0x8100;
	s17 =	simm.s32 $0x8500  }
0x7: {  	s20 =	simm.s32 $0x8D00;
	s21 =	simm.s32 $0x9100;
	s22 =	simm.s32 $0x9900  }
0x8: {  	s23 =	simm.s32 $0x9D00;
	s24 =	simm.s32 $0xA500;
	s25 =	simm.s32 $0xA900  }
0x9: {  	s26 =	simm.s32 $0xB100;
	s28 =	simm.s32 $0xB500;
	s29 =	simm.s32 $0xBD00  }
0xa: {  	s3 =	sand.u32 $0x1, s3;
	[smem:$0x7FF] =	sst s2;
	s4 =	sshll.u32 s4, $0x9  }
0xb: {  	s5 =	sshll.u32 s3, $0x8;
	_ =	strace $0x8000004D;
	s6 =	ssub.s32 $0x2, s3  }
0xc: {  	s3 =	sor.u32 s5, s4;
	s4 =	sadd.s32 $0xDF400, s1;
	s7 =	sshrl.u32 s6, $0x1  }
0xd: {  	s5 =	sadd.s32 $0xECC00, s1;
	s8 =	sshrl.u32 s3, $0x3;
	s6 =	ssub.s32 s6, s7  }
0xe: {  	v2 =	vlaneseq.u32;
	s7 =	sadd.s32 $0xDF500, s1;
	s1 =	simm.s32 $0x5100;
	s0 =	sadd.s32 s0, s8  }
0xf: {  	vm0 =	vmmov $0xffff;
	vm1 =	vmmov $0xff;
	v1 =	vshrl.u32 v2, $0x3;
	s30 =	smax.u32 s6, $0x1;
	s6 =	simm.s32 $0x5500;
	[dreg:$0x3] =	wrdreg s0  }
0x10: {  	v0 =	vand.u32 $0x7, v2;
	v2 =	vor.u32 $0x8, v2;
	v1 =	vmul.u32 $0x8, v1;
	s8 =	simm.s32 $0x5D00;
	[dreg:$0x4] =	wrdreg s30;
	s0 =	simm.s32 $0x0  }
.LBB2_1:
0x11: {  	[dreg:$0x5] =	wrdreg s0  }
0x12: {  	s18 =	rddreg [dreg:$0x3]  }
0x13: {  	[tilespmem:s2], [sflag:$0x2] =	stream.linear.gather [hbm4b:s18+s2], $0x100, $0x38;
	[tilespmem:$0xC100] =	vst v63  }
0x14: {  	_ =	swait.ge [sflag:s9], $0x100  }
0x15: {  	p0 =	por $0x1, $0x1;
	[sflag:s9] =	ssyncset.done $0x0  }
0x16: {  	s0 =	simm.s32 $0x4900;
	s18 =	simm.s32 $0x0;
	[sflag:s9] =	ssyncadd.s32 $0xFFFFFF00  }
.LBB2_2:
0x17: {  	s18 =	sshll.u32 s18, $0x7  }
0x18: {  	s19 =	sand.u32 $0x3FFFFF80, s18  }
0x19: {  	v3 =	vld [tilespmem:s19+$0x0];
	_ =	sdelay $0x4  }
0x1a: {  	v4 =	vshrl.u32 v3, $0x3  }
0x1b: {  	v4 =	vmul.u32 $0x18, v4  }
0x1c: {  	v3 =	vand.u32 $0x7, v3  }
0x1d: {  	v3 =	vor.u32 v3, v4  }
0x1e: {  	v4 =	vperm.xlane v3, v0;
	_ =	sdelay $0x1  }
0x1f: {  	v4 =	vadd.s32 v1, v4;
	_ =	sdelay $0x1  }
0x20: {  	v3 =	vperm.xlane v3, v2;
	_ =	sdelay $0x1  }
0x21: {  	v3 =	vadd.s32 v1, v3  }
0x22: {  	[tilespmem:s10], [sflag:$0x1] =	stream.indirect_vreg.gather [hbm4b:s4+s2], $0x80, v4, vm0, $0xb8;
	[tilespmem:$0xC100] =	vst v63  }
0x23: {  	s30 =	simm.s32 $0x900  }
0x24: {  	[tilespmem:s30], [sflag:$0x1] =	stream.indirect_vreg.gather [hbm4b:s7+s2], $0x80, v4, vm1, $0xb8;
	[tilespmem:$0xC100] =	vst v63  }
0x25: {  	s30 =	simm.s32 $0xD00  }
0x26: {  	[tilespmem:s30], [sflag:$0x1] =	stream.indirect_vreg.gather [hbm4b:s4+s2], $0x80, v3, vm0, $0xb8;
	[tilespmem:$0xC100] =	vst v63  }
0x27: {  	s30 =	simm.s32 $0x1500  }
0x28: {  	[tilespmem:s30], [sflag:$0x1] =	stream.indirect_vreg.gather [hbm4b:s7+s2], $0x80, v3, vm1, $0xb8;
	[tilespmem:$0xC100] =	vst v63  }
0x29: {  	v3 =	vld [tilespmem:s19+$0x10];
	_ =	sdelay $0x4  }
0x2a: {  	v57 =	vshrl.u32 v3, $0x3  }
0x2b: {  	v4 =	vmul.u32 $0x18, v57  }
0x2c: {  	v3 =	vand.u32 $0x7, v3  }
0x2d: {  	v3 =	vor.u32 v3, v4  }
0x2e: {  	v4 =	vperm.xlane v3, v0;
	_ =	sdelay $0x1  }
0x2f: {  	v4 =	vadd.s32 v1, v4;
	_ =	sdelay $0x1  }
0x30: {  	v3 =	vperm.xlane v3, v2;
	_ =	sdelay $0x1  }
0x31: {  	s30 =	simm.s32 $0x1900;
	v3 =	vadd.s32 v1, v3  }
0x32: {  	[tilespmem:s30], [sflag:$0x1] =	stream.indirect_vreg.gather [hbm4b:s4+s2], $0x80, v4, vm0, $0xb8;
	[tilespmem:$0xC100] =	vst v63  }
0x33: {  	s30 =	simm.s32 $0x2100  }
0x34: {  	[tilespmem:s30], [sflag:$0x1] =	stream.indirect_vreg.gather [hbm4b:s7+s2], $0x80, v4, vm1, $0xb8;
	[tilespmem:$0xC100] =	vst v63  }
0x35: {  	s30 =	simm.s32 $0x2500  }
0x36: {  	[tilespmem:s30], [sflag:$0x1] =	stream.indirect_vreg.gather [hbm4b:s4+s2], $0x80, v3, vm0, $0xb8;
	[tilespmem:$0xC100] =	vst v63  }
0x37: {  	s30 =	simm.s32 $0x2D00  }
0x38: {  	[tilespmem:s30], [sflag:$0x1] =	stream.indirect_vreg.gather [hbm4b:s7+s2], $0x80, v3, vm1, $0xb8;
	[tilespmem:$0xC100] =	vst v63  }
0x39: {  	v3 =	vld [tilespmem:s19+$0x20];
	_ =	sdelay $0x4  }
0x3a: {  	v58 =	vshrl.u32 v3, $0x3  }
0x3b: {  	v4 =	vmul.u32 $0x18, v58  }
0x3c: {  	v3 =	vand.u32 $0x7, v3  }
0x3d: {  	v3 =	vor.u32 v3, v4  }
0x3e: {  	v4 =	vperm.xlane v3, v0;
	_ =	sdelay $0x1  }
0x3f: {  	v4 =	vadd.s32 v1, v4;
	_ =	sdelay $0x1  }
0x40: {  	v3 =	vperm.xlane v3, v2;
	_ =	sdelay $0x1  }
0x41: {  	s30 =	simm.s32 $0x3100;
	v3 =	vadd.s32 v1, v3  }
0x42: {  	[tilespmem:s30], [sflag:$0x1] =	stream.indirect_vreg.gather [hbm4b:s4+s2], $0x80, v4, vm0, $0xb8;
	[tilespmem:$0xC100] =	vst v63  }
0x43: {  	s30 =	simm.s32 $0x3900  }
0x44: {  	[tilespmem:s30], [sflag:$0x1] =	stream.indirect_vreg.gather [hbm4b:s7+s2], $0x80, v4, vm1, $0xb8;
	[tilespmem:$0xC100] =	vst v63  }
0x45: {  	s30 =	simm.s32 $0x3D00  }
0x46: {  	[tilespmem:s30], [sflag:$0x1] =	stream.indirect_vreg.gather [hbm4b:s4+s2], $0x80, v3, vm0, $0xb8;
	[tilespmem:$0xC100] =	vst v63  }
0x47: {  	_ = 	snop  }
0x48: {  	[tilespmem:s31], [sflag:$0x1] =	stream.indirect_vreg.gather [hbm4b:s7+s2], $0x80, v3, vm1, $0xb8;
	[tilespmem:$0xC100] =	vst v63  }
0x49: {  	v3 =	vld [tilespmem:s19+$0x30];
	_ =	sdelay $0x4  }
0x4a: {  	v59 =	vshrl.u32 v3, $0x3  }
0x4b: {  	v4 =	vmul.u32 $0x18, v59  }
0x4c: {  	v3 =	vand.u32 $0x7, v3  }
0x4d: {  	v3 =	vor.u32 v3, v4  }
0x4e: {  	v4 =	vperm.xlane v3, v0;
	_ =	sdelay $0x1  }
0x4f: {  	v4 =	vadd.s32 v1, v4;
	_ =	sdelay $0x1  }
0x50: {  	v3 =	vperm.xlane v3, v2;
	_ =	sdelay $0x1  }
0x51: {  	v3 =	vadd.s32 v1, v3  }
0x52: {  	[tilespmem:s0], [sflag:$0x1] =	stream.indirect_vreg.gather [hbm4b:s4+s2], $0x80, v4, vm0, $0xb8;
	[tilespmem:$0xC100] =	vst v63  }
0x53: {  	_ = 	snop  }
0x54: {  	[tilespmem:s1], [sflag:$0x1] =	stream.indirect_vreg.gather [hbm4b:s7+s2], $0x80, v4, vm1, $0xb8;
	[tilespmem:$0xC100] =	vst v63  }
0x55: {  	_ = 	snop  }
0x56: {  	[tilespmem:s6], [sflag:$0x1] =	stream.indirect_vreg.gather [hbm4b:s4+s2], $0x80, v3, vm0, $0xb8;
	[tilespmem:$0xC100] =	vst v63  }
0x57: {  	_ = 	snop  }
0x58: {  	[tilespmem:s8], [sflag:$0x1] =	stream.indirect_vreg.gather [hbm4b:s7+s2], $0x80, v3, vm1, $0xb8;
	[tilespmem:$0xC100] =	vst v63  }
0x59: {  	v3 =	vld [tilespmem:s19+$0x40];
	_ =	sdelay $0x4  }
0x5a: {  	v60 =	vshrl.u32 v3, $0x3  }
0x5b: {  	v4 =	vmul.u32 $0x18, v60  }
0x5c: {  	v3 =	vand.u32 $0x7, v3  }
0x5d: {  	v3 =	vor.u32 v3, v4  }
0x5e: {  	v4 =	vperm.xlane v3, v0;
	_ =	sdelay $0x1  }
0x5f: {  	v4 =	vadd.s32 v1, v4;
	_ =	sdelay $0x1  }
0x60: {  	v3 =	vperm.xlane v3, v2;
	_ =	sdelay $0x1  }
0x61: {  	v3 =	vadd.s32 v1, v3  }
0x62: {  	[tilespmem:s11], [sflag:$0x1] =	stream.indirect_vreg.gather [hbm4b:s4+s2], $0x80, v4, vm0, $0xb8;
	[tilespmem:$0xC100] =	vst v63  }
0x63: {  	_ = 	snop  }
0x64: {  	[tilespmem:s12], [sflag:$0x1] =	stream.indirect_vreg.gather [hbm4b:s7+s2], $0x80, v4, vm1, $0xb8;
	[tilespmem:$0xC100] =	vst v63  }
0x65: {  	_ = 	snop  }
0x66: {  	[tilespmem:s13], [sflag:$0x1] =	stream.indirect_vreg.gather [hbm4b:s4+s2], $0x80, v3, vm0, $0xb8;
	[tilespmem:$0xC100] =	vst v63  }
0x67: {  	_ = 	snop  }
0x68: {  	[tilespmem:s14], [sflag:$0x1] =	stream.indirect_vreg.gather [hbm4b:s7+s2], $0x80, v3, vm1, $0xb8;
	[tilespmem:$0xC100] =	vst v63  }
0x69: {  	v3 =	vld [tilespmem:s19+$0x50];
	_ =	sdelay $0x4  }
0x6a: {  	v61 =	vshrl.u32 v3, $0x3  }
0x6b: {  	v4 =	vmul.u32 $0x18, v61  }
0x6c: {  	v3 =	vand.u32 $0x7, v3  }
0x6d: {  	v3 =	vor.u32 v3, v4  }
0x6e: {  	v4 =	vperm.xlane v3, v0;
	_ =	sdelay $0x1  }
0x6f: {  	v4 =	vadd.s32 v1, v4;
	_ =	sdelay $0x1  }
0x70: {  	v3 =	vperm.xlane v3, v2;
	_ =	sdelay $0x1  }
0x71: {  	v3 =	vadd.s32 v1, v3  }
0x72: {  	[tilespmem:s15], [sflag:$0x1] =	stream.indirect_vreg.gather [hbm4b:s4+s2], $0x80, v4, vm0, $0xb8;
	[tilespmem:$0xC100] =	vst v63  }
0x73: {  	_ = 	snop  }
0x74: {  	[tilespmem:s16], [sflag:$0x1] =	stream.indirect_vreg.gather [hbm4b:s7+s2], $0x80, v4, vm1, $0xb8;
	[tilespmem:$0xC100] =	vst v63  }
0x75: {  	_ = 	snop  }
0x76: {  	[tilespmem:s17], [sflag:$0x1] =	stream.indirect_vreg.gather [hbm4b:s4+s2], $0x80, v3, vm0, $0xb8;
	[tilespmem:$0xC100] =	vst v63  }
0x77: {  	_ = 	snop  }
0x78: {  	[tilespmem:s20], [sflag:$0x1] =	stream.indirect_vreg.gather [hbm4b:s7+s2], $0x80, v3, vm1, $0xb8;
	[tilespmem:$0xC100] =	vst v63  }
0x79: {  	v3 =	vld [tilespmem:s19+$0x60];
	_ =	sdelay $0x4  }
0x7a: {  	v62 =	vshrl.u32 v3, $0x3  }
0x7b: {  	v4 =	vmul.u32 $0x18, v62  }
0x7c: {  	v3 =	vand.u32 $0x7, v3  }
0x7d: {  	v3 =	vor.u32 v3, v4  }
0x7e: {  	v4 =	vperm.xlane v3, v0;
	_ =	sdelay $0x1  }
0x7f: {  	v4 =	vadd.s32 v1, v4;
	_ =	sdelay $0x1  }
0x80: {  	v3 =	vperm.xlane v3, v2;
	_ =	sdelay $0x1  }
0x81: {  	v3 =	vadd.s32 v1, v3  }
0x82: {  	[tilespmem:s21], [sflag:$0x1] =	stream.indirect_vreg.gather [hbm4b:s4+s2], $0x80, v4, vm0, $0xb8;
	[tilespmem:$0xC100] =	vst v63  }
0x83: {  	_ = 	snop  }
0x84: {  	[tilespmem:s22], [sflag:$0x1] =	stream.indirect_vreg.gather [hbm4b:s7+s2], $0x80, v4, vm1, $0xb8;
	[tilespmem:$0xC100] =	vst v63  }
0x85: {  	_ = 	snop  }
0x86: {  	[tilespmem:s23], [sflag:$0x1] =	stream.indirect_vreg.gather [hbm4b:s4+s2], $0x80, v3, vm0, $0xb8;
	[tilespmem:$0xC100] =	vst v63  }
0x87: {  	_ = 	snop  }
0x88: {  	[tilespmem:s24], [sflag:$0x1] =	stream.indirect_vreg.gather [hbm4b:s7+s2], $0x80, v3, vm1, $0xb8;
	[tilespmem:$0xC100] =	vst v63  }
0x89: {  	v3 =	vld [tilespmem:s19+$0x70];
	_ =	sdelay $0x4  }
0x8a: {  	v63 =	vshrl.u32 v3, $0x3  }
0x8b: {  	v4 =	vmul.u32 $0x18, v63  }
0x8c: {  	v3 =	vand.u32 $0x7, v3  }
0x8d: {  	v3 =	vor.u32 v3, v4  }
0x8e: {  	v4 =	vperm.xlane v3, v0;
	_ =	sdelay $0x1  }
0x8f: {  	v4 =	vadd.s32 v1, v4;
	_ =	sdelay $0x1  }
0x90: {  	v3 =	vperm.xlane v3, v2;
	_ =	sdelay $0x1  }
0x91: {  	v3 =	vadd.s32 v1, v3  }
0x92: {  	[tilespmem:s25], [sflag:$0x1] =	stream.indirect_vreg.gather [hbm4b:s4+s2], $0x80, v4, vm0, $0xb8;
	[tilespmem:$0xC100] =	vst v63  }
0x93: {  	_ = 	snop  }
0x94: {  	[tilespmem:s26], [sflag:$0x1] =	stream.indirect_vreg.gather [hbm4b:s7+s2], $0x80, v4, vm1, $0xb8;
	[tilespmem:$0xC100] =	vst v63  }
0x95: {  	s30 =	sor.u32 s3, s18  }
0x96: {  	[tilespmem:s28], [sflag:$0x1] =	stream.indirect_vreg.gather [hbm4b:s4+s2], $0x80, v3, vm0, $0xb8;
	[tilespmem:$0xC100] =	vst v63  }
0x97: {  	s18 =	simm.s32 $0x1;
	s19 =	sshrl.u32 s30, $0x3  }
0x98: {  	[tilespmem:s29], [sflag:$0x1] =	stream.indirect_vreg.gather [hbm4b:s7+s2], $0x80, v3, vm1, $0xb8;
	[tilespmem:$0xC100] =	vst v63  }
0x99: {  	s19 =	smul.u32 $0x180, s19;
	_ =	swait.ge [sflag:s18], $0xC000  }
0x9a: {  	p1 =	por p0, p0;
	[sflag:s18] =	ssyncset.done $0x0  }
.Ltmp0:
0x9b: {  	s19 =	sadd.s32 s5, s19;
	[sflag:s18] =	ssyncadd.s32 $0xFFFF4000;
	(pc) =	sbr.rel @p1 .LBB2_2-.Ltmp0, $4  }
0x9c: {  	[hbm4b:s19+s2] =	stream.linear.scatter [tilespmem:s10], [sflag:$0x2], $0xC000, $0x38;
	[tilespmem:$0xC100] =	vst v63  }
0x9d: {  	_ =	swait.ge [sflag:s9], $0xC000  }
0x9e: {  	[sflag:s9] =	ssyncset.done $0x0  }
0x9f: {  	p0 =	por $0x0, $0x0;
	[sflag:s9] =	ssyncadd.s32 $0xFFFF4000  }
0xa0: {  	s0 =	rddreg [dreg:$0x5]  }
0xa1: {  	s18 =	rddreg [dreg:$0x4];
	s0 =	sadd.s32 $0x1, s0  }
0xa2: {  	p0 =	sne.s32 s0, s18  }
.Ltmp1:
0xa3: {  	_ = 	snop;
	(pc) =	sbr.rel @p0 .LBB2_1-.Ltmp1, $1  }
0xa4: {  	_ =	sdelay $0x3  }
0xa5: {  	_ =	sfence.sel $0x180000  }
0xa6: {  	[bflag:$0x0] =	sbarrier.arrive $0xFFFF  }
0xa7: {  	_ =	strace $0x9000004D  }
0xa8: {  	s0 =	stileid.u32;
	[bflag:$0x2] =	sbarrier.arrive $0xFFFF  }
0xa9: {  	p0 =	sne.s32 s0, $0x0;
	s0 =	rddreg [dreg:$0x2]  }
0xaa: {  	s0 =	sadd.s32 @!p0 $0x100000, s0  }
0xab: {  	[sflag:s0] =	ssyncadd.tile.s32 @!p0 $0x1;
	_ =	shalt  }
.Lfunc_end2:
_tile_overlayer_lowered:
.L_overlay_start_2:
0xac: {  	(tag) =	ssettag $0x2  }
0xad: {  	s0 =	rddreg [dreg:$0x0];
	s2 =	stileid.u32  }
0xae: {  	s1 =	rddreg [dreg:$0x1];
	p0 =	sne.s32 s2, $0x0  }
0xaf: {  	s3 =	rddreg [dreg:$0x2];
	[bflag:$0x3] =	sbarrier.arrive $0xFFFF;
	s2 =	simm.s32 @!p0 $0x1C02  }
0xb0: {  	[timem:s3], [sflag:s2] =	dma.local @!p0 [hbm:s0], s1  }
0xb1: {  	s0 =	simm.s32 @!p0 $0x2  }
0xb2: {  	_ =	swait.ge @!p0 [sflag:s0], s1  }
0xb3: {  	s1 =	ssub.s32 @!p0 $0x0, s1;
	[sflag:s0] =	ssyncset.done @!p0 $0x0  }
0xb4: {  	[sflag:s0] =	ssyncadd.s32 @!p0 s1  }
0xb5: {  	[bflag:$0x3] =	sbarrier.arrive $0xFFFF  }
0xb6: {  	_ =	shalt  }

</sc_bundles>
